<compile_context>
chip_gen: v7x
topology: tpu7x:2x2x1
jax: 0.10.2.dev20260603
libtpu: 0.0.44.dev20260713+nightly
codegen_flags: <defaults>
</compile_context>

<pallas_src>
import functools

import jax
import jax.numpy as jnp
from jax import lax
from jax.experimental import pallas as pl
from jax.experimental.pallas import tpu as pltpu
from jax.experimental.pallas import tpu_sc as plsc

VOCAB = 100000
EMBED_DIM = 64
BATCH = 4096
HIST = 50

NUM_CORES = 2
NUM_SUBCORES = 16
NW = NUM_CORES * NUM_SUBCORES
B_PER_W = BATCH // NW
LANES = 16
J = EMBED_DIM // LANES
PADB = B_PER_W + 1


def _make_gather():
    mesh = plsc.VectorSubcoreMesh(core_axis_name="c", subcore_axis_name="s")

    @functools.partial(
        pl.kernel,
        mesh=mesh,
        out_type=jax.ShapeDtypeStruct((HIST, 8, NW, 8, B_PER_W), jnp.float32),
        scratch_types=[
            pltpu.VMEM((HIST, B_PER_W), jnp.int32),
            pltpu.VMEM((B_PER_W, EMBED_DIM), jnp.float32),
            pltpu.VMEM((B_PER_W, EMBED_DIM), jnp.float32),
            pltpu.VMEM((B_PER_W, EMBED_DIM), jnp.float32),
            pltpu.VMEM((B_PER_W, EMBED_DIM), jnp.float32),
            pltpu.VMEM((8, 8, PADB), jnp.float32),
            pltpu.VMEM((8, 8, PADB), jnp.float32),
            pltpu.SemaphoreType.DMA,
            pltpu.SemaphoreType.DMA,
            pltpu.SemaphoreType.DMA,
            pltpu.SemaphoreType.DMA,
            pltpu.SemaphoreType.DMA,
            pltpu.SemaphoreType.DMA,
        ],
        compiler_params=pltpu.CompilerParams(
            use_tc_tiling_on_sc=False, needs_layout_passes=False,
            disable_bounds_checks=True),
    )
    def gather_kernel(idx_hbm, table_hbm, out_hbm, idx_v, g0, g1, g2, g3,
                      t0, t1, sg0, sg1, sg2, sg3, sw0, sw1):
        wid = lax.axis_index("s") * NUM_CORES + lax.axis_index("c")
        bcol = wid * B_PER_W
        pltpu.sync_copy(idx_hbm.at[:, pl.ds(bcol, B_PER_W)], idx_v)

        iota = lax.iota(jnp.int32, LANES)
        e_hi = [(iota + LANES * j) >> 3 for j in range(J)]
        e_lo = [(iota + LANES * j) & 7 for j in range(J)]
        zeros = jnp.zeros((LANES,), jnp.int32)

        def fire_gather(h, buf, sg):
            pltpu.async_copy(table_hbm.at[idx_v.at[h]], buf, sg)

        def wait_gather(buf, sg):
            pltpu.make_async_copy(table_hbm.at[idx_v.at[0]], buf, sg).wait()

        def fire_write(h, tbuf, sw):
            pltpu.async_copy(tbuf.at[:, :, pl.ds(0, B_PER_W)],
                             out_hbm.at[h, :, wid], sw)

        def drain_write(tbuf, sw):
            pltpu.make_async_copy(tbuf.at[:, :, pl.ds(0, B_PER_W)],
                                  out_hbm.at[0, :, wid], sw).wait()

        def transpose(gbuf, tbuf):
            @plsc.parallel_loop(0, B_PER_W, step=1, unroll=8)
            def _(b):
                bvec = zeros + b
                for j in range(J):
                    v = gbuf[b, pl.ds(LANES * j, LANES)]
                    plsc.store_scatter(tbuf, [e_hi[j], e_lo[j], bvec], v)

        gb = [(g0, sg0), (g1, sg1), (g2, sg2), (g3, sg3)]
        tbufs = [(t0, sw0), (t1, sw1)]

        def step(i, h, p4, p2, always_drain):
            gbuf, sg = gb[p4]
            tbuf, sw = tbufs[p2]
            wait_gather(gbuf, sg)

            if always_drain:
                drain_write(tbuf, sw)
            else:
                @pl.when(i > 0)
                def _():
                    drain_write(tbuf, sw)

            transpose(gbuf, tbuf)

            @pl.when(h + 4 < HIST)
            def _():
                fire_gather(h + 4, gbuf, sg)

            fire_write(h, tbuf, sw)

        for k in range(4):
            fire_gather(k, *gb[k])

        def body(i, carry):
            for k in range(4):
                step(i, 4 * i + k, k, k % 2, k >= 2)
            return carry

        lax.fori_loop(0, (HIST - 2) // 4, body, 0)
        for h, p4, p2 in ((HIST - 2, 0, 0), (HIST - 1, 1, 1)):
            gbuf, sg = gb[p4]
            tbuf, sw = tbufs[p2]
            wait_gather(gbuf, sg)
            drain_write(tbuf, sw)
            transpose(gbuf, tbuf)
            fire_write(h, tbuf, sw)
        drain_write(t0, sw0)
        drain_write(t1, sw1)

    return gather_kernel


_gather = _make_gather()


def kernel(x, table):
    idx = x.T.astype(jnp.int32)
    out5 = _gather(idx, table)
    return out5.transpose(2, 4, 0, 1, 3).reshape(BATCH, HIST, EMBED_DIM)

# --- scband reference (transcript-rebuilt; emitter-appended) ---
"""Pipeline reference for scband-word-embedding-21801253994874 (READ-ONLY COPY).

The authoritative reference and input builder live on the scoring server;
editing this copy changes nothing except your own understanding.
"""

import jax, jax.numpy as jnp
import numpy as np

VOCAB = 100000
EMBED_DIM = 64
BATCH = 4096
HIST = 50

def setup_inputs(seed: int = 0) -> dict:
    key = jax.random.key(seed)
    k_idx, k_tab = jax.random.split(key)
    x = jax.random.randint(k_idx, (BATCH, HIST), 0, VOCAB, dtype=jnp.int64 if jax.config.jax_enable_x64 else jnp.int32)
    table = jax.random.normal(k_tab, (VOCAB, EMBED_DIM), dtype=jnp.float32)
    return {"x": x, "table": table}

def reference(x, table):
    # nn.Embedding forward: gather rows of the embedding table
    return jnp.take(table, x, axis=0)

if __name__ == "__main__":
    import jax
    _d = setup_inputs()
    print(jax.jit(kernel)(*tuple(_d.values())))

</pallas_src>

<mosaic_0001>
#map = affine_map<(d0, d1) -> (0, 0)>
#map1 = affine_map<(d0, d1) -> (0, 0, 0, 0, 0)>
module attributes {stable_mosaic.version = 14 : i64} {
  func.func @gather_kernel(%arg0: i32, %arg1: i32, %arg2: memref<50x4096xi32, #tpu.memory_space<hbm>>, %arg3: memref<100000x64xf32, #tpu.memory_space<hbm>>, %arg4: memref<50x8x32x8x128xf32, #tpu.memory_space<hbm>>, %arg5: memref<50x128xi32, #tpu.memory_space<vmem>>, %arg6: memref<128x64xf32, #tpu.memory_space<vmem>>, %arg7: memref<128x64xf32, #tpu.memory_space<vmem>>, %arg8: memref<128x64xf32, #tpu.memory_space<vmem>>, %arg9: memref<128x64xf32, #tpu.memory_space<vmem>>, %arg10: memref<8x8x129xf32, #tpu.memory_space<vmem>>, %arg11: memref<8x8x129xf32, #tpu.memory_space<vmem>>, %arg12: memref<!tpu.dma_semaphore, #tpu.memory_space<semaphore_mem>>, %arg13: memref<!tpu.dma_semaphore, #tpu.memory_space<semaphore_mem>>, %arg14: memref<!tpu.dma_semaphore, #tpu.memory_space<semaphore_mem>>, %arg15: memref<!tpu.dma_semaphore, #tpu.memory_space<semaphore_mem>>, %arg16: memref<!tpu.dma_semaphore, #tpu.memory_space<semaphore_mem>>, %arg17: memref<!tpu.dma_semaphore, #tpu.memory_space<semaphore_mem>>) attributes {dimension_semantics = [#tpu.dimension_semantics<core_parallel>, #tpu.dimension_semantics<subcore_parallel>], iteration_bounds = array<i64: 2, 16>, scalar_prefetch = 0 : i64, scratch_operands = 13 : i64, tpu.core_type = #tpu.core_type<sc_vector_subcore>, window_params = [{transform_indices = #map}, {transform_indices = #map}, {transform_indices = #map1}]} {
    %mul3A = arith.constant 2 : i32
    %mul3A_0 = arith.muli %arg1, %mul3A : i32
    %add3A = arith.addi %mul3A_0, %arg0 : i32
    %mul3A_1 = arith.constant 128 : i32
    %mul3A_2 = arith.muli %add3A, %mul3A_1 : i32
    "tpu.region"() ({
      %run_scoped3A = tpu.sem_alloc : memref<!tpu.dma_semaphore, #tpu.memory_space<semaphore_mem>>
      %dma_start3A_214 = arith.constant 0 : i32
      %dma_start3A_215 = tpu.memref_slice %arg2[%dma_start3A_214, %mul3A_2] : memref<50x4096xi32, #tpu.memory_space<hbm>> -> memref<50x128xi32, #tpu.memory_space<hbm>>
      %dma_start3A_216 = arith.constant 0 : i32
      %dma_start3A_217 = tpu.memref_slice %arg2[%dma_start3A_216, %mul3A_2] : memref<50x4096xi32, #tpu.memory_space<hbm>> -> memref<50x128xi32, #tpu.memory_space<hbm>>
      tpu.enqueue_dma source(%dma_start3A_217 : memref<50x128xi32, #tpu.memory_space<hbm>>) target(%arg5 : memref<50x128xi32, #tpu.memory_space<vmem>>) target_semaphore(%run_scoped3A : memref<!tpu.dma_semaphore, #tpu.memory_space<semaphore_mem>>)
      %dma_wait3A_218 = arith.constant 0 : i32
      %dma_wait3A_219 = tpu.memref_slice %arg2[%dma_wait3A_218, %mul3A_2] : memref<50x4096xi32, #tpu.memory_space<hbm>> -> memref<50x128xi32, #tpu.memory_space<hbm>>
      %dma_wait3A_220 = arith.constant 0 : i32
      %dma_wait3A_221 = tpu.memref_slice %arg2[%dma_wait3A_220, %mul3A_2] : memref<50x4096xi32, #tpu.memory_space<hbm>> -> memref<50x128xi32, #tpu.memory_space<hbm>>
      tpu.wait_dma2 semaphore(%run_scoped3A : memref<!tpu.dma_semaphore, #tpu.memory_space<semaphore_mem>>) src(%dma_wait3A_221 : memref<50x128xi32, #tpu.memory_space<hbm>>) dst(%arg5 : memref<50x128xi32, #tpu.memory_space<vmem>>)
      tpu.yield
    }) : () -> ()
    %iota3A = tpu.iota {dimensions = array<i32: 0>} : vector<16xi32>
    %add3A_3 = arith.constant 0 : i32
    %add3A_4 = vector.broadcast %add3A_3 : i32 to vector<16xi32>
    %add3A_5 = arith.addi %iota3A, %add3A_4 : vector<16xi32>
    %shift_right_arithmetic3A = arith.constant 3 : i32
    %shift_right_arithmetic3A_6 = vector.broadcast %shift_right_arithmetic3A : i32 to vector<16xi32>
    %shift_right_arithmetic3A_7 = arith.shrsi %add3A_5, %shift_right_arithmetic3A_6 : vector<16xi32>
    %add3A_8 = arith.constant 16 : i32
    %add3A_9 = vector.broadcast %add3A_8 : i32 to vector<16xi32>
    %add3A_10 = arith.addi %iota3A, %add3A_9 : vector<16xi32>
    %shift_right_arithmetic3A_11 = arith.constant 3 : i32
    %shift_right_arithmetic3A_12 = vector.broadcast %shift_right_arithmetic3A_11 : i32 to vector<16xi32>
    %shift_right_arithmetic3A_13 = arith.shrsi %add3A_10, %shift_right_arithmetic3A_12 : vector<16xi32>
    %add3A_14 = arith.constant 32 : i32
    %add3A_15 = vector.broadcast %add3A_14 : i32 to vector<16xi32>
    %add3A_16 = arith.addi %iota3A, %add3A_15 : vector<16xi32>
    %shift_right_arithmetic3A_17 = arith.constant 3 : i32
    %shift_right_arithmetic3A_18 = vector.broadcast %shift_right_arithmetic3A_17 : i32 to vector<16xi32>
    %shift_right_arithmetic3A_19 = arith.shrsi %add3A_16, %shift_right_arithmetic3A_18 : vector<16xi32>
    %add3A_20 = arith.constant 48 : i32
    %add3A_21 = vector.broadcast %add3A_20 : i32 to vector<16xi32>
    %add3A_22 = arith.addi %iota3A, %add3A_21 : vector<16xi32>
    %shift_right_arithmetic3A_23 = arith.constant 3 : i32
    %shift_right_arithmetic3A_24 = vector.broadcast %shift_right_arithmetic3A_23 : i32 to vector<16xi32>
    %shift_right_arithmetic3A_25 = arith.shrsi %add3A_22, %shift_right_arithmetic3A_24 : vector<16xi32>
    %add3A_26 = arith.constant 0 : i32
    %add3A_27 = vector.broadcast %add3A_26 : i32 to vector<16xi32>
    %add3A_28 = arith.addi %iota3A, %add3A_27 : vector<16xi32>
    %and3A = arith.constant 7 : i32
    %and3A_29 = vector.broadcast %and3A : i32 to vector<16xi32>
    %and3A_30 = arith.andi %add3A_28, %and3A_29 : vector<16xi32>
    %add3A_31 = arith.constant 16 : i32
    %add3A_32 = vector.broadcast %add3A_31 : i32 to vector<16xi32>
    %add3A_33 = arith.addi %iota3A, %add3A_32 : vector<16xi32>
    %and3A_34 = arith.constant 7 : i32
    %and3A_35 = vector.broadcast %and3A_34 : i32 to vector<16xi32>
    %and3A_36 = arith.andi %add3A_33, %and3A_35 : vector<16xi32>
    %add3A_37 = arith.constant 32 : i32
    %add3A_38 = vector.broadcast %add3A_37 : i32 to vector<16xi32>
    %add3A_39 = arith.addi %iota3A, %add3A_38 : vector<16xi32>
    %and3A_40 = arith.constant 7 : i32
    %and3A_41 = vector.broadcast %and3A_40 : i32 to vector<16xi32>
    %and3A_42 = arith.andi %add3A_39, %and3A_41 : vector<16xi32>
    %add3A_43 = arith.constant 48 : i32
    %add3A_44 = vector.broadcast %add3A_43 : i32 to vector<16xi32>
    %add3A_45 = arith.addi %iota3A, %add3A_44 : vector<16xi32>
    %and3A_46 = arith.constant 7 : i32
    %and3A_47 = vector.broadcast %and3A_46 : i32 to vector<16xi32>
    %and3A_48 = arith.andi %add3A_45, %and3A_47 : vector<16xi32>
    %broadcast_in_dim3A = arith.constant 0 : i32
    %broadcast_in_dim3A_49 = vector.broadcast %broadcast_in_dim3A : i32 to vector<16xi32>
    %dma_start3A = arith.constant 0 : i32
    %dma_start3A_50 = arith.constant 0 : i32
    %dma_start3A_51 = tpu.memref_slice %arg5[%dma_start3A, %dma_start3A_50] : memref<50x128xi32, #tpu.memory_space<vmem>> -> memref<1x128xi32, #tpu.memory_space<vmem>>
    %dma_start3A_52 = tpu.memref_squeeze %dma_start3A_51 : memref<1x128xi32, #tpu.memory_space<vmem>> -> memref<128xi32, #tpu.memory_space<vmem>>
    %dma_start3A_53 = arith.constant 0 : i32
    %dma_start3A_54 = arith.constant 0 : i32
    %dma_start3A_55 = tpu.memref_slice %arg3[%dma_start3A_53, %dma_start3A_54] : memref<100000x64xf32, #tpu.memory_space<hbm>> -> memref<100000x64xf32, #tpu.memory_space<hbm>>
    tpu.enqueue_indirect_dma source(%dma_start3A_55 : memref<100000x64xf32, #tpu.memory_space<hbm>>) target(%arg6 : memref<128x64xf32, #tpu.memory_space<vmem>>) offsets(%dma_start3A_52 : memref<128xi32, #tpu.memory_space<vmem>>) semaphore(%arg12 : memref<!tpu.dma_semaphore, #tpu.memory_space<semaphore_mem>>)
    %dma_start3A_56 = arith.constant 1 : i32
    %dma_start3A_57 = arith.constant 0 : i32
    %dma_start3A_58 = tpu.memref_slice %arg5[%dma_start3A_56, %dma_start3A_57] : memref<50x128xi32, #tpu.memory_space<vmem>> -> memref<1x128xi32, #tpu.memory_space<vmem>>
    %dma_start3A_59 = tpu.memref_squeeze %dma_start3A_58 : memref<1x128xi32, #tpu.memory_space<vmem>> -> memref<128xi32, #tpu.memory_space<vmem>>
    %dma_start3A_60 = arith.constant 0 : i32
    %dma_start3A_61 = arith.constant 0 : i32
    %dma_start3A_62 = tpu.memref_slice %arg3[%dma_start3A_60, %dma_start3A_61] : memref<100000x64xf32, #tpu.memory_space<hbm>> -> memref<100000x64xf32, #tpu.memory_space<hbm>>
    tpu.enqueue_indirect_dma source(%dma_start3A_62 : memref<100000x64xf32, #tpu.memory_space<hbm>>) target(%arg7 : memref<128x64xf32, #tpu.memory_space<vmem>>) offsets(%dma_start3A_59 : memref<128xi32, #tpu.memory_space<vmem>>) semaphore(%arg13 : memref<!tpu.dma_semaphore, #tpu.memory_space<semaphore_mem>>)
    %dma_start3A_63 = arith.constant 2 : i32
    %dma_start3A_64 = arith.constant 0 : i32
    %dma_start3A_65 = tpu.memref_slice %arg5[%dma_start3A_63, %dma_start3A_64] : memref<50x128xi32, #tpu.memory_space<vmem>> -> memref<1x128xi32, #tpu.memory_space<vmem>>
    %dma_start3A_66 = tpu.memref_squeeze %dma_start3A_65 : memref<1x128xi32, #tpu.memory_space<vmem>> -> memref<128xi32, #tpu.memory_space<vmem>>
    %dma_start3A_67 = arith.constant 0 : i32
    %dma_start3A_68 = arith.constant 0 : i32
    %dma_start3A_69 = tpu.memref_slice %arg3[%dma_start3A_67, %dma_start3A_68] : memref<100000x64xf32, #tpu.memory_space<hbm>> -> memref<100000x64xf32, #tpu.memory_space<hbm>>
    tpu.enqueue_indirect_dma source(%dma_start3A_69 : memref<100000x64xf32, #tpu.memory_space<hbm>>) target(%arg8 : memref<128x64xf32, #tpu.memory_space<vmem>>) offsets(%dma_start3A_66 : memref<128xi32, #tpu.memory_space<vmem>>) semaphore(%arg14 : memref<!tpu.dma_semaphore, #tpu.memory_space<semaphore_mem>>)
    %dma_start3A_70 = arith.constant 3 : i32
    %dma_start3A_71 = arith.constant 0 : i32
    %dma_start3A_72 = tpu.memref_slice %arg5[%dma_start3A_70, %dma_start3A_71] : memref<50x128xi32, #tpu.memory_space<vmem>> -> memref<1x128xi32, #tpu.memory_space<vmem>>
    %dma_start3A_73 = tpu.memref_squeeze %dma_start3A_72 : memref<1x128xi32, #tpu.memory_space<vmem>> -> memref<128xi32, #tpu.memory_space<vmem>>
    %dma_start3A_74 = arith.constant 0 : i32
    %dma_start3A_75 = arith.constant 0 : i32
    %dma_start3A_76 = tpu.memref_slice %arg3[%dma_start3A_74, %dma_start3A_75] : memref<100000x64xf32, #tpu.memory_space<hbm>> -> memref<100000x64xf32, #tpu.memory_space<hbm>>
    tpu.enqueue_indirect_dma source(%dma_start3A_76 : memref<100000x64xf32, #tpu.memory_space<hbm>>) target(%arg9 : memref<128x64xf32, #tpu.memory_space<vmem>>) offsets(%dma_start3A_73 : memref<128xi32, #tpu.memory_space<vmem>>) semaphore(%arg15 : memref<!tpu.dma_semaphore, #tpu.memory_space<semaphore_mem>>)
    %scan3A = arith.constant 0 : i32
    %scan3A_77 = arith.constant 0 : i32
    %scan3A_78 = arith.constant 12 : i32
    %scan3A_79 = arith.addi %scan3A_77, %scan3A_78 : i32
    %scan3A_80 = arith.constant 1 : i32
    scf.for %scan3A_214 = %scan3A_77 to %scan3A_79 step %scan3A_80  : i32 {
      %mul3A_215 = arith.constant 4 : i32
      %mul3A_216 = arith.muli %mul3A_215, %scan3A_214 : i32
      %add3A_217 = arith.constant 0 : i32
      %add3A_218 = arith.addi %mul3A_216, %add3A_217 : i32
      %dma_wait3A_219 = arith.constant 0 : i32
      %dma_wait3A_220 = arith.constant 0 : i32
      %dma_wait3A_221 = tpu.memref_slice %arg5[%dma_wait3A_219, %dma_wait3A_220] : memref<50x128xi32, #tpu.memory_space<vmem>> -> memref<1x128xi32, #tpu.memory_space<vmem>>
      %dma_wait3A_222 = tpu.memref_squeeze %dma_wait3A_221 : memref<1x128xi32, #tpu.memory_space<vmem>> -> memref<128xi32, #tpu.memory_space<vmem>>
      %dma_wait3A_223 = arith.constant 0 : i32
      %dma_wait3A_224 = arith.constant 0 : i32
      %dma_wait3A_225 = tpu.memref_slice %arg3[%dma_wait3A_223, %dma_wait3A_224] : memref<100000x64xf32, #tpu.memory_space<hbm>> -> memref<100000x64xf32, #tpu.memory_space<hbm>>
      tpu.wait_indirect_dma semaphore(%arg12 : memref<!tpu.dma_semaphore, #tpu.memory_space<semaphore_mem>>) src(%dma_wait3A_225 : memref<100000x64xf32, #tpu.memory_space<hbm>>) dst(%arg6 : memref<128x64xf32, #tpu.memory_space<vmem>>)
      %gt3A = arith.constant 0 : i32
      %gt3A_226 = arith.cmpi sgt, %scan3A_214, %gt3A : i32
      %convert_element_type3A = arith.extui %gt3A_226 : i1 to i32
      %cond3A = arith.constant 0 : i32
      %cond3A_227 = arith.cmpi ne, %convert_element_type3A, %cond3A : i32
      scf.if %cond3A_227 {
        %dma_wait3A_415 = arith.constant 0 : i32
        %dma_wait3A_416 = arith.constant 0 : i32
        %dma_wait3A_417 = arith.constant 0 : i32
        %dma_wait3A_418 = arith.constant 0 : i32
        %dma_wait3A_419 = tpu.memref_slice %arg10[%dma_wait3A_416, %dma_wait3A_417, %dma_wait3A_418] : memref<8x8x129xf32, #tpu.memory_space<vmem>> -> memref<8x8x128xf32, #tpu.memory_space<vmem>>
        %dma_wait3A_420 = arith.constant 0 : i32
        %dma_wait3A_421 = arith.constant 0 : i32
        %dma_wait3A_422 = arith.constant 0 : i32
        %dma_wait3A_423 = tpu.memref_slice %arg4[%dma_wait3A_415, %dma_wait3A_420, %add3A, %dma_wait3A_421, %dma_wait3A_422] : memref<50x8x32x8x128xf32, #tpu.memory_space<hbm>> -> memref<1x8x1x8x128xf32, #tpu.memory_space<hbm>>
        %dma_wait3A_424 = tpu.memref_squeeze %dma_wait3A_423 : memref<1x8x1x8x128xf32, #tpu.memory_space<hbm>> -> memref<8x8x128xf32, #tpu.memory_space<hbm>>
        %dma_wait3A_425 = arith.constant 0 : i32
        %dma_wait3A_426 = arith.constant 0 : i32
        %dma_wait3A_427 = arith.constant 0 : i32
        %dma_wait3A_428 = tpu.memref_slice %arg4[%dma_wait3A_415, %dma_wait3A_425, %add3A, %dma_wait3A_426, %dma_wait3A_427] : memref<50x8x32x8x128xf32, #tpu.memory_space<hbm>> -> memref<1x8x1x8x128xf32, #tpu.memory_space<hbm>>
        %dma_wait3A_429 = tpu.memref_squeeze %dma_wait3A_428 : memref<1x8x1x8x128xf32, #tpu.memory_space<hbm>> -> memref<8x8x128xf32, #tpu.memory_space<hbm>>
        %dma_wait3A_430 = arith.constant 0 : i32
        %dma_wait3A_431 = arith.constant 0 : i32
        %dma_wait3A_432 = arith.constant 0 : i32
        %dma_wait3A_433 = tpu.memref_slice %arg10[%dma_wait3A_430, %dma_wait3A_431, %dma_wait3A_432] : memref<8x8x129xf32, #tpu.memory_space<vmem>> -> memref<8x8x128xf32, #tpu.memory_space<vmem>>
        tpu.wait_dma2 semaphore(%arg16 : memref<!tpu.dma_semaphore, #tpu.memory_space<semaphore_mem>>) src(%dma_wait3A_433 : memref<8x8x128xf32, #tpu.memory_space<vmem>>) dst(%dma_wait3A_429 : memref<8x8x128xf32, #tpu.memory_space<hbm>>)
      } else {
      }
      %parallel_loop3A_228 = arith.constant 0 : i32
      %parallel_loop3A_229 = arith.constant 128 : i32
      %parallel_loop3A_230 = arith.constant 1 : i32
      scf.for %parallel_loop3A_415 = %parallel_loop3A_228 to %parallel_loop3A_229 step %parallel_loop3A_230  : i32 {
        %parallel_loop3A_416 = vector.broadcast %parallel_loop3A_415 : i32 to vector<16xi32>
        %parallel_loop3A_417 = arith.addi %broadcast_in_dim3A_49, %parallel_loop3A_416 : vector<16xi32>
        %parallel_loop3A_418 = arith.index_cast %parallel_loop3A_415 : i32 to index
        %parallel_loop3A_419 = arith.constant 0 : index
        %parallel_loop3A_420 = tpu.vector_load %arg6[%parallel_loop3A_418, %parallel_loop3A_419] {strides = array<i32>} : memref<128x64xf32, #tpu.memory_space<vmem>>, vector<16xf32>,
        tpu.vector_store_idx %arg10[%shift_right_arithmetic3A_7, %and3A_30, %parallel_loop3A_417], %parallel_loop3A_420 : memref<8x8x129xf32, #tpu.memory_space<vmem>>[vector<16xi32>, vector<16xi32>, vector<16xi32>], vector<16xf32>,
        %parallel_loop3A_421 = arith.index_cast %parallel_loop3A_415 : i32 to index
        %parallel_loop3A_422 = arith.constant 16 : index
        %parallel_loop3A_423 = tpu.vector_load %arg6[%parallel_loop3A_421, %parallel_loop3A_422] {strides = array<i32>} : memref<128x64xf32, #tpu.memory_space<vmem>>, vector<16xf32>,
        tpu.vector_store_idx %arg10[%shift_right_arithmetic3A_13, %and3A_36, %parallel_loop3A_417], %parallel_loop3A_423 : memref<8x8x129xf32, #tpu.memory_space<vmem>>[vector<16xi32>, vector<16xi32>, vector<16xi32>], vector<16xf32>,
        %parallel_loop3A_424 = arith.index_cast %parallel_loop3A_415 : i32 to index
        %parallel_loop3A_425 = arith.constant 32 : index
        %parallel_loop3A_426 = tpu.vector_load %arg6[%parallel_loop3A_424, %parallel_loop3A_425] {strides = array<i32>} : memref<128x64xf32, #tpu.memory_space<vmem>>, vector<16xf32>,
        tpu.vector_store_idx %arg10[%shift_right_arithmetic3A_19, %and3A_42, %parallel_loop3A_417], %parallel_loop3A_426 : memref<8x8x129xf32, #tpu.memory_space<vmem>>[vector<16xi32>, vector<16xi32>, vector<16xi32>], vector<16xf32>,
        %parallel_loop3A_427 = arith.index_cast %parallel_loop3A_415 : i32 to index
        %parallel_loop3A_428 = arith.constant 48 : index
        %parallel_loop3A_429 = tpu.vector_load %arg6[%parallel_loop3A_427, %parallel_loop3A_428] {strides = array<i32>} : memref<128x64xf32, #tpu.memory_space<vmem>>, vector<16xf32>,
        tpu.vector_store_idx %arg10[%shift_right_arithmetic3A_25, %and3A_48, %parallel_loop3A_417], %parallel_loop3A_429 : memref<8x8x129xf32, #tpu.memory_space<vmem>>[vector<16xi32>, vector<16xi32>, vector<16xi32>], vector<16xf32>,
      } {sc.loop_unroll_factor = 8 : i64, sc.parallel_access}
      %add3A_231 = arith.constant 4 : i32
      %add3A_232 = arith.addi %add3A_218, %add3A_231 : i32
      %lt3A = arith.constant 50 : i32
      %lt3A_233 = arith.cmpi slt, %add3A_232, %lt3A : i32
      %convert_element_type3A_234 = arith.extui %lt3A_233 : i1 to i32
      %cond3A_235 = arith.constant 0 : i32
      %cond3A_236 = arith.cmpi ne, %convert_element_type3A_234, %cond3A_235 : i32
      scf.if %cond3A_236 {
        %add3A_415 = arith.constant 4 : i32
        %add3A_416 = arith.addi %add3A_218, %add3A_415 : i32
        %dma_start3A_417 = arith.constant 0 : i32
        %dma_start3A_418 = tpu.memref_slice %arg5[%add3A_416, %dma_start3A_417] : memref<50x128xi32, #tpu.memory_space<vmem>> -> memref<1x128xi32, #tpu.memory_space<vmem>>
        %dma_start3A_419 = tpu.memref_squeeze %dma_start3A_418 : memref<1x128xi32, #tpu.memory_space<vmem>> -> memref<128xi32, #tpu.memory_space<vmem>>
        %dma_start3A_420 = arith.constant 0 : i32
        %dma_start3A_421 = arith.constant 0 : i32
        %dma_start3A_422 = tpu.memref_slice %arg3[%dma_start3A_420, %dma_start3A_421] : memref<100000x64xf32, #tpu.memory_space<hbm>> -> memref<100000x64xf32, #tpu.memory_space<hbm>>
        tpu.enqueue_indirect_dma source(%dma_start3A_422 : memref<100000x64xf32, #tpu.memory_space<hbm>>) target(%arg6 : memref<128x64xf32, #tpu.memory_space<vmem>>) offsets(%dma_start3A_419 : memref<128xi32, #tpu.memory_space<vmem>>) semaphore(%arg12 : memref<!tpu.dma_semaphore, #tpu.memory_space<semaphore_mem>>)
      } else {
      }
      %dma_start3A_237 = arith.constant 0 : i32
      %dma_start3A_238 = arith.constant 0 : i32
      %dma_start3A_239 = arith.constant 0 : i32
      %dma_start3A_240 = tpu.memref_slice %arg10[%dma_start3A_237, %dma_start3A_238, %dma_start3A_239] : memref<8x8x129xf32, #tpu.memory_space<vmem>> -> memref<8x8x128xf32, #tpu.memory_space<vmem>>
      %dma_start3A_241 = arith.constant 0 : i32
      %dma_start3A_242 = arith.constant 0 : i32
      %dma_start3A_243 = arith.constant 0 : i32
      %dma_start3A_244 = tpu.memref_slice %arg4[%add3A_218, %dma_start3A_241, %add3A, %dma_start3A_242, %dma_start3A_243] : memref<50x8x32x8x128xf32, #tpu.memory_space<hbm>> -> memref<1x8x1x8x128xf32, #tpu.memory_space<hbm>>
      %dma_start3A_245 = tpu.memref_squeeze %dma_start3A_244 : memref<1x8x1x8x128xf32, #tpu.memory_space<hbm>> -> memref<8x8x128xf32, #tpu.memory_space<hbm>>
      %dma_start3A_246 = arith.constant 0 : i32
      %dma_start3A_247 = arith.constant 0 : i32
      %dma_start3A_248 = arith.constant 0 : i32
      %dma_start3A_249 = tpu.memref_slice %arg4[%add3A_218, %dma_start3A_246, %add3A, %dma_start3A_247, %dma_start3A_248] : memref<50x8x32x8x128xf32, #tpu.memory_space<hbm>> -> memref<1x8x1x8x128xf32, #tpu.memory_space<hbm>>
      %dma_start3A_250 = tpu.memref_squeeze %dma_start3A_249 : memref<1x8x1x8x128xf32, #tpu.memory_space<hbm>> -> memref<8x8x128xf32, #tpu.memory_space<hbm>>
      %dma_start3A_251 = arith.constant 0 : i32
      %dma_start3A_252 = arith.constant 0 : i32
      %dma_start3A_253 = arith.constant 0 : i32
      %dma_start3A_254 = tpu.memref_slice %arg10[%dma_start3A_251, %dma_start3A_252, %dma_start3A_253] : memref<8x8x129xf32, #tpu.memory_space<vmem>> -> memref<8x8x128xf32, #tpu.memory_space<vmem>>
      tpu.enqueue_dma source(%dma_start3A_254 : memref<8x8x128xf32, #tpu.memory_space<vmem>>) target(%dma_start3A_250 : memref<8x8x128xf32, #tpu.memory_space<hbm>>) target_semaphore(%arg16 : memref<!tpu.dma_semaphore, #tpu.memory_space<semaphore_mem>>)
      %mul3A_255 = arith.constant 4 : i32
      %mul3A_256 = arith.muli %mul3A_255, %scan3A_214 : i32
      %add3A_257 = arith.constant 1 : i32
      %add3A_258 = arith.addi %mul3A_256, %add3A_257 : i32
      %dma_wait3A_259 = arith.constant 0 : i32
      %dma_wait3A_260 = arith.constant 0 : i32
      %dma_wait3A_261 = tpu.memref_slice %arg5[%dma_wait3A_259, %dma_wait3A_260] : memref<50x128xi32, #tpu.memory_space<vmem>> -> memref<1x128xi32, #tpu.memory_space<vmem>>
      %dma_wait3A_262 = tpu.memref_squeeze %dma_wait3A_261 : memref<1x128xi32, #tpu.memory_space<vmem>> -> memref<128xi32, #tpu.memory_space<vmem>>
      %dma_wait3A_263 = arith.constant 0 : i32
      %dma_wait3A_264 = arith.constant 0 : i32
      %dma_wait3A_265 = tpu.memref_slice %arg3[%dma_wait3A_263, %dma_wait3A_264] : memref<100000x64xf32, #tpu.memory_space<hbm>> -> memref<100000x64xf32, #tpu.memory_space<hbm>>
      tpu.wait_indirect_dma semaphore(%arg13 : memref<!tpu.dma_semaphore, #tpu.memory_space<semaphore_mem>>) src(%dma_wait3A_265 : memref<100000x64xf32, #tpu.memory_space<hbm>>) dst(%arg7 : memref<128x64xf32, #tpu.memory_space<vmem>>)
      %gt3A_266 = arith.constant 0 : i32
      %gt3A_267 = arith.cmpi sgt, %scan3A_214, %gt3A_266 : i32
      %convert_element_type3A_268 = arith.extui %gt3A_267 : i1 to i32
      %cond3A_269 = arith.constant 0 : i32
      %cond3A_270 = arith.cmpi ne, %convert_element_type3A_268, %cond3A_269 : i32
      scf.if %cond3A_270 {
        %dma_wait3A_415 = arith.constant 0 : i32
        %dma_wait3A_416 = arith.constant 0 : i32
        %dma_wait3A_417 = arith.constant 0 : i32
        %dma_wait3A_418 = arith.constant 0 : i32
        %dma_wait3A_419 = tpu.memref_slice %arg11[%dma_wait3A_416, %dma_wait3A_417, %dma_wait3A_418] : memref<8x8x129xf32, #tpu.memory_space<vmem>> -> memref<8x8x128xf32, #tpu.memory_space<vmem>>
        %dma_wait3A_420 = arith.constant 0 : i32
        %dma_wait3A_421 = arith.constant 0 : i32
        %dma_wait3A_422 = arith.constant 0 : i32
        %dma_wait3A_423 = tpu.memref_slice %arg4[%dma_wait3A_415, %dma_wait3A_420, %add3A, %dma_wait3A_421, %dma_wait3A_422] : memref<50x8x32x8x128xf32, #tpu.memory_space<hbm>> -> memref<1x8x1x8x128xf32, #tpu.memory_space<hbm>>
        %dma_wait3A_424 = tpu.memref_squeeze %dma_wait3A_423 : memref<1x8x1x8x128xf32, #tpu.memory_space<hbm>> -> memref<8x8x128xf32, #tpu.memory_space<hbm>>
        %dma_wait3A_425 = arith.constant 0 : i32
        %dma_wait3A_426 = arith.constant 0 : i32
        %dma_wait3A_427 = arith.constant 0 : i32
        %dma_wait3A_428 = tpu.memref_slice %arg4[%dma_wait3A_415, %dma_wait3A_425, %add3A, %dma_wait3A_426, %dma_wait3A_427] : memref<50x8x32x8x128xf32, #tpu.memory_space<hbm>> -> memref<1x8x1x8x128xf32, #tpu.memory_space<hbm>>
        %dma_wait3A_429 = tpu.memref_squeeze %dma_wait3A_428 : memref<1x8x1x8x128xf32, #tpu.memory_space<hbm>> -> memref<8x8x128xf32, #tpu.memory_space<hbm>>
        %dma_wait3A_430 = arith.constant 0 : i32
        %dma_wait3A_431 = arith.constant 0 : i32
        %dma_wait3A_432 = arith.constant 0 : i32
        %dma_wait3A_433 = tpu.memref_slice %arg11[%dma_wait3A_430, %dma_wait3A_431, %dma_wait3A_432] : memref<8x8x129xf32, #tpu.memory_space<vmem>> -> memref<8x8x128xf32, #tpu.memory_space<vmem>>
        tpu.wait_dma2 semaphore(%arg17 : memref<!tpu.dma_semaphore, #tpu.memory_space<semaphore_mem>>) src(%dma_wait3A_433 : memref<8x8x128xf32, #tpu.memory_space<vmem>>) dst(%dma_wait3A_429 : memref<8x8x128xf32, #tpu.memory_space<hbm>>)
      } else {
      }
      %parallel_loop3A_271 = arith.constant 0 : i32
      %parallel_loop3A_272 = arith.constant 128 : i32
      %parallel_loop3A_273 = arith.constant 1 : i32
      scf.for %parallel_loop3A_415 = %parallel_loop3A_271 to %parallel_loop3A_272 step %parallel_loop3A_273  : i32 {
        %parallel_loop3A_416 = vector.broadcast %parallel_loop3A_415 : i32 to vector<16xi32>
        %parallel_loop3A_417 = arith.addi %broadcast_in_dim3A_49, %parallel_loop3A_416 : vector<16xi32>
        %parallel_loop3A_418 = arith.index_cast %parallel_loop3A_415 : i32 to index
        %parallel_loop3A_419 = arith.constant 0 : index
        %parallel_loop3A_420 = tpu.vector_load %arg7[%parallel_loop3A_418, %parallel_loop3A_419] {strides = array<i32>} : memref<128x64xf32, #tpu.memory_space<vmem>>, vector<16xf32>,
        tpu.vector_store_idx %arg11[%shift_right_arithmetic3A_7, %and3A_30, %parallel_loop3A_417], %parallel_loop3A_420 : memref<8x8x129xf32, #tpu.memory_space<vmem>>[vector<16xi32>, vector<16xi32>, vector<16xi32>], vector<16xf32>,
        %parallel_loop3A_421 = arith.index_cast %parallel_loop3A_415 : i32 to index
        %parallel_loop3A_422 = arith.constant 16 : index
        %parallel_loop3A_423 = tpu.vector_load %arg7[%parallel_loop3A_421, %parallel_loop3A_422] {strides = array<i32>} : memref<128x64xf32, #tpu.memory_space<vmem>>, vector<16xf32>,
        tpu.vector_store_idx %arg11[%shift_right_arithmetic3A_13, %and3A_36, %parallel_loop3A_417], %parallel_loop3A_423 : memref<8x8x129xf32, #tpu.memory_space<vmem>>[vector<16xi32>, vector<16xi32>, vector<16xi32>], vector<16xf32>,
        %parallel_loop3A_424 = arith.index_cast %parallel_loop3A_415 : i32 to index
        %parallel_loop3A_425 = arith.constant 32 : index
        %parallel_loop3A_426 = tpu.vector_load %arg7[%parallel_loop3A_424, %parallel_loop3A_425] {strides = array<i32>} : memref<128x64xf32, #tpu.memory_space<vmem>>, vector<16xf32>,
        tpu.vector_store_idx %arg11[%shift_right_arithmetic3A_19, %and3A_42, %parallel_loop3A_417], %parallel_loop3A_426 : memref<8x8x129xf32, #tpu.memory_space<vmem>>[vector<16xi32>, vector<16xi32>, vector<16xi32>], vector<16xf32>,
        %parallel_loop3A_427 = arith.index_cast %parallel_loop3A_415 : i32 to index
        %parallel_loop3A_428 = arith.constant 48 : index
        %parallel_loop3A_429 = tpu.vector_load %arg7[%parallel_loop3A_427, %parallel_loop3A_428] {strides = array<i32>} : memref<128x64xf32, #tpu.memory_space<vmem>>, vector<16xf32>,
        tpu.vector_store_idx %arg11[%shift_right_arithmetic3A_25, %and3A_48, %parallel_loop3A_417], %parallel_loop3A_429 : memref<8x8x129xf32, #tpu.memory_space<vmem>>[vector<16xi32>, vector<16xi32>, vector<16xi32>], vector<16xf32>,
      } {sc.loop_unroll_factor = 8 : i64, sc.parallel_access}
      %add3A_274 = arith.constant 4 : i32
      %add3A_275 = arith.addi %add3A_258, %add3A_274 : i32
      %lt3A_276 = arith.constant 50 : i32
      %lt3A_277 = arith.cmpi slt, %add3A_275, %lt3A_276 : i32
      %convert_element_type3A_278 = arith.extui %lt3A_277 : i1 to i32
      %cond3A_279 = arith.constant 0 : i32
      %cond3A_280 = arith.cmpi ne, %convert_element_type3A_278, %cond3A_279 : i32
      scf.if %cond3A_280 {
        %add3A_415 = arith.constant 4 : i32
        %add3A_416 = arith.addi %add3A_258, %add3A_415 : i32
        %dma_start3A_417 = arith.constant 0 : i32
        %dma_start3A_418 = tpu.memref_slice %arg5[%add3A_416, %dma_start3A_417] : memref<50x128xi32, #tpu.memory_space<vmem>> -> memref<1x128xi32, #tpu.memory_space<vmem>>
        %dma_start3A_419 = tpu.memref_squeeze %dma_start3A_418 : memref<1x128xi32, #tpu.memory_space<vmem>> -> memref<128xi32, #tpu.memory_space<vmem>>
        %dma_start3A_420 = arith.constant 0 : i32
        %dma_start3A_421 = arith.constant 0 : i32
        %dma_start3A_422 = tpu.memref_slice %arg3[%dma_start3A_420, %dma_start3A_421] : memref<100000x64xf32, #tpu.memory_space<hbm>> -> memref<100000x64xf32, #tpu.memory_space<hbm>>
        tpu.enqueue_indirect_dma source(%dma_start3A_422 : memref<100000x64xf32, #tpu.memory_space<hbm>>) target(%arg7 : memref<128x64xf32, #tpu.memory_space<vmem>>) offsets(%dma_start3A_419 : memref<128xi32, #tpu.memory_space<vmem>>) semaphore(%arg13 : memref<!tpu.dma_semaphore, #tpu.memory_space<semaphore_mem>>)
      } else {
      }
      %dma_start3A_281 = arith.constant 0 : i32
      %dma_start3A_282 = arith.constant 0 : i32
      %dma_start3A_283 = arith.constant 0 : i32
      %dma_start3A_284 = tpu.memref_slice %arg11[%dma_start3A_281, %dma_start3A_282, %dma_start3A_283] : memref<8x8x129xf32, #tpu.memory_space<vmem>> -> memref<8x8x128xf32, #tpu.memory_space<vmem>>
      %dma_start3A_285 = arith.constant 0 : i32
      %dma_start3A_286 = arith.constant 0 : i32
      %dma_start3A_287 = arith.constant 0 : i32
      %dma_start3A_288 = tpu.memref_slice %arg4[%add3A_258, %dma_start3A_285, %add3A, %dma_start3A_286, %dma_start3A_287] : memref<50x8x32x8x128xf32, #tpu.memory_space<hbm>> -> memref<1x8x1x8x128xf32, #tpu.memory_space<hbm>>
      %dma_start3A_289 = tpu.memref_squeeze %dma_start3A_288 : memref<1x8x1x8x128xf32, #tpu.memory_space<hbm>> -> memref<8x8x128xf32, #tpu.memory_space<hbm>>
      %dma_start3A_290 = arith.constant 0 : i32
      %dma_start3A_291 = arith.constant 0 : i32
      %dma_start3A_292 = arith.constant 0 : i32
      %dma_start3A_293 = tpu.memref_slice %arg4[%add3A_258, %dma_start3A_290, %add3A, %dma_start3A_291, %dma_start3A_292] : memref<50x8x32x8x128xf32, #tpu.memory_space<hbm>> -> memref<1x8x1x8x128xf32, #tpu.memory_space<hbm>>
      %dma_start3A_294 = tpu.memref_squeeze %dma_start3A_293 : memref<1x8x1x8x128xf32, #tpu.memory_space<hbm>> -> memref<8x8x128xf32, #tpu.memory_space<hbm>>
      %dma_start3A_295 = arith.constant 0 : i32
      %dma_start3A_296 = arith.constant 0 : i32
      %dma_start3A_297 = arith.constant 0 : i32
      %dma_start3A_298 = tpu.memref_slice %arg11[%dma_start3A_295, %dma_start3A_296, %dma_start3A_297] : memref<8x8x129xf32, #tpu.memory_space<vmem>> -> memref<8x8x128xf32, #tpu.memory_space<vmem>>
      tpu.enqueue_dma source(%dma_start3A_298 : memref<8x8x128xf32, #tpu.memory_space<vmem>>) target(%dma_start3A_294 : memref<8x8x128xf32, #tpu.memory_space<hbm>>) target_semaphore(%arg17 : memref<!tpu.dma_semaphore, #tpu.memory_space<semaphore_mem>>)
      %mul3A_299 = arith.constant 4 : i32
      %mul3A_300 = arith.muli %mul3A_299, %scan3A_214 : i32
      %add3A_301 = arith.constant 2 : i32
      %add3A_302 = arith.addi %mul3A_300, %add3A_301 : i32
      %dma_wait3A_303 = arith.constant 0 : i32
      %dma_wait3A_304 = arith.constant 0 : i32
      %dma_wait3A_305 = tpu.memref_slice %arg5[%dma_wait3A_303, %dma_wait3A_304] : memref<50x128xi32, #tpu.memory_space<vmem>> -> memref<1x128xi32, #tpu.memory_space<vmem>>
      %dma_wait3A_306 = tpu.memref_squeeze %dma_wait3A_305 : memref<1x128xi32, #tpu.memory_space<vmem>> -> memref<128xi32, #tpu.memory_space<vmem>>
      %dma_wait3A_307 = arith.constant 0 : i32
      %dma_wait3A_308 = arith.constant 0 : i32
      %dma_wait3A_309 = tpu.memref_slice %arg3[%dma_wait3A_307, %dma_wait3A_308] : memref<100000x64xf32, #tpu.memory_space<hbm>> -> memref<100000x64xf32, #tpu.memory_space<hbm>>
      tpu.wait_indirect_dma semaphore(%arg14 : memref<!tpu.dma_semaphore, #tpu.memory_space<semaphore_mem>>) src(%dma_wait3A_309 : memref<100000x64xf32, #tpu.memory_space<hbm>>) dst(%arg8 : memref<128x64xf32, #tpu.memory_space<vmem>>)
      %dma_wait3A_310 = arith.constant 0 : i32
      %dma_wait3A_311 = arith.constant 0 : i32
      %dma_wait3A_312 = arith.constant 0 : i32
      %dma_wait3A_313 = arith.constant 0 : i32
      %dma_wait3A_314 = tpu.memref_slice %arg10[%dma_wait3A_311, %dma_wait3A_312, %dma_wait3A_313] : memref<8x8x129xf32, #tpu.memory_space<vmem>> -> memref<8x8x128xf32, #tpu.memory_space<vmem>>
      %dma_wait3A_315 = arith.constant 0 : i32
      %dma_wait3A_316 = arith.constant 0 : i32
      %dma_wait3A_317 = arith.constant 0 : i32
      %dma_wait3A_318 = tpu.memref_slice %arg4[%dma_wait3A_310, %dma_wait3A_315, %add3A, %dma_wait3A_316, %dma_wait3A_317] : memref<50x8x32x8x128xf32, #tpu.memory_space<hbm>> -> memref<1x8x1x8x128xf32, #tpu.memory_space<hbm>>
      %dma_wait3A_319 = tpu.memref_squeeze %dma_wait3A_318 : memref<1x8x1x8x128xf32, #tpu.memory_space<hbm>> -> memref<8x8x128xf32, #tpu.memory_space<hbm>>
      %dma_wait3A_320 = arith.constant 0 : i32
      %dma_wait3A_321 = arith.constant 0 : i32
      %dma_wait3A_322 = arith.constant 0 : i32
      %dma_wait3A_323 = tpu.memref_slice %arg4[%dma_wait3A_310, %dma_wait3A_320, %add3A, %dma_wait3A_321, %dma_wait3A_322] : memref<50x8x32x8x128xf32, #tpu.memory_space<hbm>> -> memref<1x8x1x8x128xf32, #tpu.memory_space<hbm>>
      %dma_wait3A_324 = tpu.memref_squeeze %dma_wait3A_323 : memref<1x8x1x8x128xf32, #tpu.memory_space<hbm>> -> memref<8x8x128xf32, #tpu.memory_space<hbm>>
      %dma_wait3A_325 = arith.constant 0 : i32
      %dma_wait3A_326 = arith.constant 0 : i32
      %dma_wait3A_327 = arith.constant 0 : i32
      %dma_wait3A_328 = tpu.memref_slice %arg10[%dma_wait3A_325, %dma_wait3A_326, %dma_wait3A_327] : memref<8x8x129xf32, #tpu.memory_space<vmem>> -> memref<8x8x128xf32, #tpu.memory_space<vmem>>
      tpu.wait_dma2 semaphore(%arg16 : memref<!tpu.dma_semaphore, #tpu.memory_space<semaphore_mem>>) src(%dma_wait3A_328 : memref<8x8x128xf32, #tpu.memory_space<vmem>>) dst(%dma_wait3A_324 : memref<8x8x128xf32, #tpu.memory_space<hbm>>)
      %parallel_loop3A_329 = arith.constant 0 : i32
      %parallel_loop3A_330 = arith.constant 128 : i32
      %parallel_loop3A_331 = arith.constant 1 : i32
      scf.for %parallel_loop3A_415 = %parallel_loop3A_329 to %parallel_loop3A_330 step %parallel_loop3A_331  : i32 {
        %parallel_loop3A_416 = vector.broadcast %parallel_loop3A_415 : i32 to vector<16xi32>
        %parallel_loop3A_417 = arith.addi %broadcast_in_dim3A_49, %parallel_loop3A_416 : vector<16xi32>
        %parallel_loop3A_418 = arith.index_cast %parallel_loop3A_415 : i32 to index
        %parallel_loop3A_419 = arith.constant 0 : index
        %parallel_loop3A_420 = tpu.vector_load %arg8[%parallel_loop3A_418, %parallel_loop3A_419] {strides = array<i32>} : memref<128x64xf32, #tpu.memory_space<vmem>>, vector<16xf32>,
        tpu.vector_store_idx %arg10[%shift_right_arithmetic3A_7, %and3A_30, %parallel_loop3A_417], %parallel_loop3A_420 : memref<8x8x129xf32, #tpu.memory_space<vmem>>[vector<16xi32>, vector<16xi32>, vector<16xi32>], vector<16xf32>,
        %parallel_loop3A_421 = arith.index_cast %parallel_loop3A_415 : i32 to index
        %parallel_loop3A_422 = arith.constant 16 : index
        %parallel_loop3A_423 = tpu.vector_load %arg8[%parallel_loop3A_421, %parallel_loop3A_422] {strides = array<i32>} : memref<128x64xf32, #tpu.memory_space<vmem>>, vector<16xf32>,
        tpu.vector_store_idx %arg10[%shift_right_arithmetic3A_13, %and3A_36, %parallel_loop3A_417], %parallel_loop3A_423 : memref<8x8x129xf32, #tpu.memory_space<vmem>>[vector<16xi32>, vector<16xi32>, vector<16xi32>], vector<16xf32>,
        %parallel_loop3A_424 = arith.index_cast %parallel_loop3A_415 : i32 to index
        %parallel_loop3A_425 = arith.constant 32 : index
        %parallel_loop3A_426 = tpu.vector_load %arg8[%parallel_loop3A_424, %parallel_loop3A_425] {strides = array<i32>} : memref<128x64xf32, #tpu.memory_space<vmem>>, vector<16xf32>,
        tpu.vector_store_idx %arg10[%shift_right_arithmetic3A_19, %and3A_42, %parallel_loop3A_417], %parallel_loop3A_426 : memref<8x8x129xf32, #tpu.memory_space<vmem>>[vector<16xi32>, vector<16xi32>, vector<16xi32>], vector<16xf32>,
        %parallel_loop3A_427 = arith.index_cast %parallel_loop3A_415 : i32 to index
        %parallel_loop3A_428 = arith.constant 48 : index
        %parallel_loop3A_429 = tpu.vector_load %arg8[%parallel_loop3A_427, %parallel_loop3A_428] {strides = array<i32>} : memref<128x64xf32, #tpu.memory_space<vmem>>, vector<16xf32>,
        tpu.vector_store_idx %arg10[%shift_right_arithmetic3A_25, %and3A_48, %parallel_loop3A_417], %parallel_loop3A_429 : memref<8x8x129xf32, #tpu.memory_space<vmem>>[vector<16xi32>, vector<16xi32>, vector<16xi32>], vector<16xf32>,
      } {sc.loop_unroll_factor = 8 : i64, sc.parallel_access}
      %add3A_332 = arith.constant 4 : i32
      %add3A_333 = arith.addi %add3A_302, %add3A_332 : i32
      %lt3A_334 = arith.constant 50 : i32
      %lt3A_335 = arith.cmpi slt, %add3A_333, %lt3A_334 : i32
      %convert_element_type3A_336 = arith.extui %lt3A_335 : i1 to i32
      %cond3A_337 = arith.constant 0 : i32
      %cond3A_338 = arith.cmpi ne, %convert_element_type3A_336, %cond3A_337 : i32
      scf.if %cond3A_338 {
        %add3A_415 = arith.constant 4 : i32
        %add3A_416 = arith.addi %add3A_302, %add3A_415 : i32
        %dma_start3A_417 = arith.constant 0 : i32
        %dma_start3A_418 = tpu.memref_slice %arg5[%add3A_416, %dma_start3A_417] : memref<50x128xi32, #tpu.memory_space<vmem>> -> memref<1x128xi32, #tpu.memory_space<vmem>>
        %dma_start3A_419 = tpu.memref_squeeze %dma_start3A_418 : memref<1x128xi32, #tpu.memory_space<vmem>> -> memref<128xi32, #tpu.memory_space<vmem>>
        %dma_start3A_420 = arith.constant 0 : i32
        %dma_start3A_421 = arith.constant 0 : i32
        %dma_start3A_422 = tpu.memref_slice %arg3[%dma_start3A_420, %dma_start3A_421] : memref<100000x64xf32, #tpu.memory_space<hbm>> -> memref<100000x64xf32, #tpu.memory_space<hbm>>
        tpu.enqueue_indirect_dma source(%dma_start3A_422 : memref<100000x64xf32, #tpu.memory_space<hbm>>) target(%arg8 : memref<128x64xf32, #tpu.memory_space<vmem>>) offsets(%dma_start3A_419 : memref<128xi32, #tpu.memory_space<vmem>>) semaphore(%arg14 : memref<!tpu.dma_semaphore, #tpu.memory_space<semaphore_mem>>)
      } else {
      }
      %dma_start3A_339 = arith.constant 0 : i32
      %dma_start3A_340 = arith.constant 0 : i32
      %dma_start3A_341 = arith.constant 0 : i32
      %dma_start3A_342 = tpu.memref_slice %arg10[%dma_start3A_339, %dma_start3A_340, %dma_start3A_341] : memref<8x8x129xf32, #tpu.memory_space<vmem>> -> memref<8x8x128xf32, #tpu.memory_space<vmem>>
      %dma_start3A_343 = arith.constant 0 : i32
      %dma_start3A_344 = arith.constant 0 : i32
      %dma_start3A_345 = arith.constant 0 : i32
      %dma_start3A_346 = tpu.memref_slice %arg4[%add3A_302, %dma_start3A_343, %add3A, %dma_start3A_344, %dma_start3A_345] : memref<50x8x32x8x128xf32, #tpu.memory_space<hbm>> -> memref<1x8x1x8x128xf32, #tpu.memory_space<hbm>>
      %dma_start3A_347 = tpu.memref_squeeze %dma_start3A_346 : memref<1x8x1x8x128xf32, #tpu.memory_space<hbm>> -> memref<8x8x128xf32, #tpu.memory_space<hbm>>
      %dma_start3A_348 = arith.constant 0 : i32
      %dma_start3A_349 = arith.constant 0 : i32
      %dma_start3A_350 = arith.constant 0 : i32
      %dma_start3A_351 = tpu.memref_slice %arg4[%add3A_302, %dma_start3A_348, %add3A, %dma_start3A_349, %dma_start3A_350] : memref<50x8x32x8x128xf32, #tpu.memory_space<hbm>> -> memref<1x8x1x8x128xf32, #tpu.memory_space<hbm>>
      %dma_start3A_352 = tpu.memref_squeeze %dma_start3A_351 : memref<1x8x1x8x128xf32, #tpu.memory_space<hbm>> -> memref<8x8x128xf32, #tpu.memory_space<hbm>>
      %dma_start3A_353 = arith.constant 0 : i32
      %dma_start3A_354 = arith.constant 0 : i32
      %dma_start3A_355 = arith.constant 0 : i32
      %dma_start3A_356 = tpu.memref_slice %arg10[%dma_start3A_353, %dma_start3A_354, %dma_start3A_355] : memref<8x8x129xf32, #tpu.memory_space<vmem>> -> memref<8x8x128xf32, #tpu.memory_space<vmem>>
      tpu.enqueue_dma source(%dma_start3A_356 : memref<8x8x128xf32, #tpu.memory_space<vmem>>) target(%dma_start3A_352 : memref<8x8x128xf32, #tpu.memory_space<hbm>>) target_semaphore(%arg16 : memref<!tpu.dma_semaphore, #tpu.memory_space<semaphore_mem>>)
      %mul3A_357 = arith.constant 4 : i32
      %mul3A_358 = arith.muli %mul3A_357, %scan3A_214 : i32
      %add3A_359 = arith.constant 3 : i32
      %add3A_360 = arith.addi %mul3A_358, %add3A_359 : i32
      %dma_wait3A_361 = arith.constant 0 : i32
      %dma_wait3A_362 = arith.constant 0 : i32
      %dma_wait3A_363 = tpu.memref_slice %arg5[%dma_wait3A_361, %dma_wait3A_362] : memref<50x128xi32, #tpu.memory_space<vmem>> -> memref<1x128xi32, #tpu.memory_space<vmem>>
      %dma_wait3A_364 = tpu.memref_squeeze %dma_wait3A_363 : memref<1x128xi32, #tpu.memory_space<vmem>> -> memref<128xi32, #tpu.memory_space<vmem>>
      %dma_wait3A_365 = arith.constant 0 : i32
      %dma_wait3A_366 = arith.constant 0 : i32
      %dma_wait3A_367 = tpu.memref_slice %arg3[%dma_wait3A_365, %dma_wait3A_366] : memref<100000x64xf32, #tpu.memory_space<hbm>> -> memref<100000x64xf32, #tpu.memory_space<hbm>>
      tpu.wait_indirect_dma semaphore(%arg15 : memref<!tpu.dma_semaphore, #tpu.memory_space<semaphore_mem>>) src(%dma_wait3A_367 : memref<100000x64xf32, #tpu.memory_space<hbm>>) dst(%arg9 : memref<128x64xf32, #tpu.memory_space<vmem>>)
      %dma_wait3A_368 = arith.constant 0 : i32
      %dma_wait3A_369 = arith.constant 0 : i32
      %dma_wait3A_370 = arith.constant 0 : i32
      %dma_wait3A_371 = arith.constant 0 : i32
      %dma_wait3A_372 = tpu.memref_slice %arg11[%dma_wait3A_369, %dma_wait3A_370, %dma_wait3A_371] : memref<8x8x129xf32, #tpu.memory_space<vmem>> -> memref<8x8x128xf32, #tpu.memory_space<vmem>>
      %dma_wait3A_373 = arith.constant 0 : i32
      %dma_wait3A_374 = arith.constant 0 : i32
      %dma_wait3A_375 = arith.constant 0 : i32
      %dma_wait3A_376 = tpu.memref_slice %arg4[%dma_wait3A_368, %dma_wait3A_373, %add3A, %dma_wait3A_374, %dma_wait3A_375] : memref<50x8x32x8x128xf32, #tpu.memory_space<hbm>> -> memref<1x8x1x8x128xf32, #tpu.memory_space<hbm>>
      %dma_wait3A_377 = tpu.memref_squeeze %dma_wait3A_376 : memref<1x8x1x8x128xf32, #tpu.memory_space<hbm>> -> memref<8x8x128xf32, #tpu.memory_space<hbm>>
      %dma_wait3A_378 = arith.constant 0 : i32
      %dma_wait3A_379 = arith.constant 0 : i32
      %dma_wait3A_380 = arith.constant 0 : i32
      %dma_wait3A_381 = tpu.memref_slice %arg4[%dma_wait3A_368, %dma_wait3A_378, %add3A, %dma_wait3A_379, %dma_wait3A_380] : memref<50x8x32x8x128xf32, #tpu.memory_space<hbm>> -> memref<1x8x1x8x128xf32, #tpu.memory_space<hbm>>
      %dma_wait3A_382 = tpu.memref_squeeze %dma_wait3A_381 : memref<1x8x1x8x128xf32, #tpu.memory_space<hbm>> -> memref<8x8x128xf32, #tpu.memory_space<hbm>>
      %dma_wait3A_383 = arith.constant 0 : i32
      %dma_wait3A_384 = arith.constant 0 : i32
      %dma_wait3A_385 = arith.constant 0 : i32
      %dma_wait3A_386 = tpu.memref_slice %arg11[%dma_wait3A_383, %dma_wait3A_384, %dma_wait3A_385] : memref<8x8x129xf32, #tpu.memory_space<vmem>> -> memref<8x8x128xf32, #tpu.memory_space<vmem>>
      tpu.wait_dma2 semaphore(%arg17 : memref<!tpu.dma_semaphore, #tpu.memory_space<semaphore_mem>>) src(%dma_wait3A_386 : memref<8x8x128xf32, #tpu.memory_space<vmem>>) dst(%dma_wait3A_382 : memref<8x8x128xf32, #tpu.memory_space<hbm>>)
      %parallel_loop3A_387 = arith.constant 0 : i32
      %parallel_loop3A_388 = arith.constant 128 : i32
      %parallel_loop3A_389 = arith.constant 1 : i32
      scf.for %parallel_loop3A_415 = %parallel_loop3A_387 to %parallel_loop3A_388 step %parallel_loop3A_389  : i32 {
        %parallel_loop3A_416 = vector.broadcast %parallel_loop3A_415 : i32 to vector<16xi32>
        %parallel_loop3A_417 = arith.addi %broadcast_in_dim3A_49, %parallel_loop3A_416 : vector<16xi32>
        %parallel_loop3A_418 = arith.index_cast %parallel_loop3A_415 : i32 to index
        %parallel_loop3A_419 = arith.constant 0 : index
        %parallel_loop3A_420 = tpu.vector_load %arg9[%parallel_loop3A_418, %parallel_loop3A_419] {strides = array<i32>} : memref<128x64xf32, #tpu.memory_space<vmem>>, vector<16xf32>,
        tpu.vector_store_idx %arg11[%shift_right_arithmetic3A_7, %and3A_30, %parallel_loop3A_417], %parallel_loop3A_420 : memref<8x8x129xf32, #tpu.memory_space<vmem>>[vector<16xi32>, vector<16xi32>, vector<16xi32>], vector<16xf32>,
        %parallel_loop3A_421 = arith.index_cast %parallel_loop3A_415 : i32 to index
        %parallel_loop3A_422 = arith.constant 16 : index
        %parallel_loop3A_423 = tpu.vector_load %arg9[%parallel_loop3A_421, %parallel_loop3A_422] {strides = array<i32>} : memref<128x64xf32, #tpu.memory_space<vmem>>, vector<16xf32>,
        tpu.vector_store_idx %arg11[%shift_right_arithmetic3A_13, %and3A_36, %parallel_loop3A_417], %parallel_loop3A_423 : memref<8x8x129xf32, #tpu.memory_space<vmem>>[vector<16xi32>, vector<16xi32>, vector<16xi32>], vector<16xf32>,
        %parallel_loop3A_424 = arith.index_cast %parallel_loop3A_415 : i32 to index
        %parallel_loop3A_425 = arith.constant 32 : index
        %parallel_loop3A_426 = tpu.vector_load %arg9[%parallel_loop3A_424, %parallel_loop3A_425] {strides = array<i32>} : memref<128x64xf32, #tpu.memory_space<vmem>>, vector<16xf32>,
        tpu.vector_store_idx %arg11[%shift_right_arithmetic3A_19, %and3A_42, %parallel_loop3A_417], %parallel_loop3A_426 : memref<8x8x129xf32, #tpu.memory_space<vmem>>[vector<16xi32>, vector<16xi32>, vector<16xi32>], vector<16xf32>,
        %parallel_loop3A_427 = arith.index_cast %parallel_loop3A_415 : i32 to index
        %parallel_loop3A_428 = arith.constant 48 : index
        %parallel_loop3A_429 = tpu.vector_load %arg9[%parallel_loop3A_427, %parallel_loop3A_428] {strides = array<i32>} : memref<128x64xf32, #tpu.memory_space<vmem>>, vector<16xf32>,
        tpu.vector_store_idx %arg11[%shift_right_arithmetic3A_25, %and3A_48, %parallel_loop3A_417], %parallel_loop3A_429 : memref<8x8x129xf32, #tpu.memory_space<vmem>>[vector<16xi32>, vector<16xi32>, vector<16xi32>], vector<16xf32>,
      } {sc.loop_unroll_factor = 8 : i64, sc.parallel_access}
      %add3A_390 = arith.constant 4 : i32
      %add3A_391 = arith.addi %add3A_360, %add3A_390 : i32
      %lt3A_392 = arith.constant 50 : i32
      %lt3A_393 = arith.cmpi slt, %add3A_391, %lt3A_392 : i32
      %convert_element_type3A_394 = arith.extui %lt3A_393 : i1 to i32
      %cond3A_395 = arith.constant 0 : i32
      %cond3A_396 = arith.cmpi ne, %convert_element_type3A_394, %cond3A_395 : i32
      scf.if %cond3A_396 {
        %add3A_415 = arith.constant 4 : i32
        %add3A_416 = arith.addi %add3A_360, %add3A_415 : i32
        %dma_start3A_417 = arith.constant 0 : i32
        %dma_start3A_418 = tpu.memref_slice %arg5[%add3A_416, %dma_start3A_417] : memref<50x128xi32, #tpu.memory_space<vmem>> -> memref<1x128xi32, #tpu.memory_space<vmem>>
        %dma_start3A_419 = tpu.memref_squeeze %dma_start3A_418 : memref<1x128xi32, #tpu.memory_space<vmem>> -> memref<128xi32, #tpu.memory_space<vmem>>
        %dma_start3A_420 = arith.constant 0 : i32
        %dma_start3A_421 = arith.constant 0 : i32
        %dma_start3A_422 = tpu.memref_slice %arg3[%dma_start3A_420, %dma_start3A_421] : memref<100000x64xf32, #tpu.memory_space<hbm>> -> memref<100000x64xf32, #tpu.memory_space<hbm>>
        tpu.enqueue_indirect_dma source(%dma_start3A_422 : memref<100000x64xf32, #tpu.memory_space<hbm>>) target(%arg9 : memref<128x64xf32, #tpu.memory_space<vmem>>) offsets(%dma_start3A_419 : memref<128xi32, #tpu.memory_space<vmem>>) semaphore(%arg15 : memref<!tpu.dma_semaphore, #tpu.memory_space<semaphore_mem>>)
      } else {
      }
      %dma_start3A_397 = arith.constant 0 : i32
      %dma_start3A_398 = arith.constant 0 : i32
      %dma_start3A_399 = arith.constant 0 : i32
      %dma_start3A_400 = tpu.memref_slice %arg11[%dma_start3A_397, %dma_start3A_398, %dma_start3A_399] : memref<8x8x129xf32, #tpu.memory_space<vmem>> -> memref<8x8x128xf32, #tpu.memory_space<vmem>>
      %dma_start3A_401 = arith.constant 0 : i32
      %dma_start3A_402 = arith.constant 0 : i32
      %dma_start3A_403 = arith.constant 0 : i32
      %dma_start3A_404 = tpu.memref_slice %arg4[%add3A_360, %dma_start3A_401, %add3A, %dma_start3A_402, %dma_start3A_403] : memref<50x8x32x8x128xf32, #tpu.memory_space<hbm>> -> memref<1x8x1x8x128xf32, #tpu.memory_space<hbm>>
      %dma_start3A_405 = tpu.memref_squeeze %dma_start3A_404 : memref<1x8x1x8x128xf32, #tpu.memory_space<hbm>> -> memref<8x8x128xf32, #tpu.memory_space<hbm>>
      %dma_start3A_406 = arith.constant 0 : i32
      %dma_start3A_407 = arith.constant 0 : i32
      %dma_start3A_408 = arith.constant 0 : i32
      %dma_start3A_409 = tpu.memref_slice %arg4[%add3A_360, %dma_start3A_406, %add3A, %dma_start3A_407, %dma_start3A_408] : memref<50x8x32x8x128xf32, #tpu.memory_space<hbm>> -> memref<1x8x1x8x128xf32, #tpu.memory_space<hbm>>
      %dma_start3A_410 = tpu.memref_squeeze %dma_start3A_409 : memref<1x8x1x8x128xf32, #tpu.memory_space<hbm>> -> memref<8x8x128xf32, #tpu.memory_space<hbm>>
      %dma_start3A_411 = arith.constant 0 : i32
      %dma_start3A_412 = arith.constant 0 : i32
      %dma_start3A_413 = arith.constant 0 : i32
      %dma_start3A_414 = tpu.memref_slice %arg11[%dma_start3A_411, %dma_start3A_412, %dma_start3A_413] : memref<8x8x129xf32, #tpu.memory_space<vmem>> -> memref<8x8x128xf32, #tpu.memory_space<vmem>>
      tpu.enqueue_dma source(%dma_start3A_414 : memref<8x8x128xf32, #tpu.memory_space<vmem>>) target(%dma_start3A_410 : memref<8x8x128xf32, #tpu.memory_space<hbm>>) target_semaphore(%arg17 : memref<!tpu.dma_semaphore, #tpu.memory_space<semaphore_mem>>)
    }
    %scan3A_81 = arith.constant 12 : i32
    %dma_wait3A = arith.constant 0 : i32
    %dma_wait3A_82 = arith.constant 0 : i32
    %dma_wait3A_83 = tpu.memref_slice %arg5[%dma_wait3A, %dma_wait3A_82] : memref<50x128xi32, #tpu.memory_space<vmem>> -> memref<1x128xi32, #tpu.memory_space<vmem>>
    %dma_wait3A_84 = tpu.memref_squeeze %dma_wait3A_83 : memref<1x128xi32, #tpu.memory_space<vmem>> -> memref<128xi32, #tpu.memory_space<vmem>>
    %dma_wait3A_85 = arith.constant 0 : i32
    %dma_wait3A_86 = arith.constant 0 : i32
    %dma_wait3A_87 = tpu.memref_slice %arg3[%dma_wait3A_85, %dma_wait3A_86] : memref<100000x64xf32, #tpu.memory_space<hbm>> -> memref<100000x64xf32, #tpu.memory_space<hbm>>
    tpu.wait_indirect_dma semaphore(%arg12 : memref<!tpu.dma_semaphore, #tpu.memory_space<semaphore_mem>>) src(%dma_wait3A_87 : memref<100000x64xf32, #tpu.memory_space<hbm>>) dst(%arg6 : memref<128x64xf32, #tpu.memory_space<vmem>>)
    %dma_wait3A_88 = arith.constant 0 : i32
    %dma_wait3A_89 = arith.constant 0 : i32
    %dma_wait3A_90 = arith.constant 0 : i32
    %dma_wait3A_91 = arith.constant 0 : i32
    %dma_wait3A_92 = tpu.memref_slice %arg10[%dma_wait3A_89, %dma_wait3A_90, %dma_wait3A_91] : memref<8x8x129xf32, #tpu.memory_space<vmem>> -> memref<8x8x128xf32, #tpu.memory_space<vmem>>
    %dma_wait3A_93 = arith.constant 0 : i32
    %dma_wait3A_94 = arith.constant 0 : i32
    %dma_wait3A_95 = arith.constant 0 : i32
    %dma_wait3A_96 = tpu.memref_slice %arg4[%dma_wait3A_88, %dma_wait3A_93, %add3A, %dma_wait3A_94, %dma_wait3A_95] : memref<50x8x32x8x128xf32, #tpu.memory_space<hbm>> -> memref<1x8x1x8x128xf32, #tpu.memory_space<hbm>>
    %dma_wait3A_97 = tpu.memref_squeeze %dma_wait3A_96 : memref<1x8x1x8x128xf32, #tpu.memory_space<hbm>> -> memref<8x8x128xf32, #tpu.memory_space<hbm>>
    %dma_wait3A_98 = arith.constant 0 : i32
    %dma_wait3A_99 = arith.constant 0 : i32
    %dma_wait3A_100 = arith.constant 0 : i32
    %dma_wait3A_101 = tpu.memref_slice %arg4[%dma_wait3A_88, %dma_wait3A_98, %add3A, %dma_wait3A_99, %dma_wait3A_100] : memref<50x8x32x8x128xf32, #tpu.memory_space<hbm>> -> memref<1x8x1x8x128xf32, #tpu.memory_space<hbm>>
    %dma_wait3A_102 = tpu.memref_squeeze %dma_wait3A_101 : memref<1x8x1x8x128xf32, #tpu.memory_space<hbm>> -> memref<8x8x128xf32, #tpu.memory_space<hbm>>
    %dma_wait3A_103 = arith.constant 0 : i32
    %dma_wait3A_104 = arith.constant 0 : i32
    %dma_wait3A_105 = arith.constant 0 : i32
    %dma_wait3A_106 = tpu.memref_slice %arg10[%dma_wait3A_103, %dma_wait3A_104, %dma_wait3A_105] : memref<8x8x129xf32, #tpu.memory_space<vmem>> -> memref<8x8x128xf32, #tpu.memory_space<vmem>>
    tpu.wait_dma2 semaphore(%arg16 : memref<!tpu.dma_semaphore, #tpu.memory_space<semaphore_mem>>) src(%dma_wait3A_106 : memref<8x8x128xf32, #tpu.memory_space<vmem>>) dst(%dma_wait3A_102 : memref<8x8x128xf32, #tpu.memory_space<hbm>>)
    %parallel_loop3A = arith.constant 0 : i32
    %parallel_loop3A_107 = arith.constant 128 : i32
    %parallel_loop3A_108 = arith.constant 1 : i32
    scf.for %parallel_loop3A_214 = %parallel_loop3A to %parallel_loop3A_107 step %parallel_loop3A_108  : i32 {
      %parallel_loop3A_215 = vector.broadcast %parallel_loop3A_214 : i32 to vector<16xi32>
      %parallel_loop3A_216 = arith.addi %broadcast_in_dim3A_49, %parallel_loop3A_215 : vector<16xi32>
      %parallel_loop3A_217 = arith.index_cast %parallel_loop3A_214 : i32 to index
      %parallel_loop3A_218 = arith.constant 0 : index
      %parallel_loop3A_219 = tpu.vector_load %arg6[%parallel_loop3A_217, %parallel_loop3A_218] {strides = array<i32>} : memref<128x64xf32, #tpu.memory_space<vmem>>, vector<16xf32>,
      tpu.vector_store_idx %arg10[%shift_right_arithmetic3A_7, %and3A_30, %parallel_loop3A_216], %parallel_loop3A_219 : memref<8x8x129xf32, #tpu.memory_space<vmem>>[vector<16xi32>, vector<16xi32>, vector<16xi32>], vector<16xf32>,
      %parallel_loop3A_220 = arith.index_cast %parallel_loop3A_214 : i32 to index
      %parallel_loop3A_221 = arith.constant 16 : index
      %parallel_loop3A_222 = tpu.vector_load %arg6[%parallel_loop3A_220, %parallel_loop3A_221] {strides = array<i32>} : memref<128x64xf32, #tpu.memory_space<vmem>>, vector<16xf32>,
      tpu.vector_store_idx %arg10[%shift_right_arithmetic3A_13, %and3A_36, %parallel_loop3A_216], %parallel_loop3A_222 : memref<8x8x129xf32, #tpu.memory_space<vmem>>[vector<16xi32>, vector<16xi32>, vector<16xi32>], vector<16xf32>,
      %parallel_loop3A_223 = arith.index_cast %parallel_loop3A_214 : i32 to index
      %parallel_loop3A_224 = arith.constant 32 : index
      %parallel_loop3A_225 = tpu.vector_load %arg6[%parallel_loop3A_223, %parallel_loop3A_224] {strides = array<i32>} : memref<128x64xf32, #tpu.memory_space<vmem>>, vector<16xf32>,
      tpu.vector_store_idx %arg10[%shift_right_arithmetic3A_19, %and3A_42, %parallel_loop3A_216], %parallel_loop3A_225 : memref<8x8x129xf32, #tpu.memory_space<vmem>>[vector<16xi32>, vector<16xi32>, vector<16xi32>], vector<16xf32>,
      %parallel_loop3A_226 = arith.index_cast %parallel_loop3A_214 : i32 to index
      %parallel_loop3A_227 = arith.constant 48 : index
      %parallel_loop3A_228 = tpu.vector_load %arg6[%parallel_loop3A_226, %parallel_loop3A_227] {strides = array<i32>} : memref<128x64xf32, #tpu.memory_space<vmem>>, vector<16xf32>,
      tpu.vector_store_idx %arg10[%shift_right_arithmetic3A_25, %and3A_48, %parallel_loop3A_216], %parallel_loop3A_228 : memref<8x8x129xf32, #tpu.memory_space<vmem>>[vector<16xi32>, vector<16xi32>, vector<16xi32>], vector<16xf32>,
    } {sc.loop_unroll_factor = 8 : i64, sc.parallel_access}
    %dma_start3A_109 = arith.constant 48 : i32
    %dma_start3A_110 = arith.constant 0 : i32
    %dma_start3A_111 = arith.constant 0 : i32
    %dma_start3A_112 = arith.constant 0 : i32
    %dma_start3A_113 = tpu.memref_slice %arg10[%dma_start3A_110, %dma_start3A_111, %dma_start3A_112] : memref<8x8x129xf32, #tpu.memory_space<vmem>> -> memref<8x8x128xf32, #tpu.memory_space<vmem>>
    %dma_start3A_114 = arith.constant 0 : i32
    %dma_start3A_115 = arith.constant 0 : i32
    %dma_start3A_116 = arith.constant 0 : i32
    %dma_start3A_117 = tpu.memref_slice %arg4[%dma_start3A_109, %dma_start3A_114, %add3A, %dma_start3A_115, %dma_start3A_116] : memref<50x8x32x8x128xf32, #tpu.memory_space<hbm>> -> memref<1x8x1x8x128xf32, #tpu.memory_space<hbm>>
    %dma_start3A_118 = tpu.memref_squeeze %dma_start3A_117 : memref<1x8x1x8x128xf32, #tpu.memory_space<hbm>> -> memref<8x8x128xf32, #tpu.memory_space<hbm>>
    %dma_start3A_119 = arith.constant 0 : i32
    %dma_start3A_120 = arith.constant 0 : i32
    %dma_start3A_121 = arith.constant 0 : i32
    %dma_start3A_122 = tpu.memref_slice %arg4[%dma_start3A_109, %dma_start3A_119, %add3A, %dma_start3A_120, %dma_start3A_121] : memref<50x8x32x8x128xf32, #tpu.memory_space<hbm>> -> memref<1x8x1x8x128xf32, #tpu.memory_space<hbm>>
    %dma_start3A_123 = tpu.memref_squeeze %dma_start3A_122 : memref<1x8x1x8x128xf32, #tpu.memory_space<hbm>> -> memref<8x8x128xf32, #tpu.memory_space<hbm>>
    %dma_start3A_124 = arith.constant 0 : i32
    %dma_start3A_125 = arith.constant 0 : i32
    %dma_start3A_126 = arith.constant 0 : i32
    %dma_start3A_127 = tpu.memref_slice %arg10[%dma_start3A_124, %dma_start3A_125, %dma_start3A_126] : memref<8x8x129xf32, #tpu.memory_space<vmem>> -> memref<8x8x128xf32, #tpu.memory_space<vmem>>
    tpu.enqueue_dma source(%dma_start3A_127 : memref<8x8x128xf32, #tpu.memory_space<vmem>>) target(%dma_start3A_123 : memref<8x8x128xf32, #tpu.memory_space<hbm>>) target_semaphore(%arg16 : memref<!tpu.dma_semaphore, #tpu.memory_space<semaphore_mem>>)
    %dma_wait3A_128 = arith.constant 0 : i32
    %dma_wait3A_129 = arith.constant 0 : i32
    %dma_wait3A_130 = tpu.memref_slice %arg5[%dma_wait3A_128, %dma_wait3A_129] : memref<50x128xi32, #tpu.memory_space<vmem>> -> memref<1x128xi32, #tpu.memory_space<vmem>>
    %dma_wait3A_131 = tpu.memref_squeeze %dma_wait3A_130 : memref<1x128xi32, #tpu.memory_space<vmem>> -> memref<128xi32, #tpu.memory_space<vmem>>
    %dma_wait3A_132 = arith.constant 0 : i32
    %dma_wait3A_133 = arith.constant 0 : i32
    %dma_wait3A_134 = tpu.memref_slice %arg3[%dma_wait3A_132, %dma_wait3A_133] : memref<100000x64xf32, #tpu.memory_space<hbm>> -> memref<100000x64xf32, #tpu.memory_space<hbm>>
    tpu.wait_indirect_dma semaphore(%arg13 : memref<!tpu.dma_semaphore, #tpu.memory_space<semaphore_mem>>) src(%dma_wait3A_134 : memref<100000x64xf32, #tpu.memory_space<hbm>>) dst(%arg7 : memref<128x64xf32, #tpu.memory_space<vmem>>)
    %dma_wait3A_135 = arith.constant 0 : i32
    %dma_wait3A_136 = arith.constant 0 : i32
    %dma_wait3A_137 = arith.constant 0 : i32
    %dma_wait3A_138 = arith.constant 0 : i32
    %dma_wait3A_139 = tpu.memref_slice %arg11[%dma_wait3A_136, %dma_wait3A_137, %dma_wait3A_138] : memref<8x8x129xf32, #tpu.memory_space<vmem>> -> memref<8x8x128xf32, #tpu.memory_space<vmem>>
    %dma_wait3A_140 = arith.constant 0 : i32
    %dma_wait3A_141 = arith.constant 0 : i32
    %dma_wait3A_142 = arith.constant 0 : i32
    %dma_wait3A_143 = tpu.memref_slice %arg4[%dma_wait3A_135, %dma_wait3A_140, %add3A, %dma_wait3A_141, %dma_wait3A_142] : memref<50x8x32x8x128xf32, #tpu.memory_space<hbm>> -> memref<1x8x1x8x128xf32, #tpu.memory_space<hbm>>
    %dma_wait3A_144 = tpu.memref_squeeze %dma_wait3A_143 : memref<1x8x1x8x128xf32, #tpu.memory_space<hbm>> -> memref<8x8x128xf32, #tpu.memory_space<hbm>>
    %dma_wait3A_145 = arith.constant 0 : i32
    %dma_wait3A_146 = arith.constant 0 : i32
    %dma_wait3A_147 = arith.constant 0 : i32
    %dma_wait3A_148 = tpu.memref_slice %arg4[%dma_wait3A_135, %dma_wait3A_145, %add3A, %dma_wait3A_146, %dma_wait3A_147] : memref<50x8x32x8x128xf32, #tpu.memory_space<hbm>> -> memref<1x8x1x8x128xf32, #tpu.memory_space<hbm>>
    %dma_wait3A_149 = tpu.memref_squeeze %dma_wait3A_148 : memref<1x8x1x8x128xf32, #tpu.memory_space<hbm>> -> memref<8x8x128xf32, #tpu.memory_space<hbm>>
    %dma_wait3A_150 = arith.constant 0 : i32
    %dma_wait3A_151 = arith.constant 0 : i32
    %dma_wait3A_152 = arith.constant 0 : i32
    %dma_wait3A_153 = tpu.memref_slice %arg11[%dma_wait3A_150, %dma_wait3A_151, %dma_wait3A_152] : memref<8x8x129xf32, #tpu.memory_space<vmem>> -> memref<8x8x128xf32, #tpu.memory_space<vmem>>
    tpu.wait_dma2 semaphore(%arg17 : memref<!tpu.dma_semaphore, #tpu.memory_space<semaphore_mem>>) src(%dma_wait3A_153 : memref<8x8x128xf32, #tpu.memory_space<vmem>>) dst(%dma_wait3A_149 : memref<8x8x128xf32, #tpu.memory_space<hbm>>)
    %parallel_loop3A_154 = arith.constant 0 : i32
    %parallel_loop3A_155 = arith.constant 128 : i32
    %parallel_loop3A_156 = arith.constant 1 : i32
    scf.for %parallel_loop3A_214 = %parallel_loop3A_154 to %parallel_loop3A_155 step %parallel_loop3A_156  : i32 {
      %parallel_loop3A_215 = vector.broadcast %parallel_loop3A_214 : i32 to vector<16xi32>
      %parallel_loop3A_216 = arith.addi %broadcast_in_dim3A_49, %parallel_loop3A_215 : vector<16xi32>
      %parallel_loop3A_217 = arith.index_cast %parallel_loop3A_214 : i32 to index
      %parallel_loop3A_218 = arith.constant 0 : index
      %parallel_loop3A_219 = tpu.vector_load %arg7[%parallel_loop3A_217, %parallel_loop3A_218] {strides = array<i32>} : memref<128x64xf32, #tpu.memory_space<vmem>>, vector<16xf32>,
      tpu.vector_store_idx %arg11[%shift_right_arithmetic3A_7, %and3A_30, %parallel_loop3A_216], %parallel_loop3A_219 : memref<8x8x129xf32, #tpu.memory_space<vmem>>[vector<16xi32>, vector<16xi32>, vector<16xi32>], vector<16xf32>,
      %parallel_loop3A_220 = arith.index_cast %parallel_loop3A_214 : i32 to index
      %parallel_loop3A_221 = arith.constant 16 : index
      %parallel_loop3A_222 = tpu.vector_load %arg7[%parallel_loop3A_220, %parallel_loop3A_221] {strides = array<i32>} : memref<128x64xf32, #tpu.memory_space<vmem>>, vector<16xf32>,
      tpu.vector_store_idx %arg11[%shift_right_arithmetic3A_13, %and3A_36, %parallel_loop3A_216], %parallel_loop3A_222 : memref<8x8x129xf32, #tpu.memory_space<vmem>>[vector<16xi32>, vector<16xi32>, vector<16xi32>], vector<16xf32>,
      %parallel_loop3A_223 = arith.index_cast %parallel_loop3A_214 : i32 to index
      %parallel_loop3A_224 = arith.constant 32 : index
      %parallel_loop3A_225 = tpu.vector_load %arg7[%parallel_loop3A_223, %parallel_loop3A_224] {strides = array<i32>} : memref<128x64xf32, #tpu.memory_space<vmem>>, vector<16xf32>,
      tpu.vector_store_idx %arg11[%shift_right_arithmetic3A_19, %and3A_42, %parallel_loop3A_216], %parallel_loop3A_225 : memref<8x8x129xf32, #tpu.memory_space<vmem>>[vector<16xi32>, vector<16xi32>, vector<16xi32>], vector<16xf32>,
      %parallel_loop3A_226 = arith.index_cast %parallel_loop3A_214 : i32 to index
      %parallel_loop3A_227 = arith.constant 48 : index
      %parallel_loop3A_228 = tpu.vector_load %arg7[%parallel_loop3A_226, %parallel_loop3A_227] {strides = array<i32>} : memref<128x64xf32, #tpu.memory_space<vmem>>, vector<16xf32>,
      tpu.vector_store_idx %arg11[%shift_right_arithmetic3A_25, %and3A_48, %parallel_loop3A_216], %parallel_loop3A_228 : memref<8x8x129xf32, #tpu.memory_space<vmem>>[vector<16xi32>, vector<16xi32>, vector<16xi32>], vector<16xf32>,
    } {sc.loop_unroll_factor = 8 : i64, sc.parallel_access}
    %dma_start3A_157 = arith.constant 49 : i32
    %dma_start3A_158 = arith.constant 0 : i32
    %dma_start3A_159 = arith.constant 0 : i32
    %dma_start3A_160 = arith.constant 0 : i32
    %dma_start3A_161 = tpu.memref_slice %arg11[%dma_start3A_158, %dma_start3A_159, %dma_start3A_160] : memref<8x8x129xf32, #tpu.memory_space<vmem>> -> memref<8x8x128xf32, #tpu.memory_space<vmem>>
    %dma_start3A_162 = arith.constant 0 : i32
    %dma_start3A_163 = arith.constant 0 : i32
    %dma_start3A_164 = arith.constant 0 : i32
    %dma_start3A_165 = tpu.memref_slice %arg4[%dma_start3A_157, %dma_start3A_162, %add3A, %dma_start3A_163, %dma_start3A_164] : memref<50x8x32x8x128xf32, #tpu.memory_space<hbm>> -> memref<1x8x1x8x128xf32, #tpu.memory_space<hbm>>
    %dma_start3A_166 = tpu.memref_squeeze %dma_start3A_165 : memref<1x8x1x8x128xf32, #tpu.memory_space<hbm>> -> memref<8x8x128xf32, #tpu.memory_space<hbm>>
    %dma_start3A_167 = arith.constant 0 : i32
    %dma_start3A_168 = arith.constant 0 : i32
    %dma_start3A_169 = arith.constant 0 : i32
    %dma_start3A_170 = tpu.memref_slice %arg4[%dma_start3A_157, %dma_start3A_167, %add3A, %dma_start3A_168, %dma_start3A_169] : memref<50x8x32x8x128xf32, #tpu.memory_space<hbm>> -> memref<1x8x1x8x128xf32, #tpu.memory_space<hbm>>
    %dma_start3A_171 = tpu.memref_squeeze %dma_start3A_170 : memref<1x8x1x8x128xf32, #tpu.memory_space<hbm>> -> memref<8x8x128xf32, #tpu.memory_space<hbm>>
    %dma_start3A_172 = arith.constant 0 : i32
    %dma_start3A_173 = arith.constant 0 : i32
    %dma_start3A_174 = arith.constant 0 : i32
    %dma_start3A_175 = tpu.memref_slice %arg11[%dma_start3A_172, %dma_start3A_173, %dma_start3A_174] : memref<8x8x129xf32, #tpu.memory_space<vmem>> -> memref<8x8x128xf32, #tpu.memory_space<vmem>>
    tpu.enqueue_dma source(%dma_start3A_175 : memref<8x8x128xf32, #tpu.memory_space<vmem>>) target(%dma_start3A_171 : memref<8x8x128xf32, #tpu.memory_space<hbm>>) target_semaphore(%arg17 : memref<!tpu.dma_semaphore, #tpu.memory_space<semaphore_mem>>)
    %dma_wait3A_176 = arith.constant 0 : i32
    %dma_wait3A_177 = arith.constant 0 : i32
    %dma_wait3A_178 = arith.constant 0 : i32
    %dma_wait3A_179 = arith.constant 0 : i32
    %dma_wait3A_180 = tpu.memref_slice %arg10[%dma_wait3A_177, %dma_wait3A_178, %dma_wait3A_179] : memref<8x8x129xf32, #tpu.memory_space<vmem>> -> memref<8x8x128xf32, #tpu.memory_space<vmem>>
    %dma_wait3A_181 = arith.constant 0 : i32
    %dma_wait3A_182 = arith.constant 0 : i32
    %dma_wait3A_183 = arith.constant 0 : i32
    %dma_wait3A_184 = tpu.memref_slice %arg4[%dma_wait3A_176, %dma_wait3A_181, %add3A, %dma_wait3A_182, %dma_wait3A_183] : memref<50x8x32x8x128xf32, #tpu.memory_space<hbm>> -> memref<1x8x1x8x128xf32, #tpu.memory_space<hbm>>
    %dma_wait3A_185 = tpu.memref_squeeze %dma_wait3A_184 : memref<1x8x1x8x128xf32, #tpu.memory_space<hbm>> -> memref<8x8x128xf32, #tpu.memory_space<hbm>>
    %dma_wait3A_186 = arith.constant 0 : i32
    %dma_wait3A_187 = arith.constant 0 : i32
    %dma_wait3A_188 = arith.constant 0 : i32
    %dma_wait3A_189 = tpu.memref_slice %arg4[%dma_wait3A_176, %dma_wait3A_186, %add3A, %dma_wait3A_187, %dma_wait3A_188] : memref<50x8x32x8x128xf32, #tpu.memory_space<hbm>> -> memref<1x8x1x8x128xf32, #tpu.memory_space<hbm>>
    %dma_wait3A_190 = tpu.memref_squeeze %dma_wait3A_189 : memref<1x8x1x8x128xf32, #tpu.memory_space<hbm>> -> memref<8x8x128xf32, #tpu.memory_space<hbm>>
    %dma_wait3A_191 = arith.constant 0 : i32
    %dma_wait3A_192 = arith.constant 0 : i32
    %dma_wait3A_193 = arith.constant 0 : i32
    %dma_wait3A_194 = tpu.memref_slice %arg10[%dma_wait3A_191, %dma_wait3A_192, %dma_wait3A_193] : memref<8x8x129xf32, #tpu.memory_space<vmem>> -> memref<8x8x128xf32, #tpu.memory_space<vmem>>
    tpu.wait_dma2 semaphore(%arg16 : memref<!tpu.dma_semaphore, #tpu.memory_space<semaphore_mem>>) src(%dma_wait3A_194 : memref<8x8x128xf32, #tpu.memory_space<vmem>>) dst(%dma_wait3A_190 : memref<8x8x128xf32, #tpu.memory_space<hbm>>)
    %dma_wait3A_195 = arith.constant 0 : i32
    %dma_wait3A_196 = arith.constant 0 : i32
    %dma_wait3A_197 = arith.constant 0 : i32
    %dma_wait3A_198 = arith.constant 0 : i32
    %dma_wait3A_199 = tpu.memref_slice %arg11[%dma_wait3A_196, %dma_wait3A_197, %dma_wait3A_198] : memref<8x8x129xf32, #tpu.memory_space<vmem>> -> memref<8x8x128xf32, #tpu.memory_space<vmem>>
    %dma_wait3A_200 = arith.constant 0 : i32
    %dma_wait3A_201 = arith.constant 0 : i32
    %dma_wait3A_202 = arith.constant 0 : i32
    %dma_wait3A_203 = tpu.memref_slice %arg4[%dma_wait3A_195, %dma_wait3A_200, %add3A, %dma_wait3A_201, %dma_wait3A_202] : memref<50x8x32x8x128xf32, #tpu.memory_space<hbm>> -> memref<1x8x1x8x128xf32, #tpu.memory_space<hbm>>
    %dma_wait3A_204 = tpu.memref_squeeze %dma_wait3A_203 : memref<1x8x1x8x128xf32, #tpu.memory_space<hbm>> -> memref<8x8x128xf32, #tpu.memory_space<hbm>>
    %dma_wait3A_205 = arith.constant 0 : i32
    %dma_wait3A_206 = arith.constant 0 : i32
    %dma_wait3A_207 = arith.constant 0 : i32
    %dma_wait3A_208 = tpu.memref_slice %arg4[%dma_wait3A_195, %dma_wait3A_205, %add3A, %dma_wait3A_206, %dma_wait3A_207] : memref<50x8x32x8x128xf32, #tpu.memory_space<hbm>> -> memref<1x8x1x8x128xf32, #tpu.memory_space<hbm>>
    %dma_wait3A_209 = tpu.memref_squeeze %dma_wait3A_208 : memref<1x8x1x8x128xf32, #tpu.memory_space<hbm>> -> memref<8x8x128xf32, #tpu.memory_space<hbm>>
    %dma_wait3A_210 = arith.constant 0 : i32
    %dma_wait3A_211 = arith.constant 0 : i32
    %dma_wait3A_212 = arith.constant 0 : i32
    %dma_wait3A_213 = tpu.memref_slice %arg11[%dma_wait3A_210, %dma_wait3A_211, %dma_wait3A_212] : memref<8x8x129xf32, #tpu.memory_space<vmem>> -> memref<8x8x128xf32, #tpu.memory_space<vmem>>
    tpu.wait_dma2 semaphore(%arg17 : memref<!tpu.dma_semaphore, #tpu.memory_space<semaphore_mem>>) src(%dma_wait3A_213 : memref<8x8x128xf32, #tpu.memory_space<vmem>>) dst(%dma_wait3A_209 : memref<8x8x128xf32, #tpu.memory_space<hbm>>)
    return
  }
}

</mosaic_0001>

<sc_bundles>
// kernel: kernel.3.cloned.1.call-start
scs
__scs_entry_jumppad:
0x0: {  	(pc) =	sbr.rel $0x88, $3  }
0x1: {  	(tag) =	ssettag $0x0;
	lr =	simm.s32 $0x1  }
0x2: {  	[smem:$0x3F9F] =	sst lr;
	_ =	strace $0xD0000000  }
0x3: {  	_ = 	snop  }
0x4: {  	_ = 	snop  }
0x5: {  	_ = 	snop  }
0x6: {  	_ = 	snop  }
0x7: {  	_ = 	snop  }
__scs_overlays_trampoline_lowered:
0x8: {  	[smem:$0x3FAE] =	sst s0  }
0x9: {  	[smem:$0x3FAF] =	sst s1  }
0xa: {  	[smem:$0x3FB0] =	sst s2  }
0xb: {  	[smem:$0x3FB1] =	sst s3  }
0xc: {  	[smem:$0x3FB2] =	sst s4  }
0xd: {  	[smem:$0x3FB3] =	sst s5  }
0xe: {  	[smem:$0x3FB4] =	sst s6  }
0xf: {  	[smem:$0x3FB5] =	sst s7  }
0x10: {  	[smem:$0x3FB6] =	sst s8  }
0x11: {  	[smem:$0x3FB7] =	sst s9;
	s0 =	simm.s32 @!p0 $0x0  }
0x12: {  	s1 =	sld [smem:$0x3F9D];
	s0 =	simm.s32 @p0 $0x1  }
0x13: {  	[smem:$0x3FB8] =	sst s0;
	s0 =	simm.s32 @!p1 $0x0  }
0x14: {  	s2 =	sld [smem:$0x3F9C];
	s0 =	simm.s32 @p1 $0x1  }
0x15: {  	[smem:$0x3FB9] =	sst s0;
	s0 =	simm.s32 @!p2 $0x0  }
0x16: {  	s3 =	sld [smem:$0x3FDB];
	s0 =	simm.s32 @p2 $0x1  }
0x17: {  	s4 =	simm.s32 $0x1BF5;
	[smem:$0x3FBB] =	sst s0  }
0x18: {  	s0 =	sld [smem:$0x3F9E];
	_ =	swait.ge [sflag:s4], $0x0  }
0x19: {  	s7 =	sld [smem:$0x3F9F]  }
0x1a: {  	s8 =	sadd.s32 $0xFFFFE003, lr  }
0x1b: {  	s9 =	sadd.s32 $0xFFFFFEF7, lr;
	s5 =	simm.s32 $0xFFFFFFFF;
	p2 =	slt.u32 s8, $0xFFFFF086  }
0x1c: {  	p1 =	slt.u32 s9, $0xF7A;
	s5 =	simm.s32 @!p2 $0x0  }
0x1d: {  	s5 =	simm.s32 @p1 $0x1;
	p0 =	seq.s32 s7, s2  }
0x1e: {  	s7 =	smul.u32 @!p0 $0xF7A, s2;
	p2 =	seq.s32 @!p0 s5, $0x0  }
0x1f: {  	s9 =	smul.u32 $0xF7A, s1;
	s8 =	simm.s32 @!p0 $0x1BF5;
	p2 =	por !p2, p0  }
0x20: {  	[sflag:s8] =	ssyncset.s32 @!p0 $0xFFFFF086;
	s6 =	sadd.s32 @!p0 s3, s7;
	s7 =	simm.s32 @!p0 $0x108  }
0x21: {  	s3 =	sadd.s32 s3, s9;
	s6 =	sadd.s32 @!p0 $0x88, s6;
	s7 =	simm.s32 @p2 $0x1082  }
0x22: {  	[simem:s7], [sflag:s8] =	dma.local @!p0 [hbm:s6], $0xF7A  }
0x23: {  	s9 =	sor.u32 $0xD0000000, s2;
	s6 =	simm.s32 $0x108;
	_ =	swait.ge @!p0 [sflag:s8], $0x0  }
0x24: {  	s3 =	sadd.s32 $0x88, s3;
	s6 =	simm.s32 @!p1 $0x1082;
	[sflag:s4] =	ssyncset.s32 $0xFFFFF086  }
0x25: {  	[simem:s6], [sflag:s4] =	dma.local [hbm:s3], $0xF7A  }
0x26: {  	[smem:$0x3F9F] =	sst s1;
	(tag) =	ssettag s2;
	_ =	strace s9  }
0x27: {  	s1 =	sld [smem:$0x3FAF]  }
0x28: {  	s2 =	sld [smem:$0x3FB0]  }
0x29: {  	s4 =	sld [smem:$0x3FB2]  }
0x2a: {  	p0 =	seq.s32 s5, $0x0;
	s5 =	sld [smem:$0x3FB3]  }
0x2b: {  	s6 =	sld [smem:$0x3FB4]  }
0x2c: {  	s7 =	sld [smem:$0x3FB5]  }
0x2d: {  	s3 =	simm.s32 $0x108;
	s8 =	sld [smem:$0x3FB6]  }
0x2e: {  	s3 =	simm.s32 @!p0 $0x1082;
	s9 =	sld [smem:$0x3FB7]  }
0x2f: {  	lr =	sadd.s32 s0, s3;
	s0 =	sld [smem:$0x3FAE]  }
0x30: {  	s3 =	sld [smem:$0x3FB1]  }
0x31: {  	[smem:$0x3FBA] =	sst s10  }
0x32: {  	s10 =	sld [smem:$0x3FB8];
	_ =	sdelay $0x3  }
0x33: {  	p0 =	seq.s32 s10, $0x1;
	s10 =	sld [smem:$0x3FBA];
	_ =	sdelay $0x3  }
0x34: {  	[smem:$0x3FBA] =	sst s10  }
0x35: {  	s10 =	sld [smem:$0x3FB9];
	_ =	sdelay $0x3  }
0x36: {  	p1 =	seq.s32 s10, $0x1;
	s10 =	sld [smem:$0x3FBA];
	_ =	sdelay $0x3  }
0x37: {  	[smem:$0x3FBA] =	sst s10  }
0x38: {  	s10 =	sld [smem:$0x3FBB]  }
0x39: {  	_ = 	snop;
	(pc) =	sbr.ind lr, $3  }
0x3a: {  	_ = 	snop  }
0x3b: {  	_ = 	snop  }
0x3c: {  	p2 =	seq.s32 s10, $0x1;
	s10 =	sld [smem:$0x3FBA]  }
0x3d: {  	_ =	shalt  }
0x3e: {  	_ =	shalt  }
0x3f: {  	_ =	shalt  }
0x40: {  	_ =	shalt  }
0x41: {  	_ =	shalt  }
0x42: {  	_ =	shalt  }
0x43: {  	_ =	shalt  }
0x44: {  	_ =	shalt  }
0x45: {  	_ =	shalt  }
0x46: {  	_ =	shalt  }
0x47: {  	_ =	shalt  }
0x48: {  	_ =	shalt  }
0x49: {  	_ =	shalt  }
0x4a: {  	_ =	shalt  }
0x4b: {  	_ =	shalt  }
0x4c: {  	_ =	shalt  }
0x4d: {  	_ =	shalt  }
0x4e: {  	_ =	shalt  }
0x4f: {  	_ =	shalt  }
0x50: {  	_ =	shalt  }
0x51: {  	_ =	shalt  }
0x52: {  	_ =	shalt  }
0x53: {  	_ =	shalt  }
0x54: {  	_ =	shalt  }
0x55: {  	_ =	shalt  }
0x56: {  	_ =	shalt  }
0x57: {  	_ =	shalt  }
0x58: {  	_ =	shalt  }
0x59: {  	_ =	shalt  }
0x5a: {  	_ =	shalt  }
0x5b: {  	_ =	shalt  }
0x5c: {  	_ =	shalt  }
0x5d: {  	_ =	shalt  }
0x5e: {  	_ =	shalt  }
0x5f: {  	_ =	shalt  }
0x60: {  	_ =	shalt  }
0x61: {  	_ =	shalt  }
0x62: {  	_ =	shalt  }
0x63: {  	_ =	shalt  }
0x64: {  	_ =	shalt  }
0x65: {  	_ =	shalt  }
0x66: {  	_ =	shalt  }
0x67: {  	_ =	shalt  }
0x68: {  	_ =	shalt  }
0x69: {  	_ =	shalt  }
0x6a: {  	_ =	shalt  }
0x6b: {  	_ =	shalt  }
0x6c: {  	_ =	shalt  }
0x6d: {  	_ =	shalt  }
0x6e: {  	_ =	shalt  }
0x6f: {  	_ =	shalt  }
0x70: {  	_ =	shalt  }
0x71: {  	_ =	shalt  }
0x72: {  	_ =	shalt  }
0x73: {  	_ =	shalt  }
0x74: {  	_ =	shalt  }
0x75: {  	_ =	shalt  }
0x76: {  	_ =	shalt  }
0x77: {  	_ =	shalt  }
0x78: {  	_ =	shalt  }
0x79: {  	_ =	shalt  }
0x7a: {  	_ =	shalt  }
0x7b: {  	_ =	shalt  }
0x7c: {  	_ =	shalt  }
0x7d: {  	_ =	shalt  }
0x7e: {  	_ =	shalt  }
0x7f: {  	_ =	shalt  }
0x80: {  	_ =	shalt  }
0x81: {  	_ =	shalt  }
0x82: {  	_ =	shalt  }
0x83: {  	_ =	shalt  }
0x84: {  	_ =	shalt  }
0x85: {  	_ =	shalt  }
0x86: {  	_ =	shalt  }
0x87: {  	_ =	shalt  }
.Lfunc_end0:
.L_simem_size_0:
called_computation_lowered:
.L_overlay_start_0:
0x88: {  	s2 =	sld [smem:$0x3FD9]  }
0x89: {  	s3 =	sld [smem:$0x3FFE];
	_ =	sdelay $0x1  }
0x8a: {  	s1 =	srdreg.scid  }
0x8b: {  	s0 =	sand.u32 $0x1, s1  }
0x8c: {  	s17 =	sshll.u32 s0, $0xA;
	s2 =	sadd.s32 s3, s2  }
0x8d: {  	s2 =	sadd.s32 s2, s17  }
0x8e: {  	[smem:$0x3FC6] =	sst s2  }
0x8f: {  	_ = 	snop  }
0x90: {  	s2 =	sld [smem:$0x3FD0];
	(tm) =	ssettm $0x1  }
0x91: {  	s18 =	sld [smem:$0x3FFB];
	_ =	sdelay $0x3  }
0x92: {  	_ =	strace s18  }
0x93: {  	s3 =	sld [smem:$0x3FFC];
	_ =	sdelay $0x3  }
0x94: {  	_ =	strace s3  }
0x95: {  	s3 =	sld [smem:$0x3FFD];
	_ =	sdelay $0x3  }
0x96: {  	_ =	strace s3  }
0x97: {  	_ =	strace $0x8FFFFFFF  }
0x98: {  	s19 =	sld [smem:$0x3FDB];
	_ =	sdelay $0x1  }
0x99: {  	s4 =	simm.s32 $_scs_section_size  }
0x9a: {  	s5 =	simm.s32 $_size__tile_overlayer_lowered;
	s6 =	simm.s32 $_tile_overlayer_lowered  }
0x9b: {  	s22 =	simm.s32 $0x1BFF;
	s21 =	sshll.u32 s6, $0x1;
	s3 =	sadd.s32 s4, s19  }
0x9c: {  	s7 =	simm.s32 $0x0;
	s20 =	sshll.u32 s5, $0x1;
	s5 =	sadd.s32 s21, s3  }
0x9d: {  	[timem:s7], [sflag:s22] =	dma.local [hbm:s5], s20  }
0x9e: {  	_ =	swait.ge [sflag:s22], s20  }
0x9f: {  	s4 =	ssub.s32 $0x0, s20;
	[sflag:s22] =	ssyncset.done $0x0  }
0xa0: {  	[sflag:s22] =	ssyncadd.s32 s4;
	_ =	sdelay $0x1  }
0xa1: {  	s23 =	simm.s32 $0x1B8B  }
0xa2: {  	_ =	swait.ge [sflag:s23], $0x1  }
0xa3: {  	[sflag:s23] =	ssyncset.done $0x0  }
0xa4: {  	s25 =	simm.s32 $0x1B8E;
	s24 =	sld [smem:$0x3FFE];
	[sflag:s23] =	ssyncadd.s32 $0xFFFFFFFF  }
0xa5: {  	s26 =	simm.s32 $execute0_lowered;
	[smem:$0x3FD2] =	sst s25  }
0xa6: {  	s5 =	sshll.u32 s26, $0x1;
	_ =	strace $0x80000046;
	[dreg:$0x1] =	wrdreg $0xFFFFFFFF  }
0xa7: {  	s28 =	simm.s32 $_size_execute0_lowered;
	s3 =	sadd.s32 s3, s5;
	[dreg:$0x0] =	wrdreg $0x0  }
0xa8: {  	s5 =	sshll.u32 s28, $0x1;
	[dreg:$0x2] =	wrdreg s3  }
0xa9: {  	[dreg:$0x3] =	wrdreg s5  }
0xaa: {  	[dreg:$0x4] =	wrdreg $0xC0  }
0xab: {  	_ =	task [dreg:s7], $0x5FFFF  }
0xac: {  	[dreg:$0x1] =	wrdreg $0xFFFFFFFF  }
0xad: {  	[dreg:$0x0] =	wrdreg $0x60  }
0xae: {  	[dreg:$0x2] =	wrdreg s24  }
0xaf: {  	[dreg:$0x3] =	wrdreg s2  }
0xb0: {  	[dreg:$0x4] =	wrdreg $0x9  }
0xb1: {  	_ =	task.clear_ibuf [dreg:s7], $0x5FFFF;
	_ =	strace $0x90000046  }
0xb2: {  	s29 =	simm.s32 $0x9;
	_ =	strace $0x80000048  }
0xb3: {  	_ =	swait.ge [sflag:s29], $0x1  }
0xb4: {  	[sflag:s29] =	ssyncadd.s32 $0xFFFFFFFF  }
0xb5: {  	_ =	strace $0x90000048  }
0xb6: {  	_ =	sfence  }
0xb7: {  	s30 =	sld [smem:$0x0];
	_ =	sdelay $0x2  }
0xb8: {  	s31 =	sshll.u32 s1, $0xD;
	s1 =	sshrl.u32 s1, $0x2  }
0xb9: {  	s3 =	sand.u32 $0x4000, s31;
	s1 =	sadd.s32 s1, s30  }
0xba: {  	s0 =	sor.u32 s3, s0;
	s1 =	sshll.u32 s1, $0x11  }
0xbb: {  	s0 =	sor.u32 s1, s0  }
0xbc: {  	s0 =	sadd.s32 $0x8F2B, s0  }
0xbd: {  	[sflag:s0] =	ssyncadd.remote.s32 $0x1  }
0xbe: {  	_ =	sfence.sel $0xFFFF  }
0xbf: {  	[dreg:$0x0] =	wrdreg $0xFFFFFFFF;
	(pc) =	sbr.abs _section_cstart, $3  }
0xc0: {  	[dreg:$0x1] =	wrdreg $0xFFFFFFFF  }
0xc1: {  	_ =	task.clear_ibuf [dreg:s7], $0x2FFFF;
	_ =	strace $0x9FFFFFFF  }
0xc2: {  	(tm) =	ssettm $0x7FFFFFFF  }
0xc3: {  	_ =	shalt  }
tec
execute0_lowered:
.L_overlay_start_1:
0x0: {  	(tag) =	ssettag $0x1  }
0x1: {  	s0 =	rddreg [dreg:$0x0]  }
0x2: {  	s2 =	rddreg [dreg:$0x1];
	v0 =	vlaneseq.u32  }
0x3: {  	s1 =	srdreg.scid;
	s4 =	stileid.u32;
	v0 =	vmul.u32 $0x88, v0  }
0x4: {  	s3 =	simm.s32 $0x0;
	v1 =	vimm.s32 $0x0;
	vm0 =	vcmask $0x300;
	s13 =	simm.s32 $0x80;
	s15 =	simm.s32 $0x7  }
0x5: {  	s16 =	simm.s32 $0x1900;
	s17 =	simm.s32 $0x3900;
	s22 =	simm.s32 $0x1;
	v1 =	vsel vm0, $0x3, v1;
	v2 =	vadd.s32 $0x880, v0  }
0x6: {  	s23 =	simm.s32 $0x9900;
	s28 =	simm.s32 $0x5;
	s29 =	simm.s32 $0x4;
	v3 =	vadd.s32 $0x1100, v0;
	v4 =	vadd.s32 $0x1980, v0;
	v5 =	vor.u32 $0x1, v0  }
0x7: {  	s30 =	simm.s32 $0x6;
	s31 =	simm.s32 $0x0;
	s1 =	sand.u32 $0x1, s1;
	v6 =	vadd.s32 $0x881, v0;
	v7 =	vadd.s32 $0x1101, v0;
	v8 =	vadd.s32 $0x1981, v0  }
0x8: {  	s4 =	sshll.u32 s4, $0x1;
	[smem:$0x7FF] =	sst s3;
	s8 =	sadd.s32 $0x10000, s2;
	v9 =	vor.u32 $0x2, v0;
	v10 =	vadd.s32 $0x882, v0;
	v11 =	vadd.s32 $0x1102, v0  }
0x9: {  	s9 =	sadd.s32 $0x18000, s2;
	s5 =	sor.u32 s1, s4;
	s1 =	ssub.s32 $0x2, s1;
	v12 =	vadd.s32 $0x1982, v0;
	v13 =	vor.u32 $0x3, v0;
	v14 =	vadd.s32 $0x883, v0  }
0xa: {  	_ =	strace $0x80000047;
	s4 =	sshll.u32 s5, $0x4;
	s6 =	sshrl.u32 s1, $0x1;
	v15 =	vadd.s32 $0x1103, v0;
	v16 =	vadd.s32 $0x1983, v0;
	v17 =	vor.u32 $0x4, v0  }
0xb: {  	v18 =	vadd.s32 $0x884, v0;
	v19 =	vadd.s32 $0x1104, v0;
	v20 =	vadd.s32 $0x1984, v0;
	s7 =	sadd.s32 s4, s0;
	s4 =	sadd.s32 $0x6800, s0;
	s24 =	ssub.s32 s1, s6  }
0xc: {  	v21 =	vor.u32 $0x5, v0;
	v22 =	vadd.s32 $0x885, v0;
	v23 =	vadd.s32 $0x1105, v0;
	s6 =	sshll.u32 s5, $0x7;
	s25 =	sadd.s32 $0x400, s7;
	s7 =	sadd.s32 $0x8000, s2  }
0xd: {  	v24 =	vadd.s32 $0x1985, v0;
	v25 =	vor.u32 $0x6, v0;
	v26 =	vadd.s32 $0x886, v0;
	s26 =	sadd.s32 s6, s2;
	s0 =	smax.u32 s24, $0x1;
	s24 =	simm.s32 $0x2  }
0xe: {  	v27 =	vadd.s32 $0x1106, v0;
	v28 =	vadd.s32 $0x1986, v0;
	v29 =	vor.u32 $0x7, v0;
	[dreg:$0x3] =	wrdreg s25;
	s10 =	sadd.s32 $0x180000, s26;
	s11 =	sadd.s32 $0x188000, s26  }
0xf: {  	v30 =	vadd.s32 $0x887, v0;
	v31 =	vadd.s32 $0x1107, v0;
	v32 =	vadd.s32 $0x1987, v0;
	[dreg:$0x4] =	wrdreg s0;
	s25 =	simm.s32 $0xBB00;
	s26 =	simm.s32 $0x3  }
.LBB2_1:
0x10: {  	s0 =	rddreg [dreg:$0x3];
	s1 =	simm.s32 $0x1000  }
0x11: {  	[tilespmem:s3], [sflag:$0x7] =	stream.strided.gather [hbm4b:s0+s13], $0x1900, s1, s13, $0x38;
	[tilespmem:$0xDD00] =	vst v63  }
0x12: {  	_ =	swait.ge [sflag:s15], $0x1900  }
0x13: {  	[sflag:s15] =	ssyncset.done $0x0  }
0x14: {  	[sflag:s15] =	ssyncadd.s32 $0xFFFFE700  }
0x15: {  	[tilespmem:s16], [sflag:$0x1] =	stream.indirect.gather [hbm4b:s4+s13], $0x40, s3, s13, $0xb8;
	[tilespmem:$0xDD00] =	vst v63  }
0x16: {  	_ = 	snop  }
0x17: {  	[tilespmem:s17], [sflag:$0x2] =	stream.indirect.gather [hbm4b:s4+s13], $0x40, s13, s13, $0xb8;
	[tilespmem:$0xDD00] =	vst v63  }
0x18: {  	s18 =	simm.s32 $0x100;
	s19 =	simm.s32 $0x5900  }
0x19: {  	[tilespmem:s19], [sflag:$0x3] =	stream.indirect.gather [hbm4b:s4+s13], $0x40, s18, s13, $0xb8;
	[tilespmem:$0xDD00] =	vst v63  }
0x1a: {  	s20 =	simm.s32 $0x180;
	s21 =	simm.s32 $0x7900;
	s0 =	simm.s32 $0x0  }
0x1b: {  	[tilespmem:s21], [sflag:$0x4] =	stream.indirect.gather [hbm4b:s4+s13], $0x40, s20, s13, $0xb8;
	[tilespmem:$0xDD00] =	vst v63  }
.LBB2_2:
0x1c: {  	s1 =	simm.s32 $0x0;
	s21 =	simm.s32 $0x1;
	s5 =	simm.s32 $0x2  }
0x1d: {  	s12 =	simm.s32 $0x3;
	s18 =	simm.s32 $0x4;
	s14 =	simm.s32 $0x7;
	v33 =	vmov s1;
	v34 =	vmov s21;
	v35 =	vmov s5  }
0x1e: {  	_ =	swait.ge [sflag:s22], $0x2000;
	s19 =	simm.s32 $0x5;
	s20 =	simm.s32 $0x6;
	v36 =	vmov s12;
	v37 =	vmov s18;
	v38 =	vmov s14  }
0x1f: {  	p0 =	seq.s32 s0, $0x0;
	[sflag:s22] =	ssyncset.done $0x0;
	v39 =	vmov s19;
	v40 =	vmov s20;
	v33 =	vshrl.u32 v33, $0x3  }
0x20: {  	s5 =	simm.s32 @!p0 $0x5;
	[sflag:s22] =	ssyncadd.s32 $0xFFFFE000;
	v38 =	vshrl.u32 v38, $0x3;
	v34 =	vshrl.u32 v34, $0x3;
	v35 =	vshrl.u32 v35, $0x3  }
0x21: {  	v36 =	vshrl.u32 v36, $0x3;
	v37 =	vshrl.u32 v37, $0x3;
	_ =	swait.ge @!p0 [sflag:s5], $0x2000;
	v38 =	vshll.u32 v38, v1  }
0x22: {  	v55 =	vshrl.u32 v39, $0x3;
	v33 =	vshll.u32 v33, v1;
	[sflag:s5] =	ssyncset.done @!p0 $0x0;
	v38 =	vbroadcast v38, $0x0  }
0x23: {  	s14 =	simm.s32 $0x1A00;
	v40 =	vshrl.u32 v40, $0x3;
	v34 =	vshll.u32 v34, v1;
	v33 =	vbroadcast v33, $0x0;
	[sflag:s5] =	ssyncadd.s32 @!p0 $0xFFFFE000  }
0x24: {  	v51 =	vshll.u32 v35, v1;
	v47 =	vbroadcast v34, $0x0;
	v41 =	vld [tilespmem:s14+$0xC0];
	v42 =	vadd.s32 v29, v38  }
0x25: {  	v52 =	vshll.u32 v36, v1;
	v53 =	vbroadcast v51, $0x0;
	v43 =	vld [tilespmem:s14+$0xFFFFFF00];
	v44 =	vadd.s32 v0, v33  }
0x26: {  	v54 =	vshll.u32 v37, v1;
	v35 =	vbroadcast v52, $0x0;
	v45 =	vld [tilespmem:s14+$0xFFFFFF40];
	v46 =	vadd.s32 v5, v47  }
0x27: {  	v36 =	vshll.u32 v55, v1;
	v34 =	vbroadcast v54, $0x0;
	v48 =	vld [tilespmem:s14+$0xFFFFFF80];
	v49 =	vadd.s32 v9, v53  }
0x28: {  	v56 =	vshll.u32 v40, v1;
	v37 =	vbroadcast v36, $0x0;
	v39 =	vld [tilespmem:s14+$0xFFFFFFC0];
	v50 =	vadd.s32 v13, v35  }
0x29: {  	v36 =	vbroadcast v56, $0x0;
	v51 =	vld [tilespmem:s14+$0x0];
	v52 =	vadd.s32 v17, v34;
	[tilespmem:v42+s23+$0x0] =	vst.idx.msk $0xffff, v41  }
0x2a: {  	v59 =	vld [tilespmem:s14+$0x40];
	v60 =	vadd.s32 v21, v37;
	[tilespmem:v44+s23+$0x0] =	vst.idx.msk $0xffff, v43  }
0x2b: {  	v61 =	vld [tilespmem:s14+$0x80];
	v62 =	vadd.s32 v25, v36;
	[tilespmem:v46+s23+$0x0] =	vst.idx.msk $0xffff, v45  }
0x2c: {  	v58 =	vadd.s32 v30, v38;
	[tilespmem:v49+s23+$0x0] =	vst.idx.msk $0xffff, v48;
	v57 =	vld [tilespmem:s14+$0xD0]  }
0x2d: {  	v63 =	vadd.s32 v6, v47;
	[tilespmem:v50+s23+$0x0] =	vst.idx.msk $0xffff, v39;
	v46 =	vld [tilespmem:s14+$0xFFFFFF50]  }
0x2e: {  	v55 =	vadd.s32 v10, v53;
	[tilespmem:v52+s23+$0x0] =	vst.idx.msk $0xffff, v51;
	v54 =	vld [tilespmem:s14+$0xFFFFFF90]  }
0x2f: {  	v56 =	vadd.s32 v14, v35;
	[tilespmem:v60+s23+$0x0] =	vst.idx.msk $0xffff, v59;
	v50 =	vld [tilespmem:s14+$0xFFFFFFD0]  }
0x30: {  	[tilespmem:v62+s23+$0x0] =	vst.idx.msk $0xffff, v61;
	v45 =	vadd.s32 v22, v37;
	v44 =	vld [tilespmem:s14+$0x50]  }
0x31: {  	v59 =	vadd.s32 v18, v34;
	[tilespmem:v58+s23+$0x0] =	vst.idx.msk $0xffff, v57;
	v58 =	vld [tilespmem:s14+$0x10]  }
0x32: {  	v57 =	vadd.s32 v31, v38;
	[tilespmem:v63+s23+$0x0] =	vst.idx.msk $0xffff, v46;
	v40 =	vld [tilespmem:s14+$0xE0]  }
0x33: {  	v60 =	vadd.s32 v26, v36;
	[tilespmem:v55+s23+$0x0] =	vst.idx.msk $0xffff, v54;
	v63 =	vld [tilespmem:s14+$0x90]  }
0x34: {  	v62 =	vadd.s32 v2, v33;
	v61 =	vld [tilespmem:s14+$0xFFFFFF10];
	[tilespmem:v56+s23+$0x0] =	vst.idx.msk $0xffff, v50  }
0x35: {  	v51 =	vadd.s32 v7, v47;
	[tilespmem:v45+s23+$0x0] =	vst.idx.msk $0xffff, v44;
	v50 =	vld [tilespmem:s14+$0xFFFFFF60]  }
0x36: {  	v56 =	vadd.s32 v11, v53;
	v55 =	vld [tilespmem:s14+$0xFFFFFFA0];
	[tilespmem:v59+s23+$0x0] =	vst.idx.msk $0xffff, v58  }
0x37: {  	v58 =	vadd.s32 v15, v35;
	[tilespmem:v57+s23+$0x0] =	vst.idx.msk $0xffff, v40;
	v57 =	vld [tilespmem:s14+$0xFFFFFFE0]  }
0x38: {  	[tilespmem:v60+s23+$0x0] =	vst.idx.msk $0xffff, v63;
	v60 =	vadd.s32 v19, v34;
	v59 =	vld [tilespmem:s14+$0x20]  }
0x39: {  	s5 =	simm.s32 $0x9;
	v38 =	vadd.s32 v32, v38;
	[tilespmem:v62+s23+$0x0] =	vst.idx.msk $0xffff, v61;
	v54 =	vld [tilespmem:s14+$0xF0]  }
0x3a: {  	s21 =	simm.s32 $0x8;
	v41 =	vadd.s32 v23, v37;
	v52 =	vmov s5;
	[tilespmem:v51+s23+$0x0] =	vst.idx.msk $0xffff, v50;
	v40 =	vld [tilespmem:s14+$0x60]  }
0x3b: {  	s18 =	simm.s32 $0xB;
	s19 =	simm.s32 $0xC;
	v43 =	vadd.s32 v27, v36;
	v48 =	vadd.s32 v3, v33;
	v63 =	vmov s21;
	v42 =	vld [tilespmem:s14+$0xA0];
	[tilespmem:v56+s23+$0x0] =	vst.idx.msk $0xffff, v55  }
0x3c: {  	v44 =	vmov s18;
	v46 =	vmov s19;
	v45 =	vld [tilespmem:s14+$0xFFFFFF20];
	s21 =	simm.s32 $0xE;
	v39 =	vshrl.u32 v63, $0x3;
	[tilespmem:v58+s23+$0x0] =	vst.idx.msk $0xffff, v57  }
0x3d: {  	s12 =	simm.s32 $0xA;
	s20 =	simm.s32 $0xD;
	v51 =	vadd.s32 v8, v47;
	v49 =	vld [tilespmem:s14+$0xFFFFFF70];
	v47 =	vshll.u32 v39, v1;
	v39 =	vmov s21;
	[tilespmem:v60+s23+$0x0] =	vst.idx.msk $0xffff, v59  }
0x3e: {  	s1 =	sshll.u32 s0, $0xB;
	s19 =	simm.s32 $0xF;
	s18 =	simm.s32 $0x10;
	v53 =	vadd.s32 v12, v53;
	v50 =	vld [tilespmem:s14+$0xFFFFFFB0];
	[tilespmem:v38+s23+$0x0] =	vst.idx.msk $0xffff, v54;
	v54 =	vmov s12;
	v38 =	vmov s20  }
.LBB2_3:
0x3f: {  	p1 =	slt.u32 s18, $0x78;
	v52 =	vshrl.u32 v52, $0x3;
	v55 =	vmov s19;
	v56 =	vld [tilespmem:s14+$0xFFFFFFF0];
	v35 =	vadd.s32 v16, v35;
	[tilespmem:v41+s23+$0x0] =	vst.idx.msk $0xffff, v40  }
0x40: {  	v40 =	vshrl.u32 v54, $0x3;
	v34 =	vadd.s32 v20, v34;
	v41 =	vshrl.u32 v55, $0x3;
	v54 =	vld [tilespmem:s14+$0x30];
	[tilespmem:v43+s23+$0x0] =	vst.idx.msk $0xffff, v42  }
0x41: {  	v37 =	vadd.s32 v24, v37;
	v42 =	vshrl.u32 v44, $0x3;
	v41 =	vshll.u32 v41, v1;
	[tilespmem:v48+s23+$0x0] =	vst.idx.msk $0xffff, v45;
	v43 =	vld [tilespmem:s14+$0x70]  }
0x42: {  	v36 =	vadd.s32 v28, v36;
	v44 =	vshrl.u32 v46, $0x3;
	v41 =	vbroadcast v41, $0x0;
	[tilespmem:v51+s23+$0x0] =	vst.idx.msk $0xffff, v49;
	v45 =	vld [tilespmem:s14+$0xB0]  }
0x43: {  	v46 =	vshll.u32 v52, v1;
	v49 =	vadd.s32 v4, v33;
	v33 =	vbroadcast v47, $0x0;
	v48 =	vld [tilespmem:s14+$0xFFFFFF30];
	[tilespmem:v53+s23+$0x0] =	vst.idx.msk $0xffff, v50;
	s14 =	sadd.s32 $0x200, s14  }
0x44: {  	v40 =	vshll.u32 v40, v1;
	v47 =	vbroadcast v46, $0x0;
	v46 =	vld [tilespmem:s14+$0xC0];
	v50 =	vadd.s32 v29, v41;
	[tilespmem:v35+s23+$0x0] =	vst.idx.msk $0xffff, v56  }
0x45: {  	v53 =	vbroadcast v40, $0x0;
	v52 =	vadd.s32 v0, v33;
	v35 =	vshll.u32 v42, v1;
	v51 =	vld [tilespmem:s14+$0xFFFFFF00];
	[tilespmem:v34+s23+$0x0] =	vst.idx.msk $0xffff, v54  }
0x46: {  	v42 =	vadd.s32 v5, v47;
	v35 =	vbroadcast v35, $0x0;
	v34 =	vshll.u32 v44, v1;
	v40 =	vld [tilespmem:s14+$0xFFFFFF40];
	[tilespmem:v37+s23+$0x0] =	vst.idx.msk $0xffff, v43  }
0x47: {  	v44 =	vadd.s32 v9, v53;
	v34 =	vbroadcast v34, $0x0;
	v37 =	vshrl.u32 v38, $0x3;
	v43 =	vld [tilespmem:s14+$0xFFFFFF80];
	[tilespmem:v36+s23+$0x0] =	vst.idx.msk $0xffff, v45  }
0x48: {  	v39 =	vshrl.u32 v39, $0x3;
	v45 =	vadd.s32 v13, v35;
	v36 =	vshll.u32 v37, v1;
	v38 =	vld [tilespmem:s14+$0xFFFFFFC0];
	[tilespmem:v49+s23+$0x0] =	vst.idx.msk $0xffff, v48  }
0x49: {  	v49 =	vadd.s32 v17, v34;
	v37 =	vbroadcast v36, $0x0;
	v36 =	vshll.u32 v39, v1;
	v48 =	vld [tilespmem:s14+$0x0];
	[tilespmem:v50+s23+$0x0] =	vst.idx.msk $0xffff, v46  }
0x4a: {  	v36 =	vbroadcast v36, $0x0;
	v46 =	vadd.s32 v30, v41;
	[tilespmem:v52+s23+$0x0] =	vst.idx.msk $0xffff, v51;
	v39 =	vld [tilespmem:s14+$0xD0]  }
0x4b: {  	[tilespmem:v42+s23+$0x0] =	vst.idx.msk $0xffff, v40;
	v40 =	vld [tilespmem:s14+$0x40];
	v42 =	vadd.s32 v21, v37  }
0x4c: {  	[tilespmem:v44+s23+$0x0] =	vst.idx.msk $0xffff, v43;
	v43 =	vld [tilespmem:s14+$0x80];
	v44 =	vadd.s32 v25, v36  }
0x4d: {  	v51 =	vadd.s32 v6, v47;
	v50 =	vld [tilespmem:s14+$0xFFFFFF50];
	[tilespmem:v45+s23+$0x0] =	vst.idx.msk $0xffff, v38  }
0x4e: {  	v45 =	vadd.s32 v10, v53;
	v38 =	vld [tilespmem:s14+$0xFFFFFF90];
	[tilespmem:v49+s23+$0x0] =	vst.idx.msk $0xffff, v48  }
0x4f: {  	v49 =	vadd.s32 v14, v35;
	v48 =	vld [tilespmem:s14+$0xFFFFFFD0];
	[tilespmem:v46+s23+$0x0] =	vst.idx.msk $0xffff, v39  }
0x50: {  	[tilespmem:v42+s23+$0x0] =	vst.idx.msk $0xffff, v40;
	v39 =	vld [tilespmem:s14+$0xE0];
	v40 =	vadd.s32 v31, v41  }
0x51: {  	v46 =	vadd.s32 v18, v34;
	v42 =	vld [tilespmem:s14+$0x10];
	[tilespmem:v44+s23+$0x0] =	vst.idx.msk $0xffff, v43  }
0x52: {  	v44 =	vadd.s32 v22, v37;
	[tilespmem:v51+s23+$0x0] =	vst.idx.msk $0xffff, v50;
	v43 =	vld [tilespmem:s14+$0x50]  }
0x53: {  	[tilespmem:v45+s23+$0x0] =	vst.idx.msk $0xffff, v38;
	v38 =	vld [tilespmem:s14+$0x90];
	v45 =	vadd.s32 v26, v36  }
0x54: {  	v51 =	vadd.s32 v2, v33;
	v50 =	vld [tilespmem:s14+$0xFFFFFF10];
	[tilespmem:v49+s23+$0x0] =	vst.idx.msk $0xffff, v48  }
0x55: {  	v49 =	vadd.s32 v7, v47;
	v48 =	vld [tilespmem:s14+$0xFFFFFF60];
	[tilespmem:v40+s23+$0x0] =	vst.idx.msk $0xffff, v39  }
0x56: {  	[tilespmem:v46+s23+$0x0] =	vst.idx.msk $0xffff, v42;
	v39 =	vld [tilespmem:s14+$0xF0];
	v46 =	vadd.s32 v32, v41  }
0x57: {  	v56 =	vadd.s32 v11, v53;
	v55 =	vld [tilespmem:s14+$0xFFFFFFA0];
	[tilespmem:v44+s23+$0x0] =	vst.idx.msk $0xffff, v43  }
0x58: {  	v58 =	vadd.s32 v15, v35;
	v57 =	vld [tilespmem:s14+$0xFFFFFFE0];
	[tilespmem:v45+s23+$0x0] =	vst.idx.msk $0xffff, v38  }
0x59: {  	v60 =	vadd.s32 v19, v34;
	[tilespmem:v51+s23+$0x0] =	vst.idx.msk $0xffff, v50;
	v59 =	vld [tilespmem:s14+$0x20]  }
.Ltmp0:
0x5a: {  	s5 =	sadd.s32 $0x1, s18;
	v41 =	vadd.s32 v23, v37;
	v38 =	vmov s18;
	[tilespmem:v49+s23+$0x0] =	vst.idx.msk $0xffff, v48;
	v40 =	vld [tilespmem:s14+$0x60];
	(pc) =	sbr.rel @p1 .LBB2_3-.Ltmp0, $4  }
0x5b: {  	s19 =	sadd.s32 $0x3, s18;
	v52 =	vmov s5;
	s5 =	sadd.s32 $0x2, s18;
	v43 =	vadd.s32 v27, v36;
	v50 =	vshrl.u32 v38, $0x3;
	v42 =	vld [tilespmem:s14+$0xA0];
	[tilespmem:v46+s23+$0x0] =	vst.idx.msk $0xffff, v39  }
0x5c: {  	v54 =	vmov s5;
	s5 =	sadd.s32 $0x4, s18;
	v44 =	vmov s19;
	s19 =	sadd.s32 $0x5, s18;
	v48 =	vadd.s32 v3, v33;
	v45 =	vld [tilespmem:s14+$0xFFFFFF20];
	[tilespmem:v56+s23+$0x0] =	vst.idx.msk $0xffff, v55  }
0x5d: {  	v38 =	vmov s19;
	v51 =	vadd.s32 v8, v47;
	v46 =	vmov s5;
	s5 =	sadd.s32 $0x6, s18;
	v49 =	vld [tilespmem:s14+$0xFFFFFF70];
	[tilespmem:v58+s23+$0x0] =	vst.idx.msk $0xffff, v57  }
0x5e: {  	v53 =	vadd.s32 v12, v53;
	s19 =	sadd.s32 $0x7, s18;
	v47 =	vshll.u32 v50, v1;
	s18 =	sadd.s32 $0x8, s18;
	v39 =	vmov s5;
	v50 =	vld [tilespmem:s14+$0xFFFFFFB0];
	[tilespmem:v60+s23+$0x0] =	vst.idx.msk $0xffff, v59  }
0x5f: {  	_ =	sdelay $0x2  }
0x60: {  	v52 =	vshrl.u32 v52, $0x3  }
0x61: {  	v55 =	vmov s19;
	v56 =	vld [tilespmem:s14+$0xFFFFFFF0];
	v35 =	vadd.s32 v16, v35;
	[tilespmem:v41+s23+$0x0] =	vst.idx.msk $0xffff, v40;
	v57 =	vshrl.u32 v54, $0x3  }
0x62: {  	v59 =	vld [tilespmem:s14+$0x30];
	v34 =	vadd.s32 v20, v34;
	v60 =	vshrl.u32 v44, $0x3;
	v58 =	vshrl.u32 v55, $0x3;
	[tilespmem:v43+s23+$0x0] =	vst.idx.msk $0xffff, v42  }
0x63: {  	v37 =	vadd.s32 v24, v37;
	v62 =	vshrl.u32 v46, $0x3;
	v61 =	vld [tilespmem:s14+$0x70];
	v41 =	vshll.u32 v58, v1;
	[tilespmem:v48+s23+$0x0] =	vst.idx.msk $0xffff, v45  }
0x64: {  	v36 =	vadd.s32 v28, v36;
	v46 =	vbroadcast v47, $0x0;
	v63 =	vld [tilespmem:s14+$0xB0];
	v41 =	vbroadcast v41, $0x0;
	[tilespmem:v51+s23+$0x0] =	vst.idx.msk $0xffff, v49  }
0x65: {  	v33 =	vadd.s32 v4, v33;
	s19 =	sadd.s32 $0x200, s14;
	v38 =	vshrl.u32 v38, $0x3;
	v55 =	vshll.u32 v52, v1;
	v48 =	vld [tilespmem:s14+$0xFFFFFF30];
	[tilespmem:v53+s23+$0x0] =	vst.idx.msk $0xffff, v50  }
0x66: {  	v40 =	vshll.u32 v57, v1;
	v47 =	vbroadcast v55, $0x0;
	v49 =	vld [tilespmem:s19+$0xC0];
	v50 =	vadd.s32 v29, v41;
	[tilespmem:v35+s23+$0x0] =	vst.idx.msk $0xffff, v56  }
0x67: {  	v42 =	vshll.u32 v60, v1;
	v40 =	vbroadcast v40, $0x0;
	v35 =	vld [tilespmem:s19+$0xFFFFFF00];
	v56 =	vadd.s32 v0, v46;
	[tilespmem:v34+s23+$0x0] =	vst.idx.msk $0xffff, v59  }
0x68: {  	v57 =	vld [tilespmem:s19+$0xFFFFFF40];
	v44 =	vshll.u32 v62, v1;
	v42 =	vbroadcast v42, $0x0;
	v58 =	vadd.s32 v5, v47;
	[tilespmem:v37+s23+$0x0] =	vst.idx.msk $0xffff, v61  }
0x69: {  	v38 =	vshll.u32 v38, v1;
	v44 =	vbroadcast v44, $0x0;
	v60 =	vadd.s32 v9, v40;
	v59 =	vld [tilespmem:s19+$0xFFFFFF80];
	[tilespmem:v36+s23+$0x0] =	vst.idx.msk $0xffff, v63  }
0x6a: {  	v38 =	vbroadcast v38, $0x0;
	v62 =	vadd.s32 v13, v42;
	v61 =	vld [tilespmem:s19+$0xFFFFFFC0];
	[tilespmem:v33+s23+$0x0] =	vst.idx.msk $0xffff, v48  }
0x6b: {  	v39 =	vshrl.u32 v39, $0x3;
	v63 =	vadd.s32 v17, v44;
	v33 =	vld [tilespmem:s19+$0x0];
	[tilespmem:v50+s23+$0x0] =	vst.idx.msk $0xffff, v49  }
0x6c: {  	v39 =	vshll.u32 v39, v1;
	v34 =	vld [tilespmem:s19+$0x40];
	[tilespmem:v56+s23+$0x0] =	vst.idx.msk $0xffff, v35;
	v56 =	vadd.s32 v21, v38  }
0x6d: {  	[tilespmem:v58+s23+$0x0] =	vst.idx.msk $0xffff, v57;
	v35 =	vbroadcast v39, $0x0;
	v49 =	vadd.s32 v30, v41;
	v39 =	vld [tilespmem:s19+$0xD0]  }
0x6e: {  	[tilespmem:v60+s23+$0x0] =	vst.idx.msk $0xffff, v59;
	v59 =	vld [tilespmem:s19+$0xFFFFFF50];
	v60 =	vadd.s32 v6, v47  }
0x6f: {  	v57 =	vld [tilespmem:s19+$0x80];
	[tilespmem:v62+s23+$0x0] =	vst.idx.msk $0xffff, v61;
	v58 =	vadd.s32 v25, v35  }
0x70: {  	v61 =	vld [tilespmem:s19+$0xFFFFFF90];
	v62 =	vadd.s32 v10, v40;
	[tilespmem:v63+s23+$0x0] =	vst.idx.msk $0xffff, v33  }
0x71: {  	v33 =	vld [tilespmem:s19+$0xFFFFFFD0];
	v63 =	vadd.s32 v14, v42;
	[tilespmem:v56+s23+$0x0] =	vst.idx.msk $0xffff, v34  }
0x72: {  	v56 =	vadd.s32 v18, v44;
	[tilespmem:v49+s23+$0x0] =	vst.idx.msk $0xffff, v39;
	v49 =	vld [tilespmem:s19+$0x10]  }
0x73: {  	[tilespmem:v60+s23+$0x0] =	vst.idx.msk $0xffff, v59;
	v39 =	vadd.s32 v31, v41;
	v34 =	vld [tilespmem:s19+$0xE0]  }
0x74: {  	[tilespmem:v58+s23+$0x0] =	vst.idx.msk $0xffff, v57;
	v57 =	vld [tilespmem:s19+$0x50];
	v58 =	vadd.s32 v22, v38  }
0x75: {  	[tilespmem:v62+s23+$0x0] =	vst.idx.msk $0xffff, v61;
	v61 =	vld [tilespmem:s19+$0xFFFFFF10];
	v62 =	vadd.s32 v2, v46  }
0x76: {  	v60 =	vadd.s32 v26, v35;
	v59 =	vld [tilespmem:s19+$0x90];
	[tilespmem:v63+s23+$0x0] =	vst.idx.msk $0xffff, v33  }
0x77: {  	v55 =	vadd.s32 v11, v40;
	v54 =	vadd.s32 v32, v41;
	v41 =	vld [tilespmem:s19+$0xFFFFFFA0];
	[tilespmem:v56+s23+$0x0] =	vst.idx.msk $0xffff, v49  }
0x78: {  	v53 =	vadd.s32 v7, v47;
	v63 =	vld [tilespmem:s19+$0xFFFFFF60];
	[tilespmem:v39+s23+$0x0] =	vst.idx.msk $0xffff, v34  }
0x79: {  	v56 =	vld [tilespmem:s19+$0xFFFFFFE0];
	[tilespmem:v58+s23+$0x0] =	vst.idx.msk $0xffff, v57;
	v57 =	vadd.s32 v15, v42  }
0x7a: {  	[tilespmem:v62+s23+$0x0] =	vst.idx.msk $0xffff, v61;
	v34 =	vld [tilespmem:s19+$0xF0]  }
0x7b: {  	v58 =	vld [tilespmem:s19+$0x20];
	[tilespmem:v60+s23+$0x0] =	vst.idx.msk $0xffff, v59;
	v59 =	vadd.s32 v19, v44  }
0x7c: {  	v61 =	vadd.s32 v23, v38;
	[tilespmem:v55+s23+$0x0] =	vst.idx.msk $0xffff, v41;
	v60 =	vld [tilespmem:s19+$0x60]  }
0x7d: {  	[tilespmem:v53+s23+$0x0] =	vst.idx.msk $0xffff, v63;
	v63 =	vadd.s32 v27, v35;
	v62 =	vld [tilespmem:s19+$0xA0]  }
0x7e: {  	v47 =	vadd.s32 v8, v47;
	v55 =	vld [tilespmem:s19+$0xFFFFFF70];
	[tilespmem:v57+s23+$0x0] =	vst.idx.msk $0xffff, v56  }
0x7f: {  	v53 =	vld [tilespmem:s19+$0xFFFFFF20];
	[tilespmem:v54+s23+$0x0] =	vst.idx.msk $0xffff, v34;
	v54 =	vadd.s32 v3, v46  }
0x80: {  	v40 =	vadd.s32 v12, v40;
	v56 =	vld [tilespmem:s19+$0xFFFFFFB0];
	[tilespmem:v59+s23+$0x0] =	vst.idx.msk $0xffff, v58  }
0x81: {  	v42 =	vadd.s32 v16, v42;
	v57 =	vld [tilespmem:s19+$0xFFFFFFF0];
	[tilespmem:v61+s23+$0x0] =	vst.idx.msk $0xffff, v60  }
0x82: {  	v59 =	vadd.s32 v20, v44;
	v58 =	vld [tilespmem:s19+$0x30];
	[tilespmem:v63+s23+$0x0] =	vst.idx.msk $0xffff, v62  }
0x83: {  	v38 =	vadd.s32 v24, v38;
	v60 =	vld [tilespmem:s19+$0x70];
	[tilespmem:v47+s23+$0x0] =	vst.idx.msk $0xffff, v55  }
0x84: {  	v35 =	vadd.s32 v28, v35;
	v61 =	vld [tilespmem:s19+$0xB0];
	[tilespmem:v54+s23+$0x0] =	vst.idx.msk $0xffff, v53  }
0x85: {  	v63 =	vadd.s32 v4, v46;
	[tilespmem:v40+s23+$0x0] =	vst.idx.msk $0xffff, v56;
	v62 =	vld [tilespmem:s19+$0xFFFFFF30]  }
0x86: {  	[tilespmem:v42+s23+$0x0] =	vst.idx.msk $0xffff, v57  }
0x87: {  	[tilespmem:v59+s23+$0x0] =	vst.idx.msk $0xffff, v58  }
0x88: {  	[tilespmem:v38+s23+$0x0] =	vst.idx.msk $0xffff, v60  }
0x89: {  	s1 =	sshrl.u32 s1, $0x2;
	s20 =	sshll.u32 s0, $0x11;
	[tilespmem:v35+s23+$0x0] =	vst.idx.msk $0xffff, v61  }
0x8a: {  	s5 =	sadd.s32 $0x200, s1;
	s14 =	sor.u32 s6, s20;
	[tilespmem:v63+s23+$0x0] =	vst.idx.msk $0xffff, v62  }
0x8b: {  	[tilespmem:s16], [sflag:$0x1] =	stream.indirect.gather [hbm4b:s4+s13], $0x40, s5, s13, $0xb8;
	[tilespmem:$0xDD00] =	vst v63  }
0x8c: {  	s21 =	simm.s32 $0x9900;
	s19 =	sadd.s32 s2, s14  }
0x8d: {  	[hbm4b:s19+s3] =	stream.linear.scatter [tilespmem:s21], [sflag:$0x5], $0x80, $0x38;
	[tilespmem:$0xDD00] =	vst v63  }
0x8e: {  	s12 =	simm.s32 $0x9988;
	s18 =	sadd.s32 $0x10, s19  }
0x8f: {  	[hbm4b:s18+s3] =	stream.linear.scatter [tilespmem:s12], [sflag:$0x5], $0x80, $0x38;
	[tilespmem:$0xDD00] =	vst v63  }
0x90: {  	s20 =	sadd.s32 $0x20, s19;
	s18 =	simm.s32 $0x9A10  }
0x91: {  	[hbm4b:s20+s3] =	stream.linear.scatter [tilespmem:s18], [sflag:$0x5], $0x80, $0x38;
	[tilespmem:$0xDD00] =	vst v63  }
0x92: {  	s21 =	simm.s32 $0x9A98;
	s12 =	sadd.s32 $0x30, s19  }
0x93: {  	[hbm4b:s12+s3] =	stream.linear.scatter [tilespmem:s21], [sflag:$0x5], $0x80, $0x38;
	[tilespmem:$0xDD00] =	vst v63  }
0x94: {  	s18 =	simm.s32 $0x9B20;
	s20 =	sadd.s32 $0x40, s19  }
0x95: {  	[hbm4b:s20+s3] =	stream.linear.scatter [tilespmem:s18], [sflag:$0x5], $0x80, $0x38;
	[tilespmem:$0xDD00] =	vst v63  }
0x96: {  	s5 =	sadd.s32 $0x70, s19;
	s21 =	simm.s32 $0x9BA8;
	s12 =	sadd.s32 $0x50, s19  }
0x97: {  	[hbm4b:s12+s3] =	stream.linear.scatter [tilespmem:s21], [sflag:$0x5], $0x80, $0x38;
	[tilespmem:$0xDD00] =	vst v63  }
0x98: {  	s20 =	simm.s32 $0x9C30;
	s18 =	simm.s32 $0x440;
	s21 =	sadd.s32 $0x60, s19  }
0x99: {  	[hbm4b:s21+s3] =	stream.linear.scatter [tilespmem:s20], [sflag:$0x5], $0x80, $0x38;
	[tilespmem:$0xDD00] =	vst v63  }
0x9a: {  	s19 =	sadd.s32 $0x1000, s19;
	s20 =	simm.s32 $0x2200;
	s21 =	simm.s32 $0x9CB8  }
.LBB2_5:
0x9b: {  	[hbm4b:s5+s3] =	stream.linear.scatter [tilespmem:s21], [sflag:$0x5], $0x80, $0x38;
	[tilespmem:$0xDD00] =	vst v63  }
0x9c: {  	s5 =	smov.u32 s18;
	s18 =	smov.u32 s20  }
0x9d: {  	s12 =	sadd.s32 $0x1100, s20;
	s18 =	sshra.s32 s18, $0x2;
	s21 =	sadd.s32 $0x9900, s5  }
0x9e: {  	[hbm4b:s19+s3] =	stream.linear.scatter [tilespmem:s21], [sflag:$0x5], $0x80, $0x38;
	[tilespmem:$0xDD00] =	vst v63  }
0x9f: {  	p1 =	sne.s32 s20, $0x7700;
	s20 =	sadd.s32 $0x9988, s5;
	s21 =	sadd.s32 $0x10, s19  }
0xa0: {  	[hbm4b:s21+s3] =	stream.linear.scatter [tilespmem:s20], [sflag:$0x5], $0x80, $0x38;
	[tilespmem:$0xDD00] =	vst v63  }
0xa1: {  	s20 =	sadd.s32 $0x9A10, s5;
	s21 =	sadd.s32 $0x20, s19  }
0xa2: {  	[hbm4b:s21+s3] =	stream.linear.scatter [tilespmem:s20], [sflag:$0x5], $0x80, $0x38;
	[tilespmem:$0xDD00] =	vst v63  }
0xa3: {  	s20 =	sadd.s32 $0x9A98, s5;
	s21 =	sadd.s32 $0x30, s19  }
0xa4: {  	[hbm4b:s21+s3] =	stream.linear.scatter [tilespmem:s20], [sflag:$0x5], $0x80, $0x38;
	[tilespmem:$0xDD00] =	vst v63  }
0xa5: {  	s20 =	sadd.s32 $0x9B20, s5;
	s21 =	sadd.s32 $0x40, s19  }
0xa6: {  	[hbm4b:s21+s3] =	stream.linear.scatter [tilespmem:s20], [sflag:$0x5], $0x80, $0x38;
	[tilespmem:$0xDD00] =	vst v63  }
0xa7: {  	s20 =	sadd.s32 $0x9BA8, s5;
	s21 =	sadd.s32 $0x50, s19  }
0xa8: {  	[hbm4b:s21+s3] =	stream.linear.scatter [tilespmem:s20], [sflag:$0x5], $0x80, $0x38;
	[tilespmem:$0xDD00] =	vst v63  }
.Ltmp1:
0xa9: {  	_ = 	snop;
	(pc) =	sbr.rel @p1 .LBB2_5-.Ltmp1, $4  }
0xaa: {  	s20 =	sadd.s32 $0x9C30, s5;
	s21 =	sadd.s32 $0x60, s19  }
0xab: {  	[hbm4b:s21+s3] =	stream.linear.scatter [tilespmem:s20], [sflag:$0x5], $0x80, $0x38;
	[tilespmem:$0xDD00] =	vst v63  }
0xac: {  	s21 =	sadd.s32 $0x9CB8, s5  }
0xad: {  	s5 =	sadd.s32 $0x70, s19;
	s19 =	sadd.s32 $0x1000, s19;
	s20 =	smov.u32 s12  }
0xae: {  	[hbm4b:s5+s3] =	stream.linear.scatter [tilespmem:s21], [sflag:$0x5], $0x80, $0x38;
	[tilespmem:$0xDD00] =	vst v63  }
0xaf: {  	s20 =	sadd.s32 $0x9900, s18  }
0xb0: {  	[hbm4b:s19+s3] =	stream.linear.scatter [tilespmem:s20], [sflag:$0x5], $0x80, $0x38;
	[tilespmem:$0xDD00] =	vst v63  }
0xb1: {  	s21 =	sadd.s32 $0x9988, s18;
	s12 =	sadd.s32 $0x10, s19  }
0xb2: {  	[hbm4b:s12+s3] =	stream.linear.scatter [tilespmem:s21], [sflag:$0x5], $0x80, $0x38;
	[tilespmem:$0xDD00] =	vst v63  }
0xb3: {  	s20 =	sadd.s32 $0x9A10, s18;
	s21 =	sadd.s32 $0x20, s19  }
0xb4: {  	[hbm4b:s21+s3] =	stream.linear.scatter [tilespmem:s20], [sflag:$0x5], $0x80, $0x38;
	[tilespmem:$0xDD00] =	vst v63  }
0xb5: {  	s20 =	sadd.s32 $0x9A98, s18;
	s21 =	sadd.s32 $0x30, s19  }
0xb6: {  	[hbm4b:s21+s3] =	stream.linear.scatter [tilespmem:s20], [sflag:$0x5], $0x80, $0x38;
	[tilespmem:$0xDD00] =	vst v63  }
0xb7: {  	s20 =	sadd.s32 $0x9B20, s18;
	s21 =	sadd.s32 $0x40, s19  }
0xb8: {  	[hbm4b:s21+s3] =	stream.linear.scatter [tilespmem:s20], [sflag:$0x5], $0x80, $0x38;
	[tilespmem:$0xDD00] =	vst v63  }
0xb9: {  	s20 =	sadd.s32 $0x9BA8, s18;
	s21 =	sadd.s32 $0x50, s19  }
0xba: {  	[hbm4b:s21+s3] =	stream.linear.scatter [tilespmem:s20], [sflag:$0x5], $0x80, $0x38;
	[tilespmem:$0xDD00] =	vst v63  }
0xbb: {  	s20 =	sadd.s32 $0x9C30, s18;
	s21 =	sadd.s32 $0x60, s19  }
0xbc: {  	[hbm4b:s21+s3] =	stream.linear.scatter [tilespmem:s20], [sflag:$0x5], $0x80, $0x38;
	[tilespmem:$0xDD00] =	vst v63  }
0xbd: {  	s20 =	sadd.s32 $0x9CB8, s18  }
0xbe: {  	s21 =	sadd.s32 $0x70, s19;
	s18 =	simm.s32 $0x0;
	s19 =	simm.s32 $0x1  }
0xbf: {  	v33 =	vmov s18;
	v34 =	vmov s19;
	s18 =	simm.s32 $0x4;
	s19 =	simm.s32 $0x7  }
0xc0: {  	[hbm4b:s21+s3] =	stream.linear.scatter [tilespmem:s20], [sflag:$0x5], $0x80, $0x38;
	v33 =	vshrl.u32 v33, $0x3;
	[tilespmem:$0xDD00] =	vst v63  }
0xc1: {  	s20 =	simm.s32 $0x2;
	s21 =	simm.s32 $0x3;
	v37 =	vmov s18;
	v38 =	vmov s19;
	v34 =	vshrl.u32 v34, $0x3;
	_ =	swait.ge [sflag:s24], $0x2000  }
0xc2: {  	s12 =	simm.s32 @!p0 $0x6;
	v35 =	vmov s20;
	v36 =	vmov s21;
	v33 =	vshll.u32 v33, v1;
	[sflag:s24] =	ssyncset.done $0x0  }
0xc3: {  	s20 =	simm.s32 $0x5;
	s21 =	simm.s32 $0x6;
	v38 =	vshrl.u32 v38, $0x3;
	v37 =	vshrl.u32 v37, $0x3;
	v34 =	vshll.u32 v34, v1;
	[sflag:s24] =	ssyncadd.s32 $0xFFFFE000  }
0xc4: {  	v39 =	vmov s20;
	v40 =	vmov s21;
	v38 =	vshll.u32 v38, v1;
	_ =	swait.ge @!p0 [sflag:s12], $0x2000  }
0xc5: {  	v35 =	vshrl.u32 v35, $0x3;
	v36 =	vshrl.u32 v36, $0x3;
	v38 =	vbroadcast v38, $0x0;
	[sflag:s12] =	ssyncset.done @!p0 $0x0  }
0xc6: {  	s18 =	simm.s32 $0x3A00;
	v33 =	vbroadcast v33, $0x0;
	v45 =	vbroadcast v34, $0x0;
	v54 =	vshll.u32 v37, v1;
	[sflag:s12] =	ssyncadd.s32 @!p0 $0xFFFFE000  }
0xc7: {  	v52 =	vshll.u32 v35, v1;
	v53 =	vshll.u32 v36, v1;
	v42 =	vadd.s32 v29, v38;
	v41 =	vld [tilespmem:s18+$0xC0]  }
0xc8: {  	v34 =	vbroadcast v54, $0x0;
	v44 =	vadd.s32 v0, v33;
	v52 =	vbroadcast v52, $0x0;
	v43 =	vld [tilespmem:s18+$0xFFFFFF00]  }
0xc9: {  	v55 =	vshrl.u32 v39, $0x3;
	v47 =	vadd.s32 v5, v45;
	v35 =	vbroadcast v53, $0x0;
	v46 =	vld [tilespmem:s18+$0xFFFFFF40]  }
0xca: {  	v40 =	vshrl.u32 v40, $0x3;
	v36 =	vshll.u32 v55, v1;
	v49 =	vadd.s32 v9, v52;
	v48 =	vld [tilespmem:s18+$0xFFFFFF80]  }
0xcb: {  	v56 =	vshll.u32 v40, v1;
	v37 =	vbroadcast v36, $0x0;
	v50 =	vadd.s32 v13, v35;
	v39 =	vld [tilespmem:s18+$0xFFFFFFC0]  }
0xcc: {  	v53 =	vadd.s32 v17, v34;
	v36 =	vbroadcast v56, $0x0;
	v51 =	vld [tilespmem:s18+$0x0];
	[tilespmem:v42+s25+$0x0] =	vst.idx.msk $0xffff, v41  }
0xcd: {  	v59 =	vld [tilespmem:s18+$0x40];
	v60 =	vadd.s32 v21, v37;
	[tilespmem:v44+s25+$0x0] =	vst.idx.msk $0xffff, v43  }
0xce: {  	v61 =	vld [tilespmem:s18+$0x80];
	v62 =	vadd.s32 v25, v36;
	[tilespmem:v47+s25+$0x0] =	vst.idx.msk $0xffff, v46  }
0xcf: {  	v58 =	vadd.s32 v30, v38;
	[tilespmem:v49+s25+$0x0] =	vst.idx.msk $0xffff, v48;
	v57 =	vld [tilespmem:s18+$0xD0]  }
0xd0: {  	v63 =	vadd.s32 v6, v45;
	[tilespmem:v50+s25+$0x0] =	vst.idx.msk $0xffff, v39;
	v47 =	vld [tilespmem:s18+$0xFFFFFF50]  }
0xd1: {  	v55 =	vadd.s32 v10, v52;
	[tilespmem:v53+s25+$0x0] =	vst.idx.msk $0xffff, v51;
	v54 =	vld [tilespmem:s18+$0xFFFFFF90]  }
0xd2: {  	v56 =	vadd.s32 v14, v35;
	[tilespmem:v60+s25+$0x0] =	vst.idx.msk $0xffff, v59;
	v50 =	vld [tilespmem:s18+$0xFFFFFFD0]  }
0xd3: {  	[tilespmem:v62+s25+$0x0] =	vst.idx.msk $0xffff, v61;
	v46 =	vadd.s32 v22, v37;
	v44 =	vld [tilespmem:s18+$0x50]  }
0xd4: {  	v59 =	vadd.s32 v18, v34;
	[tilespmem:v58+s25+$0x0] =	vst.idx.msk $0xffff, v57;
	v58 =	vld [tilespmem:s18+$0x10]  }
0xd5: {  	v57 =	vadd.s32 v31, v38;
	[tilespmem:v63+s25+$0x0] =	vst.idx.msk $0xffff, v47;
	v40 =	vld [tilespmem:s18+$0xE0]  }
0xd6: {  	v62 =	vadd.s32 v2, v33;
	v61 =	vld [tilespmem:s18+$0xFFFFFF10];
	[tilespmem:v55+s25+$0x0] =	vst.idx.msk $0xffff, v54  }
0xd7: {  	v60 =	vadd.s32 v26, v36;
	v63 =	vld [tilespmem:s18+$0x90];
	[tilespmem:v56+s25+$0x0] =	vst.idx.msk $0xffff, v50  }
0xd8: {  	v51 =	vadd.s32 v7, v45;
	[tilespmem:v46+s25+$0x0] =	vst.idx.msk $0xffff, v44;
	v50 =	vld [tilespmem:s18+$0xFFFFFF60]  }
0xd9: {  	v56 =	vadd.s32 v11, v52;
	v55 =	vld [tilespmem:s18+$0xFFFFFFA0];
	[tilespmem:v59+s25+$0x0] =	vst.idx.msk $0xffff, v58  }
0xda: {  	v58 =	vadd.s32 v15, v35;
	[tilespmem:v57+s25+$0x0] =	vst.idx.msk $0xffff, v40;
	v57 =	vld [tilespmem:s18+$0xFFFFFFE0]  }
0xdb: {  	v38 =	vadd.s32 v32, v38;
	[tilespmem:v62+s25+$0x0] =	vst.idx.msk $0xffff, v61;
	v54 =	vld [tilespmem:s18+$0xF0]  }
0xdc: {  	s19 =	simm.s32 $0x9;
	[tilespmem:v60+s25+$0x0] =	vst.idx.msk $0xffff, v63;
	v60 =	vadd.s32 v19, v34;
	v59 =	vld [tilespmem:s18+$0x20]  }
0xdd: {  	s21 =	simm.s32 $0xB;
	v41 =	vadd.s32 v23, v37;
	v53 =	vmov s19;
	[tilespmem:v51+s25+$0x0] =	vst.idx.msk $0xffff, v50;
	v40 =	vld [tilespmem:s18+$0x60]  }
0xde: {  	s12 =	simm.s32 $0x8;
	v43 =	vadd.s32 v27, v36;
	s19 =	simm.s32 $0xC;
	v48 =	vadd.s32 v3, v33;
	v44 =	vmov s21;
	v42 =	vld [tilespmem:s18+$0xA0];
	[tilespmem:v56+s25+$0x0] =	vst.idx.msk $0xffff, v55  }
0xdf: {  	s20 =	simm.s32 $0xA;
	v47 =	vmov s19;
	v52 =	vadd.s32 v12, v52;
	v46 =	vld [tilespmem:s18+$0xFFFFFF20];
	v63 =	vmov s12;
	[tilespmem:v58+s25+$0x0] =	vst.idx.msk $0xffff, v57  }
0xe0: {  	s21 =	simm.s32 $0xE;
	v39 =	vshrl.u32 v63, $0x3;
	v51 =	vadd.s32 v8, v45;
	v49 =	vld [tilespmem:s18+$0xFFFFFF70];
	[tilespmem:v38+s25+$0x0] =	vst.idx.msk $0xffff, v54;
	v54 =	vmov s20;
	s20 =	simm.s32 $0xD  }
0xe1: {  	s19 =	simm.s32 $0x10;
	v45 =	vshll.u32 v39, v1;
	v39 =	vmov s21;
	v50 =	vld [tilespmem:s18+$0xFFFFFFB0];
	[tilespmem:v60+s25+$0x0] =	vst.idx.msk $0xffff, v59;
	v38 =	vmov s20;
	s20 =	simm.s32 $0xF  }
.LBB2_7:
0xe2: {  	p0 =	slt.u32 s19, $0x78;
	v53 =	vshrl.u32 v53, $0x3;
	v55 =	vmov s20;
	v56 =	vld [tilespmem:s18+$0xFFFFFFF0];
	v35 =	vadd.s32 v16, v35;
	[tilespmem:v41+s25+$0x0] =	vst.idx.msk $0xffff, v40  }
0xe3: {  	v40 =	vshrl.u32 v54, $0x3;
	v34 =	vadd.s32 v20, v34;
	v41 =	vshrl.u32 v55, $0x3;
	v54 =	vld [tilespmem:s18+$0x30];
	[tilespmem:v43+s25+$0x0] =	vst.idx.msk $0xffff, v42  }
0xe4: {  	v37 =	vadd.s32 v24, v37;
	v42 =	vshrl.u32 v44, $0x3;
	v41 =	vshll.u32 v41, v1;
	[tilespmem:v48+s25+$0x0] =	vst.idx.msk $0xffff, v46;
	v43 =	vld [tilespmem:s18+$0x70]  }
0xe5: {  	v36 =	vadd.s32 v28, v36;
	v44 =	vshrl.u32 v47, $0x3;
	v41 =	vbroadcast v41, $0x0;
	[tilespmem:v51+s25+$0x0] =	vst.idx.msk $0xffff, v49;
	v46 =	vld [tilespmem:s18+$0xB0]  }
0xe6: {  	v47 =	vshll.u32 v53, v1;
	v49 =	vadd.s32 v4, v33;
	v33 =	vbroadcast v45, $0x0;
	v48 =	vld [tilespmem:s18+$0xFFFFFF30];
	[tilespmem:v52+s25+$0x0] =	vst.idx.msk $0xffff, v50;
	s18 =	sadd.s32 $0x200, s18  }
0xe7: {  	v40 =	vshll.u32 v40, v1;
	v45 =	vbroadcast v47, $0x0;
	v47 =	vld [tilespmem:s18+$0xC0];
	v50 =	vadd.s32 v29, v41;
	[tilespmem:v35+s25+$0x0] =	vst.idx.msk $0xffff, v56  }
0xe8: {  	v55 =	vbroadcast v40, $0x0;
	v52 =	vadd.s32 v0, v33;
	v35 =	vshll.u32 v42, v1;
	v51 =	vld [tilespmem:s18+$0xFFFFFF00];
	[tilespmem:v34+s25+$0x0] =	vst.idx.msk $0xffff, v54  }
0xe9: {  	v42 =	vadd.s32 v5, v45;
	v35 =	vbroadcast v35, $0x0;
	v34 =	vshll.u32 v44, v1;
	v40 =	vld [tilespmem:s18+$0xFFFFFF40];
	[tilespmem:v37+s25+$0x0] =	vst.idx.msk $0xffff, v43  }
0xea: {  	v44 =	vadd.s32 v9, v55;
	v34 =	vbroadcast v34, $0x0;
	v37 =	vshrl.u32 v38, $0x3;
	v43 =	vld [tilespmem:s18+$0xFFFFFF80];
	[tilespmem:v36+s25+$0x0] =	vst.idx.msk $0xffff, v46  }
0xeb: {  	v39 =	vshrl.u32 v39, $0x3;
	v46 =	vadd.s32 v13, v35;
	v36 =	vshll.u32 v37, v1;
	v38 =	vld [tilespmem:s18+$0xFFFFFFC0];
	[tilespmem:v49+s25+$0x0] =	vst.idx.msk $0xffff, v48  }
0xec: {  	v49 =	vadd.s32 v17, v34;
	v37 =	vbroadcast v36, $0x0;
	v36 =	vshll.u32 v39, v1;
	v48 =	vld [tilespmem:s18+$0x0];
	[tilespmem:v50+s25+$0x0] =	vst.idx.msk $0xffff, v47  }
0xed: {  	v36 =	vbroadcast v36, $0x0;
	v47 =	vadd.s32 v30, v41;
	[tilespmem:v52+s25+$0x0] =	vst.idx.msk $0xffff, v51;
	v39 =	vld [tilespmem:s18+$0xD0]  }
0xee: {  	[tilespmem:v42+s25+$0x0] =	vst.idx.msk $0xffff, v40;
	v40 =	vld [tilespmem:s18+$0x40];
	v42 =	vadd.s32 v21, v37  }
0xef: {  	[tilespmem:v44+s25+$0x0] =	vst.idx.msk $0xffff, v43;
	v43 =	vld [tilespmem:s18+$0x80];
	v44 =	vadd.s32 v25, v36  }
0xf0: {  	v51 =	vadd.s32 v6, v45;
	v50 =	vld [tilespmem:s18+$0xFFFFFF50];
	[tilespmem:v46+s25+$0x0] =	vst.idx.msk $0xffff, v38  }
0xf1: {  	v46 =	vadd.s32 v10, v55;
	v38 =	vld [tilespmem:s18+$0xFFFFFF90];
	[tilespmem:v49+s25+$0x0] =	vst.idx.msk $0xffff, v48  }
0xf2: {  	v49 =	vadd.s32 v14, v35;
	v48 =	vld [tilespmem:s18+$0xFFFFFFD0];
	[tilespmem:v47+s25+$0x0] =	vst.idx.msk $0xffff, v39  }
0xf3: {  	[tilespmem:v42+s25+$0x0] =	vst.idx.msk $0xffff, v40;
	v39 =	vld [tilespmem:s18+$0xE0];
	v40 =	vadd.s32 v31, v41  }
0xf4: {  	v47 =	vadd.s32 v18, v34;
	v42 =	vld [tilespmem:s18+$0x10];
	[tilespmem:v44+s25+$0x0] =	vst.idx.msk $0xffff, v43  }
0xf5: {  	v44 =	vadd.s32 v22, v37;
	[tilespmem:v51+s25+$0x0] =	vst.idx.msk $0xffff, v50;
	v43 =	vld [tilespmem:s18+$0x50]  }
0xf6: {  	[tilespmem:v46+s25+$0x0] =	vst.idx.msk $0xffff, v38;
	v38 =	vld [tilespmem:s18+$0x90];
	v46 =	vadd.s32 v26, v36  }
0xf7: {  	v51 =	vadd.s32 v2, v33;
	v50 =	vld [tilespmem:s18+$0xFFFFFF10];
	[tilespmem:v49+s25+$0x0] =	vst.idx.msk $0xffff, v48  }
0xf8: {  	v49 =	vadd.s32 v7, v45;
	v48 =	vld [tilespmem:s18+$0xFFFFFF60];
	[tilespmem:v40+s25+$0x0] =	vst.idx.msk $0xffff, v39  }
0xf9: {  	[tilespmem:v47+s25+$0x0] =	vst.idx.msk $0xffff, v42;
	v39 =	vld [tilespmem:s18+$0xF0];
	v47 =	vadd.s32 v32, v41  }
0xfa: {  	v56 =	vadd.s32 v11, v55;
	v52 =	vld [tilespmem:s18+$0xFFFFFFA0];
	[tilespmem:v44+s25+$0x0] =	vst.idx.msk $0xffff, v43  }
0xfb: {  	v58 =	vadd.s32 v15, v35;
	v57 =	vld [tilespmem:s18+$0xFFFFFFE0];
	[tilespmem:v46+s25+$0x0] =	vst.idx.msk $0xffff, v38  }
0xfc: {  	v60 =	vadd.s32 v19, v34;
	[tilespmem:v51+s25+$0x0] =	vst.idx.msk $0xffff, v50;
	v59 =	vld [tilespmem:s18+$0x20]  }
.Ltmp2:
0xfd: {  	s5 =	sadd.s32 $0x1, s19;
	v41 =	vadd.s32 v23, v37;
	v38 =	vmov s19;
	[tilespmem:v49+s25+$0x0] =	vst.idx.msk $0xffff, v48;
	v40 =	vld [tilespmem:s18+$0x60];
	(pc) =	sbr.rel @p0 .LBB2_7-.Ltmp2, $4  }
0xfe: {  	s12 =	sadd.s32 $0x3, s19;
	v53 =	vmov s5;
	s5 =	sadd.s32 $0x2, s19;
	v43 =	vadd.s32 v27, v36;
	v50 =	vshrl.u32 v38, $0x3;
	v42 =	vld [tilespmem:s18+$0xA0];
	[tilespmem:v47+s25+$0x0] =	vst.idx.msk $0xffff, v39  }
0xff: {  	v54 =	vmov s5;
	s5 =	sadd.s32 $0x4, s19;
	v44 =	vmov s12;
	s12 =	sadd.s32 $0x5, s19;
	v48 =	vadd.s32 v3, v33;
	v46 =	vld [tilespmem:s18+$0xFFFFFF20];
	[tilespmem:v56+s25+$0x0] =	vst.idx.msk $0xffff, v52  }
0x100: {  	v38 =	vmov s12;
	v51 =	vadd.s32 v8, v45;
	v47 =	vmov s5;
	s5 =	sadd.s32 $0x6, s19;
	v49 =	vld [tilespmem:s18+$0xFFFFFF70];
	[tilespmem:v58+s25+$0x0] =	vst.idx.msk $0xffff, v57  }
0x101: {  	s20 =	sadd.s32 $0x7, s19;
	v45 =	vshll.u32 v50, v1;
	s19 =	sadd.s32 $0x8, s19;
	v39 =	vmov s5;
	v52 =	vadd.s32 v12, v55;
	v50 =	vld [tilespmem:s18+$0xFFFFFFB0];
	[tilespmem:v60+s25+$0x0] =	vst.idx.msk $0xffff, v59  }
0x102: {  	_ =	sdelay $0x2  }
0x103: {  	v53 =	vshrl.u32 v53, $0x3  }
0x104: {  	v55 =	vmov s20;
	v56 =	vld [tilespmem:s18+$0xFFFFFFF0];
	v35 =	vadd.s32 v16, v35;
	[tilespmem:v41+s25+$0x0] =	vst.idx.msk $0xffff, v40;
	v57 =	vshrl.u32 v54, $0x3  }
0x105: {  	v59 =	vld [tilespmem:s18+$0x30];
	v34 =	vadd.s32 v20, v34;
	v60 =	vshrl.u32 v44, $0x3;
	v58 =	vshrl.u32 v55, $0x3;
	[tilespmem:v43+s25+$0x0] =	vst.idx.msk $0xffff, v42  }
0x106: {  	v37 =	vadd.s32 v24, v37;
	v62 =	vshrl.u32 v47, $0x3;
	v61 =	vld [tilespmem:s18+$0x70];
	v41 =	vshll.u32 v58, v1;
	[tilespmem:v48+s25+$0x0] =	vst.idx.msk $0xffff, v46  }
0x107: {  	v36 =	vadd.s32 v28, v36;
	v45 =	vbroadcast v45, $0x0;
	v63 =	vld [tilespmem:s18+$0xB0];
	v41 =	vbroadcast v41, $0x0;
	[tilespmem:v51+s25+$0x0] =	vst.idx.msk $0xffff, v49  }
0x108: {  	v33 =	vadd.s32 v4, v33;
	s20 =	sadd.s32 $0x200, s18;
	v38 =	vshrl.u32 v38, $0x3;
	v55 =	vshll.u32 v53, v1;
	v48 =	vld [tilespmem:s18+$0xFFFFFF30];
	[tilespmem:v52+s25+$0x0] =	vst.idx.msk $0xffff, v50  }
0x109: {  	v40 =	vshll.u32 v57, v1;
	v47 =	vbroadcast v55, $0x0;
	v49 =	vld [tilespmem:s20+$0xC0];
	v50 =	vadd.s32 v29, v41;
	[tilespmem:v35+s25+$0x0] =	vst.idx.msk $0xffff, v56  }
0x10a: {  	v42 =	vshll.u32 v60, v1;
	v40 =	vbroadcast v40, $0x0;
	v35 =	vld [tilespmem:s20+$0xFFFFFF00];
	v56 =	vadd.s32 v0, v45;
	[tilespmem:v34+s25+$0x0] =	vst.idx.msk $0xffff, v59  }
0x10b: {  	v57 =	vld [tilespmem:s20+$0xFFFFFF40];
	v44 =	vshll.u32 v62, v1;
	v42 =	vbroadcast v42, $0x0;
	v58 =	vadd.s32 v5, v47;
	[tilespmem:v37+s25+$0x0] =	vst.idx.msk $0xffff, v61  }
0x10c: {  	v38 =	vshll.u32 v38, v1;
	v44 =	vbroadcast v44, $0x0;
	v60 =	vadd.s32 v9, v40;
	v59 =	vld [tilespmem:s20+$0xFFFFFF80];
	[tilespmem:v36+s25+$0x0] =	vst.idx.msk $0xffff, v63  }
0x10d: {  	v38 =	vbroadcast v38, $0x0;
	v62 =	vadd.s32 v13, v42;
	v61 =	vld [tilespmem:s20+$0xFFFFFFC0];
	[tilespmem:v33+s25+$0x0] =	vst.idx.msk $0xffff, v48  }
0x10e: {  	v39 =	vshrl.u32 v39, $0x3;
	v63 =	vadd.s32 v17, v44;
	v33 =	vld [tilespmem:s20+$0x0];
	[tilespmem:v50+s25+$0x0] =	vst.idx.msk $0xffff, v49  }
0x10f: {  	v39 =	vshll.u32 v39, v1;
	v34 =	vld [tilespmem:s20+$0x40];
	[tilespmem:v56+s25+$0x0] =	vst.idx.msk $0xffff, v35;
	v56 =	vadd.s32 v21, v38  }
0x110: {  	[tilespmem:v58+s25+$0x0] =	vst.idx.msk $0xffff, v57;
	v35 =	vbroadcast v39, $0x0;
	v49 =	vadd.s32 v30, v41;
	v39 =	vld [tilespmem:s20+$0xD0]  }
0x111: {  	[tilespmem:v60+s25+$0x0] =	vst.idx.msk $0xffff, v59;
	v59 =	vld [tilespmem:s20+$0xFFFFFF50];
	v60 =	vadd.s32 v6, v47  }
0x112: {  	v57 =	vld [tilespmem:s20+$0x80];
	[tilespmem:v62+s25+$0x0] =	vst.idx.msk $0xffff, v61;
	v58 =	vadd.s32 v25, v35  }
0x113: {  	v61 =	vld [tilespmem:s20+$0xFFFFFF90];
	v62 =	vadd.s32 v10, v40;
	[tilespmem:v63+s25+$0x0] =	vst.idx.msk $0xffff, v33  }
0x114: {  	v33 =	vld [tilespmem:s20+$0xFFFFFFD0];
	v63 =	vadd.s32 v14, v42;
	[tilespmem:v56+s25+$0x0] =	vst.idx.msk $0xffff, v34  }
0x115: {  	v56 =	vadd.s32 v18, v44;
	[tilespmem:v49+s25+$0x0] =	vst.idx.msk $0xffff, v39;
	v49 =	vld [tilespmem:s20+$0x10]  }
0x116: {  	[tilespmem:v60+s25+$0x0] =	vst.idx.msk $0xffff, v59;
	v39 =	vadd.s32 v31, v41;
	v34 =	vld [tilespmem:s20+$0xE0]  }
0x117: {  	[tilespmem:v58+s25+$0x0] =	vst.idx.msk $0xffff, v57;
	v57 =	vld [tilespmem:s20+$0x50];
	v58 =	vadd.s32 v22, v38  }
0x118: {  	[tilespmem:v62+s25+$0x0] =	vst.idx.msk $0xffff, v61;
	v61 =	vld [tilespmem:s20+$0xFFFFFF10];
	v62 =	vadd.s32 v2, v45  }
0x119: {  	v60 =	vadd.s32 v26, v35;
	v59 =	vld [tilespmem:s20+$0x90];
	[tilespmem:v63+s25+$0x0] =	vst.idx.msk $0xffff, v33  }
0x11a: {  	v55 =	vadd.s32 v11, v40;
	v54 =	vadd.s32 v32, v41;
	v41 =	vld [tilespmem:s20+$0xFFFFFFA0];
	[tilespmem:v56+s25+$0x0] =	vst.idx.msk $0xffff, v49  }
0x11b: {  	v53 =	vadd.s32 v7, v47;
	v63 =	vld [tilespmem:s20+$0xFFFFFF60];
	[tilespmem:v39+s25+$0x0] =	vst.idx.msk $0xffff, v34  }
0x11c: {  	v56 =	vld [tilespmem:s20+$0xFFFFFFE0];
	[tilespmem:v58+s25+$0x0] =	vst.idx.msk $0xffff, v57;
	v57 =	vadd.s32 v15, v42  }
0x11d: {  	[tilespmem:v62+s25+$0x0] =	vst.idx.msk $0xffff, v61;
	v34 =	vld [tilespmem:s20+$0xF0]  }
0x11e: {  	v58 =	vld [tilespmem:s20+$0x20];
	[tilespmem:v60+s25+$0x0] =	vst.idx.msk $0xffff, v59;
	v59 =	vadd.s32 v19, v44  }
0x11f: {  	v61 =	vadd.s32 v23, v38;
	[tilespmem:v55+s25+$0x0] =	vst.idx.msk $0xffff, v41;
	v60 =	vld [tilespmem:s20+$0x60]  }
0x120: {  	[tilespmem:v53+s25+$0x0] =	vst.idx.msk $0xffff, v63;
	v63 =	vadd.s32 v27, v35;
	v62 =	vld [tilespmem:s20+$0xA0]  }
0x121: {  	v47 =	vadd.s32 v8, v47;
	v55 =	vld [tilespmem:s20+$0xFFFFFF70];
	[tilespmem:v57+s25+$0x0] =	vst.idx.msk $0xffff, v56  }
0x122: {  	v53 =	vld [tilespmem:s20+$0xFFFFFF20];
	[tilespmem:v54+s25+$0x0] =	vst.idx.msk $0xffff, v34;
	v54 =	vadd.s32 v3, v45  }
0x123: {  	v40 =	vadd.s32 v12, v40;
	v56 =	vld [tilespmem:s20+$0xFFFFFFB0];
	[tilespmem:v59+s25+$0x0] =	vst.idx.msk $0xffff, v58  }
0x124: {  	v42 =	vadd.s32 v16, v42;
	v57 =	vld [tilespmem:s20+$0xFFFFFFF0];
	[tilespmem:v61+s25+$0x0] =	vst.idx.msk $0xffff, v60  }
0x125: {  	v59 =	vadd.s32 v20, v44;
	v58 =	vld [tilespmem:s20+$0x30];
	[tilespmem:v63+s25+$0x0] =	vst.idx.msk $0xffff, v62  }
0x126: {  	v38 =	vadd.s32 v24, v38;
	v60 =	vld [tilespmem:s20+$0x70];
	[tilespmem:v47+s25+$0x0] =	vst.idx.msk $0xffff, v55  }
0x127: {  	v35 =	vadd.s32 v28, v35;
	v61 =	vld [tilespmem:s20+$0xB0];
	[tilespmem:v54+s25+$0x0] =	vst.idx.msk $0xffff, v53  }
0x128: {  	v63 =	vadd.s32 v4, v45;
	[tilespmem:v40+s25+$0x0] =	vst.idx.msk $0xffff, v56;
	v62 =	vld [tilespmem:s20+$0xFFFFFF30]  }
0x129: {  	[tilespmem:v42+s25+$0x0] =	vst.idx.msk $0xffff, v57  }
0x12a: {  	[tilespmem:v59+s25+$0x0] =	vst.idx.msk $0xffff, v58  }
0x12b: {  	[tilespmem:v38+s25+$0x0] =	vst.idx.msk $0xffff, v60  }
0x12c: {  	[tilespmem:v35+s25+$0x0] =	vst.idx.msk $0xffff, v61  }
0x12d: {  	s5 =	sadd.s32 $0x280, s1;
	[tilespmem:v63+s25+$0x0] =	vst.idx.msk $0xffff, v62  }
0x12e: {  	[tilespmem:s17], [sflag:$0x2] =	stream.indirect.gather [hbm4b:s4+s13], $0x40, s5, s13, $0xb8;
	[tilespmem:$0xDD00] =	vst v63  }
0x12f: {  	s12 =	sadd.s32 s14, s7;
	s21 =	simm.s32 $0xBB00  }
0x130: {  	[hbm4b:s12+s3] =	stream.linear.scatter [tilespmem:s21], [sflag:$0x6], $0x80, $0x38;
	[tilespmem:$0xDD00] =	vst v63  }
0x131: {  	s19 =	sadd.s32 $0x10, s12;
	s18 =	simm.s32 $0xBB88  }
0x132: {  	[hbm4b:s19+s3] =	stream.linear.scatter [tilespmem:s18], [sflag:$0x6], $0x80, $0x38;
	[tilespmem:$0xDD00] =	vst v63  }
0x133: {  	s20 =	simm.s32 $0xBC10;
	s21 =	sadd.s32 $0x20, s12  }
0x134: {  	[hbm4b:s21+s3] =	stream.linear.scatter [tilespmem:s20], [sflag:$0x6], $0x80, $0x38;
	[tilespmem:$0xDD00] =	vst v63  }
0x135: {  	s18 =	simm.s32 $0xBC98;
	s19 =	sadd.s32 $0x30, s12  }
0x136: {  	[hbm4b:s19+s3] =	stream.linear.scatter [tilespmem:s18], [sflag:$0x6], $0x80, $0x38;
	[tilespmem:$0xDD00] =	vst v63  }
0x137: {  	s20 =	simm.s32 $0xBD20;
	s21 =	sadd.s32 $0x40, s12  }
0x138: {  	[hbm4b:s21+s3] =	stream.linear.scatter [tilespmem:s20], [sflag:$0x6], $0x80, $0x38;
	[tilespmem:$0xDD00] =	vst v63  }
0x139: {  	s5 =	sadd.s32 $0x70, s12;
	s18 =	simm.s32 $0xBDA8;
	s19 =	sadd.s32 $0x50, s12  }
0x13a: {  	[hbm4b:s19+s3] =	stream.linear.scatter [tilespmem:s18], [sflag:$0x6], $0x80, $0x38;
	[tilespmem:$0xDD00] =	vst v63  }
0x13b: {  	s20 =	simm.s32 $0xBE30;
	s21 =	sadd.s32 $0x60, s12;
	s18 =	simm.s32 $0x440  }
0x13c: {  	[hbm4b:s21+s3] =	stream.linear.scatter [tilespmem:s20], [sflag:$0x6], $0x80, $0x38;
	[tilespmem:$0xDD00] =	vst v63  }
0x13d: {  	s19 =	sadd.s32 $0x1000, s12;
	s20 =	simm.s32 $0x2200;
	s21 =	simm.s32 $0xBEB8  }
.LBB2_9:
0x13e: {  	[hbm4b:s5+s3] =	stream.linear.scatter [tilespmem:s21], [sflag:$0x6], $0x80, $0x38;
	[tilespmem:$0xDD00] =	vst v63  }
0x13f: {  	s5 =	smov.u32 s18;
	s12 =	smov.u32 s20  }
0x140: {  	s18 =	sshra.s32 s12, $0x2;
	s12 =	sadd.s32 $0x1100, s20;
	s21 =	sadd.s32 $0xBB00, s5  }
0x141: {  	[hbm4b:s19+s3] =	stream.linear.scatter [tilespmem:s21], [sflag:$0x6], $0x80, $0x38;
	[tilespmem:$0xDD00] =	vst v63  }
0x142: {  	p0 =	sne.s32 s20, $0x7700;
	s20 =	sadd.s32 $0xBB88, s5;
	s21 =	sadd.s32 $0x10, s19  }
0x143: {  	[hbm4b:s21+s3] =	stream.linear.scatter [tilespmem:s20], [sflag:$0x6], $0x80, $0x38;
	[tilespmem:$0xDD00] =	vst v63  }
0x144: {  	s20 =	sadd.s32 $0xBC10, s5;
	s21 =	sadd.s32 $0x20, s19  }
0x145: {  	[hbm4b:s21+s3] =	stream.linear.scatter [tilespmem:s20], [sflag:$0x6], $0x80, $0x38;
	[tilespmem:$0xDD00] =	vst v63  }
0x146: {  	s20 =	sadd.s32 $0xBC98, s5;
	s21 =	sadd.s32 $0x30, s19  }
0x147: {  	[hbm4b:s21+s3] =	stream.linear.scatter [tilespmem:s20], [sflag:$0x6], $0x80, $0x38;
	[tilespmem:$0xDD00] =	vst v63  }
0x148: {  	s20 =	sadd.s32 $0xBD20, s5;
	s21 =	sadd.s32 $0x40, s19  }
0x149: {  	[hbm4b:s21+s3] =	stream.linear.scatter [tilespmem:s20], [sflag:$0x6], $0x80, $0x38;
	[tilespmem:$0xDD00] =	vst v63  }
0x14a: {  	s20 =	sadd.s32 $0xBDA8, s5;
	s21 =	sadd.s32 $0x50, s19  }
0x14b: {  	[hbm4b:s21+s3] =	stream.linear.scatter [tilespmem:s20], [sflag:$0x6], $0x80, $0x38;
	[tilespmem:$0xDD00] =	vst v63  }
.Ltmp3:
0x14c: {  	_ = 	snop;
	(pc) =	sbr.rel @p0 .LBB2_9-.Ltmp3, $4  }
0x14d: {  	s20 =	sadd.s32 $0xBE30, s5;
	s21 =	sadd.s32 $0x60, s19  }
0x14e: {  	[hbm4b:s21+s3] =	stream.linear.scatter [tilespmem:s20], [sflag:$0x6], $0x80, $0x38;
	[tilespmem:$0xDD00] =	vst v63  }
0x14f: {  	s21 =	sadd.s32 $0xBEB8, s5  }
0x150: {  	s5 =	sadd.s32 $0x70, s19;
	s19 =	sadd.s32 $0x1000, s19;
	s20 =	smov.u32 s12  }
0x151: {  	[hbm4b:s5+s3] =	stream.linear.scatter [tilespmem:s21], [sflag:$0x6], $0x80, $0x38;
	[tilespmem:$0xDD00] =	vst v63  }
0x152: {  	s20 =	sadd.s32 $0xBB00, s18  }
0x153: {  	[hbm4b:s19+s3] =	stream.linear.scatter [tilespmem:s20], [sflag:$0x6], $0x80, $0x38;
	[tilespmem:$0xDD00] =	vst v63  }
0x154: {  	s21 =	sadd.s32 $0xBB88, s18;
	s12 =	sadd.s32 $0x10, s19  }
0x155: {  	[hbm4b:s12+s3] =	stream.linear.scatter [tilespmem:s21], [sflag:$0x6], $0x80, $0x38;
	[tilespmem:$0xDD00] =	vst v63  }
0x156: {  	s20 =	sadd.s32 $0xBC10, s18;
	s21 =	sadd.s32 $0x20, s19  }
0x157: {  	[hbm4b:s21+s3] =	stream.linear.scatter [tilespmem:s20], [sflag:$0x6], $0x80, $0x38;
	[tilespmem:$0xDD00] =	vst v63  }
0x158: {  	s20 =	sadd.s32 $0xBC98, s18;
	s21 =	sadd.s32 $0x30, s19  }
0x159: {  	[hbm4b:s21+s3] =	stream.linear.scatter [tilespmem:s20], [sflag:$0x6], $0x80, $0x38;
	[tilespmem:$0xDD00] =	vst v63  }
0x15a: {  	s20 =	sadd.s32 $0xBD20, s18;
	s21 =	sadd.s32 $0x40, s19  }
0x15b: {  	[hbm4b:s21+s3] =	stream.linear.scatter [tilespmem:s20], [sflag:$0x6], $0x80, $0x38;
	[tilespmem:$0xDD00] =	vst v63  }
0x15c: {  	s20 =	sadd.s32 $0xBDA8, s18;
	s21 =	sadd.s32 $0x50, s19  }
0x15d: {  	[hbm4b:s21+s3] =	stream.linear.scatter [tilespmem:s20], [sflag:$0x6], $0x80, $0x38;
	[tilespmem:$0xDD00] =	vst v63  }
0x15e: {  	s20 =	sadd.s32 $0xBE30, s18;
	s21 =	sadd.s32 $0x60, s19  }
0x15f: {  	[hbm4b:s21+s3] =	stream.linear.scatter [tilespmem:s20], [sflag:$0x6], $0x80, $0x38;
	[tilespmem:$0xDD00] =	vst v63  }
0x160: {  	s20 =	sadd.s32 $0xBEB8, s18  }
0x161: {  	s21 =	sadd.s32 $0x70, s19;
	s18 =	simm.s32 $0x0;
	s19 =	simm.s32 $0x1  }
0x162: {  	v33 =	vmov s18;
	v34 =	vmov s19;
	s18 =	simm.s32 $0x4;
	s19 =	simm.s32 $0x7  }
0x163: {  	[hbm4b:s21+s3] =	stream.linear.scatter [tilespmem:s20], [sflag:$0x6], $0x80, $0x38;
	v33 =	vshrl.u32 v33, $0x3;
	[tilespmem:$0xDD00] =	vst v63  }
0x164: {  	s20 =	simm.s32 $0x2;
	s21 =	simm.s32 $0x3;
	v37 =	vmov s18;
	v38 =	vmov s19;
	v34 =	vshrl.u32 v34, $0x3;
	_ =	swait.ge [sflag:s26], $0x2000  }
0x165: {  	v35 =	vmov s20;
	v36 =	vmov s21;
	v33 =	vshll.u32 v33, v1;
	[sflag:s26] =	ssyncset.done $0x0  }
0x166: {  	s20 =	simm.s32 $0x5;
	s21 =	simm.s32 $0x6;
	v38 =	vshrl.u32 v38, $0x3;
	v37 =	vshrl.u32 v37, $0x3;
	v34 =	vshll.u32 v34, v1;
	[sflag:s26] =	ssyncadd.s32 $0xFFFFE000  }
0x167: {  	v39 =	vmov s20;
	v40 =	vmov s21;
	v38 =	vshll.u32 v38, v1;
	_ =	swait.ge [sflag:s28], $0x2000  }
0x168: {  	v35 =	vshrl.u32 v35, $0x3;
	v36 =	vshrl.u32 v36, $0x3;
	v38 =	vbroadcast v38, $0x0;
	[sflag:s28] =	ssyncset.done $0x0  }
0x169: {  	s18 =	simm.s32 $0x5A00;
	v33 =	vbroadcast v33, $0x0;
	v45 =	vbroadcast v34, $0x0;
	v54 =	vshll.u32 v37, v1;
	[sflag:s28] =	ssyncadd.s32 $0xFFFFE000  }
0x16a: {  	v52 =	vshll.u32 v35, v1;
	v53 =	vshll.u32 v36, v1;
	v42 =	vadd.s32 v29, v38;
	v41 =	vld [tilespmem:s18+$0xC0]  }
0x16b: {  	v34 =	vbroadcast v54, $0x0;
	v44 =	vadd.s32 v0, v33;
	v52 =	vbroadcast v52, $0x0;
	v43 =	vld [tilespmem:s18+$0xFFFFFF00]  }
0x16c: {  	v55 =	vshrl.u32 v39, $0x3;
	v47 =	vadd.s32 v5, v45;
	v35 =	vbroadcast v53, $0x0;
	v46 =	vld [tilespmem:s18+$0xFFFFFF40]  }
0x16d: {  	v40 =	vshrl.u32 v40, $0x3;
	v36 =	vshll.u32 v55, v1;
	v49 =	vadd.s32 v9, v52;
	v48 =	vld [tilespmem:s18+$0xFFFFFF80]  }
0x16e: {  	v56 =	vshll.u32 v40, v1;
	v37 =	vbroadcast v36, $0x0;
	v50 =	vadd.s32 v13, v35;
	v39 =	vld [tilespmem:s18+$0xFFFFFFC0]  }
0x16f: {  	v53 =	vadd.s32 v17, v34;
	v36 =	vbroadcast v56, $0x0;
	v51 =	vld [tilespmem:s18+$0x0];
	[tilespmem:v42+s23+$0x0] =	vst.idx.msk $0xffff, v41  }
0x170: {  	v59 =	vld [tilespmem:s18+$0x40];
	v60 =	vadd.s32 v21, v37;
	[tilespmem:v44+s23+$0x0] =	vst.idx.msk $0xffff, v43  }
0x171: {  	v61 =	vld [tilespmem:s18+$0x80];
	v62 =	vadd.s32 v25, v36;
	[tilespmem:v47+s23+$0x0] =	vst.idx.msk $0xffff, v46  }
0x172: {  	v58 =	vadd.s32 v30, v38;
	[tilespmem:v49+s23+$0x0] =	vst.idx.msk $0xffff, v48;
	v57 =	vld [tilespmem:s18+$0xD0]  }
0x173: {  	v63 =	vadd.s32 v6, v45;
	[tilespmem:v50+s23+$0x0] =	vst.idx.msk $0xffff, v39;
	v47 =	vld [tilespmem:s18+$0xFFFFFF50]  }
0x174: {  	v55 =	vadd.s32 v10, v52;
	[tilespmem:v53+s23+$0x0] =	vst.idx.msk $0xffff, v51;
	v54 =	vld [tilespmem:s18+$0xFFFFFF90]  }
0x175: {  	v56 =	vadd.s32 v14, v35;
	[tilespmem:v60+s23+$0x0] =	vst.idx.msk $0xffff, v59;
	v50 =	vld [tilespmem:s18+$0xFFFFFFD0]  }
0x176: {  	[tilespmem:v62+s23+$0x0] =	vst.idx.msk $0xffff, v61;
	v46 =	vadd.s32 v22, v37;
	v44 =	vld [tilespmem:s18+$0x50]  }
0x177: {  	v59 =	vadd.s32 v18, v34;
	[tilespmem:v58+s23+$0x0] =	vst.idx.msk $0xffff, v57;
	v58 =	vld [tilespmem:s18+$0x10]  }
0x178: {  	v57 =	vadd.s32 v31, v38;
	[tilespmem:v63+s23+$0x0] =	vst.idx.msk $0xffff, v47;
	v40 =	vld [tilespmem:s18+$0xE0]  }
0x179: {  	v62 =	vadd.s32 v2, v33;
	v61 =	vld [tilespmem:s18+$0xFFFFFF10];
	[tilespmem:v55+s23+$0x0] =	vst.idx.msk $0xffff, v54  }
0x17a: {  	v60 =	vadd.s32 v26, v36;
	v63 =	vld [tilespmem:s18+$0x90];
	[tilespmem:v56+s23+$0x0] =	vst.idx.msk $0xffff, v50  }
0x17b: {  	v51 =	vadd.s32 v7, v45;
	[tilespmem:v46+s23+$0x0] =	vst.idx.msk $0xffff, v44;
	v50 =	vld [tilespmem:s18+$0xFFFFFF60]  }
0x17c: {  	v56 =	vadd.s32 v11, v52;
	v55 =	vld [tilespmem:s18+$0xFFFFFFA0];
	[tilespmem:v59+s23+$0x0] =	vst.idx.msk $0xffff, v58  }
0x17d: {  	v58 =	vadd.s32 v15, v35;
	[tilespmem:v57+s23+$0x0] =	vst.idx.msk $0xffff, v40;
	v57 =	vld [tilespmem:s18+$0xFFFFFFE0]  }
0x17e: {  	v38 =	vadd.s32 v32, v38;
	[tilespmem:v62+s23+$0x0] =	vst.idx.msk $0xffff, v61;
	v54 =	vld [tilespmem:s18+$0xF0]  }
0x17f: {  	s19 =	simm.s32 $0x9;
	[tilespmem:v60+s23+$0x0] =	vst.idx.msk $0xffff, v63;
	v60 =	vadd.s32 v19, v34;
	v59 =	vld [tilespmem:s18+$0x20]  }
0x180: {  	s21 =	simm.s32 $0xB;
	v41 =	vadd.s32 v23, v37;
	v53 =	vmov s19;
	[tilespmem:v51+s23+$0x0] =	vst.idx.msk $0xffff, v50;
	v40 =	vld [tilespmem:s18+$0x60]  }
0x181: {  	s12 =	simm.s32 $0x8;
	v43 =	vadd.s32 v27, v36;
	s19 =	simm.s32 $0xC;
	v48 =	vadd.s32 v3, v33;
	v44 =	vmov s21;
	v42 =	vld [tilespmem:s18+$0xA0];
	[tilespmem:v56+s23+$0x0] =	vst.idx.msk $0xffff, v55  }
0x182: {  	s20 =	simm.s32 $0xA;
	v47 =	vmov s19;
	v52 =	vadd.s32 v12, v52;
	v46 =	vld [tilespmem:s18+$0xFFFFFF20];
	v63 =	vmov s12;
	[tilespmem:v58+s23+$0x0] =	vst.idx.msk $0xffff, v57  }
0x183: {  	s21 =	simm.s32 $0xE;
	v39 =	vshrl.u32 v63, $0x3;
	v51 =	vadd.s32 v8, v45;
	v49 =	vld [tilespmem:s18+$0xFFFFFF70];
	[tilespmem:v38+s23+$0x0] =	vst.idx.msk $0xffff, v54;
	v54 =	vmov s20;
	s20 =	simm.s32 $0xD  }
0x184: {  	s19 =	simm.s32 $0x10;
	v45 =	vshll.u32 v39, v1;
	v39 =	vmov s21;
	v50 =	vld [tilespmem:s18+$0xFFFFFFB0];
	[tilespmem:v60+s23+$0x0] =	vst.idx.msk $0xffff, v59;
	v38 =	vmov s20;
	s20 =	simm.s32 $0xF  }
.LBB2_11:
0x185: {  	p0 =	slt.u32 s19, $0x78;
	v53 =	vshrl.u32 v53, $0x3;
	v55 =	vmov s20;
	v56 =	vld [tilespmem:s18+$0xFFFFFFF0];
	v35 =	vadd.s32 v16, v35;
	[tilespmem:v41+s23+$0x0] =	vst.idx.msk $0xffff, v40  }
0x186: {  	v40 =	vshrl.u32 v54, $0x3;
	v34 =	vadd.s32 v20, v34;
	v41 =	vshrl.u32 v55, $0x3;
	v54 =	vld [tilespmem:s18+$0x30];
	[tilespmem:v43+s23+$0x0] =	vst.idx.msk $0xffff, v42  }
0x187: {  	v37 =	vadd.s32 v24, v37;
	v42 =	vshrl.u32 v44, $0x3;
	v41 =	vshll.u32 v41, v1;
	[tilespmem:v48+s23+$0x0] =	vst.idx.msk $0xffff, v46;
	v43 =	vld [tilespmem:s18+$0x70]  }
0x188: {  	v36 =	vadd.s32 v28, v36;
	v44 =	vshrl.u32 v47, $0x3;
	v41 =	vbroadcast v41, $0x0;
	[tilespmem:v51+s23+$0x0] =	vst.idx.msk $0xffff, v49;
	v46 =	vld [tilespmem:s18+$0xB0]  }
0x189: {  	v47 =	vshll.u32 v53, v1;
	v49 =	vadd.s32 v4, v33;
	v33 =	vbroadcast v45, $0x0;
	v48 =	vld [tilespmem:s18+$0xFFFFFF30];
	[tilespmem:v52+s23+$0x0] =	vst.idx.msk $0xffff, v50;
	s18 =	sadd.s32 $0x200, s18  }
0x18a: {  	v40 =	vshll.u32 v40, v1;
	v45 =	vbroadcast v47, $0x0;
	v47 =	vld [tilespmem:s18+$0xC0];
	v50 =	vadd.s32 v29, v41;
	[tilespmem:v35+s23+$0x0] =	vst.idx.msk $0xffff, v56  }
0x18b: {  	v55 =	vbroadcast v40, $0x0;
	v52 =	vadd.s32 v0, v33;
	v35 =	vshll.u32 v42, v1;
	v51 =	vld [tilespmem:s18+$0xFFFFFF00];
	[tilespmem:v34+s23+$0x0] =	vst.idx.msk $0xffff, v54  }
0x18c: {  	v42 =	vadd.s32 v5, v45;
	v35 =	vbroadcast v35, $0x0;
	v34 =	vshll.u32 v44, v1;
	v40 =	vld [tilespmem:s18+$0xFFFFFF40];
	[tilespmem:v37+s23+$0x0] =	vst.idx.msk $0xffff, v43  }
0x18d: {  	v44 =	vadd.s32 v9, v55;
	v34 =	vbroadcast v34, $0x0;
	v37 =	vshrl.u32 v38, $0x3;
	v43 =	vld [tilespmem:s18+$0xFFFFFF80];
	[tilespmem:v36+s23+$0x0] =	vst.idx.msk $0xffff, v46  }
0x18e: {  	v39 =	vshrl.u32 v39, $0x3;
	v46 =	vadd.s32 v13, v35;
	v36 =	vshll.u32 v37, v1;
	v38 =	vld [tilespmem:s18+$0xFFFFFFC0];
	[tilespmem:v49+s23+$0x0] =	vst.idx.msk $0xffff, v48  }
0x18f: {  	v49 =	vadd.s32 v17, v34;
	v37 =	vbroadcast v36, $0x0;
	v36 =	vshll.u32 v39, v1;
	v48 =	vld [tilespmem:s18+$0x0];
	[tilespmem:v50+s23+$0x0] =	vst.idx.msk $0xffff, v47  }
0x190: {  	v36 =	vbroadcast v36, $0x0;
	v47 =	vadd.s32 v30, v41;
	[tilespmem:v52+s23+$0x0] =	vst.idx.msk $0xffff, v51;
	v39 =	vld [tilespmem:s18+$0xD0]  }
0x191: {  	[tilespmem:v42+s23+$0x0] =	vst.idx.msk $0xffff, v40;
	v40 =	vld [tilespmem:s18+$0x40];
	v42 =	vadd.s32 v21, v37  }
0x192: {  	[tilespmem:v44+s23+$0x0] =	vst.idx.msk $0xffff, v43;
	v43 =	vld [tilespmem:s18+$0x80];
	v44 =	vadd.s32 v25, v36  }
0x193: {  	v51 =	vadd.s32 v6, v45;
	v50 =	vld [tilespmem:s18+$0xFFFFFF50];
	[tilespmem:v46+s23+$0x0] =	vst.idx.msk $0xffff, v38  }
0x194: {  	v46 =	vadd.s32 v10, v55;
	v38 =	vld [tilespmem:s18+$0xFFFFFF90];
	[tilespmem:v49+s23+$0x0] =	vst.idx.msk $0xffff, v48  }
0x195: {  	v49 =	vadd.s32 v14, v35;
	v48 =	vld [tilespmem:s18+$0xFFFFFFD0];
	[tilespmem:v47+s23+$0x0] =	vst.idx.msk $0xffff, v39  }
0x196: {  	[tilespmem:v42+s23+$0x0] =	vst.idx.msk $0xffff, v40;
	v39 =	vld [tilespmem:s18+$0xE0];
	v40 =	vadd.s32 v31, v41  }
0x197: {  	v47 =	vadd.s32 v18, v34;
	v42 =	vld [tilespmem:s18+$0x10];
	[tilespmem:v44+s23+$0x0] =	vst.idx.msk $0xffff, v43  }
0x198: {  	v44 =	vadd.s32 v22, v37;
	[tilespmem:v51+s23+$0x0] =	vst.idx.msk $0xffff, v50;
	v43 =	vld [tilespmem:s18+$0x50]  }
0x199: {  	[tilespmem:v46+s23+$0x0] =	vst.idx.msk $0xffff, v38;
	v38 =	vld [tilespmem:s18+$0x90];
	v46 =	vadd.s32 v26, v36  }
0x19a: {  	v51 =	vadd.s32 v2, v33;
	v50 =	vld [tilespmem:s18+$0xFFFFFF10];
	[tilespmem:v49+s23+$0x0] =	vst.idx.msk $0xffff, v48  }
0x19b: {  	v49 =	vadd.s32 v7, v45;
	v48 =	vld [tilespmem:s18+$0xFFFFFF60];
	[tilespmem:v40+s23+$0x0] =	vst.idx.msk $0xffff, v39  }
0x19c: {  	[tilespmem:v47+s23+$0x0] =	vst.idx.msk $0xffff, v42;
	v39 =	vld [tilespmem:s18+$0xF0];
	v47 =	vadd.s32 v32, v41  }
0x19d: {  	v56 =	vadd.s32 v11, v55;
	v52 =	vld [tilespmem:s18+$0xFFFFFFA0];
	[tilespmem:v44+s23+$0x0] =	vst.idx.msk $0xffff, v43  }
0x19e: {  	v58 =	vadd.s32 v15, v35;
	v57 =	vld [tilespmem:s18+$0xFFFFFFE0];
	[tilespmem:v46+s23+$0x0] =	vst.idx.msk $0xffff, v38  }
0x19f: {  	v60 =	vadd.s32 v19, v34;
	[tilespmem:v51+s23+$0x0] =	vst.idx.msk $0xffff, v50;
	v59 =	vld [tilespmem:s18+$0x20]  }
.Ltmp4:
0x1a0: {  	s5 =	sadd.s32 $0x1, s19;
	v41 =	vadd.s32 v23, v37;
	v38 =	vmov s19;
	[tilespmem:v49+s23+$0x0] =	vst.idx.msk $0xffff, v48;
	v40 =	vld [tilespmem:s18+$0x60];
	(pc) =	sbr.rel @p0 .LBB2_11-.Ltmp4, $4  }
0x1a1: {  	s12 =	sadd.s32 $0x3, s19;
	v53 =	vmov s5;
	s5 =	sadd.s32 $0x2, s19;
	v43 =	vadd.s32 v27, v36;
	v50 =	vshrl.u32 v38, $0x3;
	v42 =	vld [tilespmem:s18+$0xA0];
	[tilespmem:v47+s23+$0x0] =	vst.idx.msk $0xffff, v39  }
0x1a2: {  	v54 =	vmov s5;
	s5 =	sadd.s32 $0x4, s19;
	v44 =	vmov s12;
	s12 =	sadd.s32 $0x5, s19;
	v48 =	vadd.s32 v3, v33;
	v46 =	vld [tilespmem:s18+$0xFFFFFF20];
	[tilespmem:v56+s23+$0x0] =	vst.idx.msk $0xffff, v52  }
0x1a3: {  	v38 =	vmov s12;
	v51 =	vadd.s32 v8, v45;
	v47 =	vmov s5;
	s5 =	sadd.s32 $0x6, s19;
	v49 =	vld [tilespmem:s18+$0xFFFFFF70];
	[tilespmem:v58+s23+$0x0] =	vst.idx.msk $0xffff, v57  }
0x1a4: {  	s20 =	sadd.s32 $0x7, s19;
	v45 =	vshll.u32 v50, v1;
	s19 =	sadd.s32 $0x8, s19;
	v39 =	vmov s5;
	v52 =	vadd.s32 v12, v55;
	v50 =	vld [tilespmem:s18+$0xFFFFFFB0];
	[tilespmem:v60+s23+$0x0] =	vst.idx.msk $0xffff, v59  }
0x1a5: {  	_ =	sdelay $0x2  }
0x1a6: {  	v53 =	vshrl.u32 v53, $0x3  }
0x1a7: {  	v55 =	vmov s20;
	v56 =	vld [tilespmem:s18+$0xFFFFFFF0];
	v35 =	vadd.s32 v16, v35;
	[tilespmem:v41+s23+$0x0] =	vst.idx.msk $0xffff, v40;
	v57 =	vshrl.u32 v54, $0x3  }
0x1a8: {  	v59 =	vld [tilespmem:s18+$0x30];
	v34 =	vadd.s32 v20, v34;
	v60 =	vshrl.u32 v44, $0x3;
	v58 =	vshrl.u32 v55, $0x3;
	[tilespmem:v43+s23+$0x0] =	vst.idx.msk $0xffff, v42  }
0x1a9: {  	v37 =	vadd.s32 v24, v37;
	v62 =	vshrl.u32 v47, $0x3;
	v61 =	vld [tilespmem:s18+$0x70];
	v41 =	vshll.u32 v58, v1;
	[tilespmem:v48+s23+$0x0] =	vst.idx.msk $0xffff, v46  }
0x1aa: {  	v36 =	vadd.s32 v28, v36;
	v45 =	vbroadcast v45, $0x0;
	v63 =	vld [tilespmem:s18+$0xB0];
	v41 =	vbroadcast v41, $0x0;
	[tilespmem:v51+s23+$0x0] =	vst.idx.msk $0xffff, v49  }
0x1ab: {  	v33 =	vadd.s32 v4, v33;
	s20 =	sadd.s32 $0x200, s18;
	v38 =	vshrl.u32 v38, $0x3;
	v55 =	vshll.u32 v53, v1;
	v48 =	vld [tilespmem:s18+$0xFFFFFF30];
	[tilespmem:v52+s23+$0x0] =	vst.idx.msk $0xffff, v50  }
0x1ac: {  	v40 =	vshll.u32 v57, v1;
	v47 =	vbroadcast v55, $0x0;
	v49 =	vld [tilespmem:s20+$0xC0];
	v50 =	vadd.s32 v29, v41;
	[tilespmem:v35+s23+$0x0] =	vst.idx.msk $0xffff, v56  }
0x1ad: {  	v42 =	vshll.u32 v60, v1;
	v40 =	vbroadcast v40, $0x0;
	v35 =	vld [tilespmem:s20+$0xFFFFFF00];
	v56 =	vadd.s32 v0, v45;
	[tilespmem:v34+s23+$0x0] =	vst.idx.msk $0xffff, v59  }
0x1ae: {  	v57 =	vld [tilespmem:s20+$0xFFFFFF40];
	v44 =	vshll.u32 v62, v1;
	v42 =	vbroadcast v42, $0x0;
	v58 =	vadd.s32 v5, v47;
	[tilespmem:v37+s23+$0x0] =	vst.idx.msk $0xffff, v61  }
0x1af: {  	v38 =	vshll.u32 v38, v1;
	v44 =	vbroadcast v44, $0x0;
	v60 =	vadd.s32 v9, v40;
	v59 =	vld [tilespmem:s20+$0xFFFFFF80];
	[tilespmem:v36+s23+$0x0] =	vst.idx.msk $0xffff, v63  }
0x1b0: {  	v38 =	vbroadcast v38, $0x0;
	v62 =	vadd.s32 v13, v42;
	v61 =	vld [tilespmem:s20+$0xFFFFFFC0];
	[tilespmem:v33+s23+$0x0] =	vst.idx.msk $0xffff, v48  }
0x1b1: {  	v39 =	vshrl.u32 v39, $0x3;
	v63 =	vadd.s32 v17, v44;
	v33 =	vld [tilespmem:s20+$0x0];
	[tilespmem:v50+s23+$0x0] =	vst.idx.msk $0xffff, v49  }
0x1b2: {  	v39 =	vshll.u32 v39, v1;
	v34 =	vld [tilespmem:s20+$0x40];
	[tilespmem:v56+s23+$0x0] =	vst.idx.msk $0xffff, v35;
	v56 =	vadd.s32 v21, v38  }
0x1b3: {  	[tilespmem:v58+s23+$0x0] =	vst.idx.msk $0xffff, v57;
	v35 =	vbroadcast v39, $0x0;
	v49 =	vadd.s32 v30, v41;
	v39 =	vld [tilespmem:s20+$0xD0]  }
0x1b4: {  	[tilespmem:v60+s23+$0x0] =	vst.idx.msk $0xffff, v59;
	v59 =	vld [tilespmem:s20+$0xFFFFFF50];
	v60 =	vadd.s32 v6, v47  }
0x1b5: {  	v57 =	vld [tilespmem:s20+$0x80];
	[tilespmem:v62+s23+$0x0] =	vst.idx.msk $0xffff, v61;
	v58 =	vadd.s32 v25, v35  }
0x1b6: {  	v61 =	vld [tilespmem:s20+$0xFFFFFF90];
	v62 =	vadd.s32 v10, v40;
	[tilespmem:v63+s23+$0x0] =	vst.idx.msk $0xffff, v33  }
0x1b7: {  	v33 =	vld [tilespmem:s20+$0xFFFFFFD0];
	v63 =	vadd.s32 v14, v42;
	[tilespmem:v56+s23+$0x0] =	vst.idx.msk $0xffff, v34  }
0x1b8: {  	v56 =	vadd.s32 v18, v44;
	[tilespmem:v49+s23+$0x0] =	vst.idx.msk $0xffff, v39;
	v49 =	vld [tilespmem:s20+$0x10]  }
0x1b9: {  	[tilespmem:v60+s23+$0x0] =	vst.idx.msk $0xffff, v59;
	v39 =	vadd.s32 v31, v41;
	v34 =	vld [tilespmem:s20+$0xE0]  }
0x1ba: {  	[tilespmem:v58+s23+$0x0] =	vst.idx.msk $0xffff, v57;
	v57 =	vld [tilespmem:s20+$0x50];
	v58 =	vadd.s32 v22, v38  }
0x1bb: {  	[tilespmem:v62+s23+$0x0] =	vst.idx.msk $0xffff, v61;
	v61 =	vld [tilespmem:s20+$0xFFFFFF10];
	v62 =	vadd.s32 v2, v45  }
0x1bc: {  	v60 =	vadd.s32 v26, v35;
	v59 =	vld [tilespmem:s20+$0x90];
	[tilespmem:v63+s23+$0x0] =	vst.idx.msk $0xffff, v33  }
0x1bd: {  	v55 =	vadd.s32 v11, v40;
	v54 =	vadd.s32 v32, v41;
	v41 =	vld [tilespmem:s20+$0xFFFFFFA0];
	[tilespmem:v56+s23+$0x0] =	vst.idx.msk $0xffff, v49  }
0x1be: {  	v53 =	vadd.s32 v7, v47;
	v63 =	vld [tilespmem:s20+$0xFFFFFF60];
	[tilespmem:v39+s23+$0x0] =	vst.idx.msk $0xffff, v34  }
0x1bf: {  	v56 =	vld [tilespmem:s20+$0xFFFFFFE0];
	[tilespmem:v58+s23+$0x0] =	vst.idx.msk $0xffff, v57;
	v57 =	vadd.s32 v15, v42  }
0x1c0: {  	[tilespmem:v62+s23+$0x0] =	vst.idx.msk $0xffff, v61;
	v34 =	vld [tilespmem:s20+$0xF0]  }
0x1c1: {  	v58 =	vld [tilespmem:s20+$0x20];
	[tilespmem:v60+s23+$0x0] =	vst.idx.msk $0xffff, v59;
	v59 =	vadd.s32 v19, v44  }
0x1c2: {  	v61 =	vadd.s32 v23, v38;
	[tilespmem:v55+s23+$0x0] =	vst.idx.msk $0xffff, v41;
	v60 =	vld [tilespmem:s20+$0x60]  }
0x1c3: {  	[tilespmem:v53+s23+$0x0] =	vst.idx.msk $0xffff, v63;
	v63 =	vadd.s32 v27, v35;
	v62 =	vld [tilespmem:s20+$0xA0]  }
0x1c4: {  	v47 =	vadd.s32 v8, v47;
	v55 =	vld [tilespmem:s20+$0xFFFFFF70];
	[tilespmem:v57+s23+$0x0] =	vst.idx.msk $0xffff, v56  }
0x1c5: {  	v53 =	vld [tilespmem:s20+$0xFFFFFF20];
	[tilespmem:v54+s23+$0x0] =	vst.idx.msk $0xffff, v34;
	v54 =	vadd.s32 v3, v45  }
0x1c6: {  	v40 =	vadd.s32 v12, v40;
	v56 =	vld [tilespmem:s20+$0xFFFFFFB0];
	[tilespmem:v59+s23+$0x0] =	vst.idx.msk $0xffff, v58  }
0x1c7: {  	v42 =	vadd.s32 v16, v42;
	v57 =	vld [tilespmem:s20+$0xFFFFFFF0];
	[tilespmem:v61+s23+$0x0] =	vst.idx.msk $0xffff, v60  }
0x1c8: {  	v59 =	vadd.s32 v20, v44;
	v58 =	vld [tilespmem:s20+$0x30];
	[tilespmem:v63+s23+$0x0] =	vst.idx.msk $0xffff, v62  }
0x1c9: {  	v38 =	vadd.s32 v24, v38;
	v60 =	vld [tilespmem:s20+$0x70];
	[tilespmem:v47+s23+$0x0] =	vst.idx.msk $0xffff, v55  }
0x1ca: {  	v35 =	vadd.s32 v28, v35;
	v61 =	vld [tilespmem:s20+$0xB0];
	[tilespmem:v54+s23+$0x0] =	vst.idx.msk $0xffff, v53  }
0x1cb: {  	v63 =	vadd.s32 v4, v45;
	[tilespmem:v40+s23+$0x0] =	vst.idx.msk $0xffff, v56;
	v62 =	vld [tilespmem:s20+$0xFFFFFF30]  }
0x1cc: {  	[tilespmem:v42+s23+$0x0] =	vst.idx.msk $0xffff, v57  }
0x1cd: {  	[tilespmem:v59+s23+$0x0] =	vst.idx.msk $0xffff, v58  }
0x1ce: {  	[tilespmem:v38+s23+$0x0] =	vst.idx.msk $0xffff, v60  }
0x1cf: {  	p0 =	seq.s32 s0, $0xB;
	[tilespmem:v35+s23+$0x0] =	vst.idx.msk $0xffff, v61  }
0x1d0: {  	s5 =	sadd.s32 @!p0 $0x300, s1;
	s12 =	simm.s32 @!p0 $0x80;
	s18 =	simm.s32 @!p0 $0x5900;
	[tilespmem:v63+s23+$0x0] =	vst.idx.msk $0xffff, v62  }
0x1d1: {  	[tilespmem:s18], [sflag:$0x3] =	stream.indirect.gather @!p0 [hbm4b:s4+s12], $0x40, s5, s12, $0xb8;
	[tilespmem:$0xDD00] =	vst v63  }
0x1d2: {  	s21 =	simm.s32 $0x9900;
	s12 =	sadd.s32 s14, s8  }
0x1d3: {  	[hbm4b:s12+s3] =	stream.linear.scatter [tilespmem:s21], [sflag:$0x5], $0x80, $0x38;
	[tilespmem:$0xDD00] =	vst v63  }
0x1d4: {  	s18 =	simm.s32 $0x9988;
	s19 =	sadd.s32 $0x10, s12  }
0x1d5: {  	[hbm4b:s19+s3] =	stream.linear.scatter [tilespmem:s18], [sflag:$0x5], $0x80, $0x38;
	[tilespmem:$0xDD00] =	vst v63  }
0x1d6: {  	s20 =	simm.s32 $0x9A10;
	s21 =	sadd.s32 $0x20, s12  }
0x1d7: {  	[hbm4b:s21+s3] =	stream.linear.scatter [tilespmem:s20], [sflag:$0x5], $0x80, $0x38;
	[tilespmem:$0xDD00] =	vst v63  }
0x1d8: {  	s18 =	simm.s32 $0x9A98;
	s19 =	sadd.s32 $0x30, s12  }
0x1d9: {  	[hbm4b:s19+s3] =	stream.linear.scatter [tilespmem:s18], [sflag:$0x5], $0x80, $0x38;
	[tilespmem:$0xDD00] =	vst v63  }
0x1da: {  	s20 =	simm.s32 $0x9B20;
	s21 =	sadd.s32 $0x40, s12  }
0x1db: {  	[hbm4b:s21+s3] =	stream.linear.scatter [tilespmem:s20], [sflag:$0x5], $0x80, $0x38;
	[tilespmem:$0xDD00] =	vst v63  }
0x1dc: {  	s5 =	sadd.s32 $0x70, s12;
	s18 =	simm.s32 $0x9BA8;
	s19 =	sadd.s32 $0x50, s12  }
0x1dd: {  	[hbm4b:s19+s3] =	stream.linear.scatter [tilespmem:s18], [sflag:$0x5], $0x80, $0x38;
	[tilespmem:$0xDD00] =	vst v63  }
0x1de: {  	s20 =	simm.s32 $0x9C30;
	s21 =	sadd.s32 $0x60, s12;
	s18 =	simm.s32 $0x440  }
0x1df: {  	[hbm4b:s21+s3] =	stream.linear.scatter [tilespmem:s20], [sflag:$0x5], $0x80, $0x38;
	[tilespmem:$0xDD00] =	vst v63  }
0x1e0: {  	s19 =	sadd.s32 $0x1000, s12;
	s20 =	simm.s32 $0x2200;
	s21 =	simm.s32 $0x9CB8  }
.LBB2_13:
0x1e1: {  	[hbm4b:s5+s3] =	stream.linear.scatter [tilespmem:s21], [sflag:$0x5], $0x80, $0x38;
	[tilespmem:$0xDD00] =	vst v63  }
0x1e2: {  	s5 =	smov.u32 s18;
	s12 =	smov.u32 s20  }
0x1e3: {  	s18 =	sshra.s32 s12, $0x2;
	s12 =	sadd.s32 $0x1100, s20;
	s21 =	sadd.s32 $0x9900, s5  }
0x1e4: {  	[hbm4b:s19+s3] =	stream.linear.scatter [tilespmem:s21], [sflag:$0x5], $0x80, $0x38;
	[tilespmem:$0xDD00] =	vst v63  }
0x1e5: {  	p1 =	sne.s32 s20, $0x7700;
	s20 =	sadd.s32 $0x9988, s5;
	s21 =	sadd.s32 $0x10, s19  }
0x1e6: {  	[hbm4b:s21+s3] =	stream.linear.scatter [tilespmem:s20], [sflag:$0x5], $0x80, $0x38;
	[tilespmem:$0xDD00] =	vst v63  }
0x1e7: {  	s20 =	sadd.s32 $0x9A10, s5;
	s21 =	sadd.s32 $0x20, s19  }
0x1e8: {  	[hbm4b:s21+s3] =	stream.linear.scatter [tilespmem:s20], [sflag:$0x5], $0x80, $0x38;
	[tilespmem:$0xDD00] =	vst v63  }
0x1e9: {  	s20 =	sadd.s32 $0x9A98, s5;
	s21 =	sadd.s32 $0x30, s19  }
0x1ea: {  	[hbm4b:s21+s3] =	stream.linear.scatter [tilespmem:s20], [sflag:$0x5], $0x80, $0x38;
	[tilespmem:$0xDD00] =	vst v63  }
0x1eb: {  	s20 =	sadd.s32 $0x9B20, s5;
	s21 =	sadd.s32 $0x40, s19  }
0x1ec: {  	[hbm4b:s21+s3] =	stream.linear.scatter [tilespmem:s20], [sflag:$0x5], $0x80, $0x38;
	[tilespmem:$0xDD00] =	vst v63  }
0x1ed: {  	s20 =	sadd.s32 $0x9BA8, s5;
	s21 =	sadd.s32 $0x50, s19  }
0x1ee: {  	[hbm4b:s21+s3] =	stream.linear.scatter [tilespmem:s20], [sflag:$0x5], $0x80, $0x38;
	[tilespmem:$0xDD00] =	vst v63  }
.Ltmp5:
0x1ef: {  	_ = 	snop;
	(pc) =	sbr.rel @p1 .LBB2_13-.Ltmp5, $4  }
0x1f0: {  	s20 =	sadd.s32 $0x9C30, s5;
	s21 =	sadd.s32 $0x60, s19  }
0x1f1: {  	[hbm4b:s21+s3] =	stream.linear.scatter [tilespmem:s20], [sflag:$0x5], $0x80, $0x38;
	[tilespmem:$0xDD00] =	vst v63  }
0x1f2: {  	s21 =	sadd.s32 $0x9CB8, s5  }
0x1f3: {  	s5 =	sadd.s32 $0x70, s19;
	s19 =	sadd.s32 $0x1000, s19;
	s20 =	smov.u32 s12  }
0x1f4: {  	[hbm4b:s5+s3] =	stream.linear.scatter [tilespmem:s21], [sflag:$0x5], $0x80, $0x38;
	[tilespmem:$0xDD00] =	vst v63  }
0x1f5: {  	s20 =	sadd.s32 $0x9900, s18  }
0x1f6: {  	[hbm4b:s19+s3] =	stream.linear.scatter [tilespmem:s20], [sflag:$0x5], $0x80, $0x38;
	[tilespmem:$0xDD00] =	vst v63  }
0x1f7: {  	s21 =	sadd.s32 $0x9988, s18;
	s12 =	sadd.s32 $0x10, s19  }
0x1f8: {  	[hbm4b:s12+s3] =	stream.linear.scatter [tilespmem:s21], [sflag:$0x5], $0x80, $0x38;
	[tilespmem:$0xDD00] =	vst v63  }
0x1f9: {  	s20 =	sadd.s32 $0x9A10, s18;
	s21 =	sadd.s32 $0x20, s19  }
0x1fa: {  	[hbm4b:s21+s3] =	stream.linear.scatter [tilespmem:s20], [sflag:$0x5], $0x80, $0x38;
	[tilespmem:$0xDD00] =	vst v63  }
0x1fb: {  	s20 =	sadd.s32 $0x9A98, s18;
	s21 =	sadd.s32 $0x30, s19  }
0x1fc: {  	[hbm4b:s21+s3] =	stream.linear.scatter [tilespmem:s20], [sflag:$0x5], $0x80, $0x38;
	[tilespmem:$0xDD00] =	vst v63  }
0x1fd: {  	s20 =	sadd.s32 $0x9B20, s18;
	s21 =	sadd.s32 $0x40, s19  }
0x1fe: {  	[hbm4b:s21+s3] =	stream.linear.scatter [tilespmem:s20], [sflag:$0x5], $0x80, $0x38;
	[tilespmem:$0xDD00] =	vst v63  }
0x1ff: {  	s20 =	sadd.s32 $0x9BA8, s18;
	s21 =	sadd.s32 $0x50, s19  }
0x200: {  	[hbm4b:s21+s3] =	stream.linear.scatter [tilespmem:s20], [sflag:$0x5], $0x80, $0x38;
	[tilespmem:$0xDD00] =	vst v63  }
0x201: {  	s20 =	sadd.s32 $0x9C30, s18;
	s21 =	sadd.s32 $0x60, s19  }
0x202: {  	[hbm4b:s21+s3] =	stream.linear.scatter [tilespmem:s20], [sflag:$0x5], $0x80, $0x38;
	[tilespmem:$0xDD00] =	vst v63  }
0x203: {  	s20 =	sadd.s32 $0x9CB8, s18  }
0x204: {  	s21 =	sadd.s32 $0x70, s19;
	s18 =	simm.s32 $0x0;
	s19 =	simm.s32 $0x1  }
0x205: {  	v33 =	vmov s18;
	v34 =	vmov s19;
	s18 =	simm.s32 $0x4;
	s19 =	simm.s32 $0x7  }
0x206: {  	[hbm4b:s21+s3] =	stream.linear.scatter [tilespmem:s20], [sflag:$0x5], $0x80, $0x38;
	v33 =	vshrl.u32 v33, $0x3;
	[tilespmem:$0xDD00] =	vst v63  }
0x207: {  	s20 =	simm.s32 $0x2;
	s21 =	simm.s32 $0x3;
	v37 =	vmov s18;
	v38 =	vmov s19;
	v34 =	vshrl.u32 v34, $0x3;
	_ =	swait.ge [sflag:s29], $0x2000  }
0x208: {  	v35 =	vmov s20;
	v36 =	vmov s21;
	v33 =	vshll.u32 v33, v1;
	[sflag:s29] =	ssyncset.done $0x0  }
0x209: {  	s20 =	simm.s32 $0x5;
	s21 =	simm.s32 $0x6;
	v38 =	vshrl.u32 v38, $0x3;
	v37 =	vshrl.u32 v37, $0x3;
	v34 =	vshll.u32 v34, v1;
	[sflag:s29] =	ssyncadd.s32 $0xFFFFE000  }
0x20a: {  	v39 =	vmov s20;
	v40 =	vmov s21;
	v38 =	vshll.u32 v38, v1;
	_ =	swait.ge [sflag:s30], $0x2000  }
0x20b: {  	v35 =	vshrl.u32 v35, $0x3;
	v36 =	vshrl.u32 v36, $0x3;
	v38 =	vbroadcast v38, $0x0;
	[sflag:s30] =	ssyncset.done $0x0  }
0x20c: {  	s18 =	simm.s32 $0x7A00;
	v33 =	vbroadcast v33, $0x0;
	v45 =	vbroadcast v34, $0x0;
	v54 =	vshll.u32 v37, v1;
	[sflag:s30] =	ssyncadd.s32 $0xFFFFE000  }
0x20d: {  	v52 =	vshll.u32 v35, v1;
	v53 =	vshll.u32 v36, v1;
	v42 =	vadd.s32 v29, v38;
	v41 =	vld [tilespmem:s18+$0xC0]  }
0x20e: {  	v34 =	vbroadcast v54, $0x0;
	v44 =	vadd.s32 v0, v33;
	v52 =	vbroadcast v52, $0x0;
	v43 =	vld [tilespmem:s18+$0xFFFFFF00]  }
0x20f: {  	v55 =	vshrl.u32 v39, $0x3;
	v47 =	vadd.s32 v5, v45;
	v35 =	vbroadcast v53, $0x0;
	v46 =	vld [tilespmem:s18+$0xFFFFFF40]  }
0x210: {  	v40 =	vshrl.u32 v40, $0x3;
	v36 =	vshll.u32 v55, v1;
	v49 =	vadd.s32 v9, v52;
	v48 =	vld [tilespmem:s18+$0xFFFFFF80]  }
0x211: {  	v56 =	vshll.u32 v40, v1;
	v37 =	vbroadcast v36, $0x0;
	v50 =	vadd.s32 v13, v35;
	v39 =	vld [tilespmem:s18+$0xFFFFFFC0]  }
0x212: {  	v53 =	vadd.s32 v17, v34;
	v36 =	vbroadcast v56, $0x0;
	v51 =	vld [tilespmem:s18+$0x0];
	[tilespmem:v42+s25+$0x0] =	vst.idx.msk $0xffff, v41  }
0x213: {  	v59 =	vld [tilespmem:s18+$0x40];
	v60 =	vadd.s32 v21, v37;
	[tilespmem:v44+s25+$0x0] =	vst.idx.msk $0xffff, v43  }
0x214: {  	v61 =	vld [tilespmem:s18+$0x80];
	v62 =	vadd.s32 v25, v36;
	[tilespmem:v47+s25+$0x0] =	vst.idx.msk $0xffff, v46  }
0x215: {  	v58 =	vadd.s32 v30, v38;
	[tilespmem:v49+s25+$0x0] =	vst.idx.msk $0xffff, v48;
	v57 =	vld [tilespmem:s18+$0xD0]  }
0x216: {  	v63 =	vadd.s32 v6, v45;
	[tilespmem:v50+s25+$0x0] =	vst.idx.msk $0xffff, v39;
	v47 =	vld [tilespmem:s18+$0xFFFFFF50]  }
0x217: {  	v55 =	vadd.s32 v10, v52;
	[tilespmem:v53+s25+$0x0] =	vst.idx.msk $0xffff, v51;
	v54 =	vld [tilespmem:s18+$0xFFFFFF90]  }
0x218: {  	v56 =	vadd.s32 v14, v35;
	[tilespmem:v60+s25+$0x0] =	vst.idx.msk $0xffff, v59;
	v50 =	vld [tilespmem:s18+$0xFFFFFFD0]  }
0x219: {  	[tilespmem:v62+s25+$0x0] =	vst.idx.msk $0xffff, v61;
	v46 =	vadd.s32 v22, v37;
	v44 =	vld [tilespmem:s18+$0x50]  }
0x21a: {  	v59 =	vadd.s32 v18, v34;
	[tilespmem:v58+s25+$0x0] =	vst.idx.msk $0xffff, v57;
	v58 =	vld [tilespmem:s18+$0x10]  }
0x21b: {  	v57 =	vadd.s32 v31, v38;
	[tilespmem:v63+s25+$0x0] =	vst.idx.msk $0xffff, v47;
	v40 =	vld [tilespmem:s18+$0xE0]  }
0x21c: {  	v62 =	vadd.s32 v2, v33;
	v61 =	vld [tilespmem:s18+$0xFFFFFF10];
	[tilespmem:v55+s25+$0x0] =	vst.idx.msk $0xffff, v54  }
0x21d: {  	v60 =	vadd.s32 v26, v36;
	v63 =	vld [tilespmem:s18+$0x90];
	[tilespmem:v56+s25+$0x0] =	vst.idx.msk $0xffff, v50  }
0x21e: {  	v51 =	vadd.s32 v7, v45;
	[tilespmem:v46+s25+$0x0] =	vst.idx.msk $0xffff, v44;
	v50 =	vld [tilespmem:s18+$0xFFFFFF60]  }
0x21f: {  	v56 =	vadd.s32 v11, v52;
	v55 =	vld [tilespmem:s18+$0xFFFFFFA0];
	[tilespmem:v59+s25+$0x0] =	vst.idx.msk $0xffff, v58  }
0x220: {  	v58 =	vadd.s32 v15, v35;
	[tilespmem:v57+s25+$0x0] =	vst.idx.msk $0xffff, v40;
	v57 =	vld [tilespmem:s18+$0xFFFFFFE0]  }
0x221: {  	v38 =	vadd.s32 v32, v38;
	[tilespmem:v62+s25+$0x0] =	vst.idx.msk $0xffff, v61;
	v54 =	vld [tilespmem:s18+$0xF0]  }
0x222: {  	s19 =	simm.s32 $0x9;
	[tilespmem:v60+s25+$0x0] =	vst.idx.msk $0xffff, v63;
	v60 =	vadd.s32 v19, v34;
	v59 =	vld [tilespmem:s18+$0x20]  }
0x223: {  	s21 =	simm.s32 $0xB;
	v41 =	vadd.s32 v23, v37;
	v53 =	vmov s19;
	[tilespmem:v51+s25+$0x0] =	vst.idx.msk $0xffff, v50;
	v40 =	vld [tilespmem:s18+$0x60]  }
0x224: {  	s12 =	simm.s32 $0x8;
	v43 =	vadd.s32 v27, v36;
	s19 =	simm.s32 $0xC;
	v48 =	vadd.s32 v3, v33;
	v44 =	vmov s21;
	v42 =	vld [tilespmem:s18+$0xA0];
	[tilespmem:v56+s25+$0x0] =	vst.idx.msk $0xffff, v55  }
0x225: {  	s20 =	simm.s32 $0xA;
	v47 =	vmov s19;
	v52 =	vadd.s32 v12, v52;
	v46 =	vld [tilespmem:s18+$0xFFFFFF20];
	v63 =	vmov s12;
	[tilespmem:v58+s25+$0x0] =	vst.idx.msk $0xffff, v57  }
0x226: {  	s21 =	simm.s32 $0xE;
	v39 =	vshrl.u32 v63, $0x3;
	v51 =	vadd.s32 v8, v45;
	v49 =	vld [tilespmem:s18+$0xFFFFFF70];
	[tilespmem:v38+s25+$0x0] =	vst.idx.msk $0xffff, v54;
	v54 =	vmov s20;
	s20 =	simm.s32 $0xD  }
0x227: {  	s19 =	simm.s32 $0x10;
	v45 =	vshll.u32 v39, v1;
	v39 =	vmov s21;
	v50 =	vld [tilespmem:s18+$0xFFFFFFB0];
	[tilespmem:v60+s25+$0x0] =	vst.idx.msk $0xffff, v59;
	v38 =	vmov s20;
	s20 =	simm.s32 $0xF  }
.LBB2_15:
0x228: {  	p1 =	slt.u32 s19, $0x78;
	v53 =	vshrl.u32 v53, $0x3;
	v55 =	vmov s20;
	v56 =	vld [tilespmem:s18+$0xFFFFFFF0];
	v35 =	vadd.s32 v16, v35;
	[tilespmem:v41+s25+$0x0] =	vst.idx.msk $0xffff, v40  }
0x229: {  	v40 =	vshrl.u32 v54, $0x3;
	v34 =	vadd.s32 v20, v34;
	v41 =	vshrl.u32 v55, $0x3;
	v54 =	vld [tilespmem:s18+$0x30];
	[tilespmem:v43+s25+$0x0] =	vst.idx.msk $0xffff, v42  }
0x22a: {  	v37 =	vadd.s32 v24, v37;
	v42 =	vshrl.u32 v44, $0x3;
	v41 =	vshll.u32 v41, v1;
	[tilespmem:v48+s25+$0x0] =	vst.idx.msk $0xffff, v46;
	v43 =	vld [tilespmem:s18+$0x70]  }
0x22b: {  	v36 =	vadd.s32 v28, v36;
	v44 =	vshrl.u32 v47, $0x3;
	v41 =	vbroadcast v41, $0x0;
	[tilespmem:v51+s25+$0x0] =	vst.idx.msk $0xffff, v49;
	v46 =	vld [tilespmem:s18+$0xB0]  }
0x22c: {  	v47 =	vshll.u32 v53, v1;
	v49 =	vadd.s32 v4, v33;
	v33 =	vbroadcast v45, $0x0;
	v48 =	vld [tilespmem:s18+$0xFFFFFF30];
	[tilespmem:v52+s25+$0x0] =	vst.idx.msk $0xffff, v50;
	s18 =	sadd.s32 $0x200, s18  }
0x22d: {  	v40 =	vshll.u32 v40, v1;
	v45 =	vbroadcast v47, $0x0;
	v47 =	vld [tilespmem:s18+$0xC0];
	v50 =	vadd.s32 v29, v41;
	[tilespmem:v35+s25+$0x0] =	vst.idx.msk $0xffff, v56  }
0x22e: {  	v55 =	vbroadcast v40, $0x0;
	v52 =	vadd.s32 v0, v33;
	v35 =	vshll.u32 v42, v1;
	v51 =	vld [tilespmem:s18+$0xFFFFFF00];
	[tilespmem:v34+s25+$0x0] =	vst.idx.msk $0xffff, v54  }
0x22f: {  	v42 =	vadd.s32 v5, v45;
	v35 =	vbroadcast v35, $0x0;
	v34 =	vshll.u32 v44, v1;
	v40 =	vld [tilespmem:s18+$0xFFFFFF40];
	[tilespmem:v37+s25+$0x0] =	vst.idx.msk $0xffff, v43  }
0x230: {  	v44 =	vadd.s32 v9, v55;
	v34 =	vbroadcast v34, $0x0;
	v37 =	vshrl.u32 v38, $0x3;
	v43 =	vld [tilespmem:s18+$0xFFFFFF80];
	[tilespmem:v36+s25+$0x0] =	vst.idx.msk $0xffff, v46  }
0x231: {  	v39 =	vshrl.u32 v39, $0x3;
	v46 =	vadd.s32 v13, v35;
	v36 =	vshll.u32 v37, v1;
	v38 =	vld [tilespmem:s18+$0xFFFFFFC0];
	[tilespmem:v49+s25+$0x0] =	vst.idx.msk $0xffff, v48  }
0x232: {  	v49 =	vadd.s32 v17, v34;
	v37 =	vbroadcast v36, $0x0;
	v36 =	vshll.u32 v39, v1;
	v48 =	vld [tilespmem:s18+$0x0];
	[tilespmem:v50+s25+$0x0] =	vst.idx.msk $0xffff, v47  }
0x233: {  	v36 =	vbroadcast v36, $0x0;
	v47 =	vadd.s32 v30, v41;
	[tilespmem:v52+s25+$0x0] =	vst.idx.msk $0xffff, v51;
	v39 =	vld [tilespmem:s18+$0xD0]  }
0x234: {  	[tilespmem:v42+s25+$0x0] =	vst.idx.msk $0xffff, v40;
	v40 =	vld [tilespmem:s18+$0x40];
	v42 =	vadd.s32 v21, v37  }
0x235: {  	[tilespmem:v44+s25+$0x0] =	vst.idx.msk $0xffff, v43;
	v43 =	vld [tilespmem:s18+$0x80];
	v44 =	vadd.s32 v25, v36  }
0x236: {  	v51 =	vadd.s32 v6, v45;
	v50 =	vld [tilespmem:s18+$0xFFFFFF50];
	[tilespmem:v46+s25+$0x0] =	vst.idx.msk $0xffff, v38  }
0x237: {  	v46 =	vadd.s32 v10, v55;
	v38 =	vld [tilespmem:s18+$0xFFFFFF90];
	[tilespmem:v49+s25+$0x0] =	vst.idx.msk $0xffff, v48  }
0x238: {  	v49 =	vadd.s32 v14, v35;
	v48 =	vld [tilespmem:s18+$0xFFFFFFD0];
	[tilespmem:v47+s25+$0x0] =	vst.idx.msk $0xffff, v39  }
0x239: {  	[tilespmem:v42+s25+$0x0] =	vst.idx.msk $0xffff, v40;
	v39 =	vld [tilespmem:s18+$0xE0];
	v40 =	vadd.s32 v31, v41  }
0x23a: {  	v47 =	vadd.s32 v18, v34;
	v42 =	vld [tilespmem:s18+$0x10];
	[tilespmem:v44+s25+$0x0] =	vst.idx.msk $0xffff, v43  }
0x23b: {  	v44 =	vadd.s32 v22, v37;
	[tilespmem:v51+s25+$0x0] =	vst.idx.msk $0xffff, v50;
	v43 =	vld [tilespmem:s18+$0x50]  }
0x23c: {  	[tilespmem:v46+s25+$0x0] =	vst.idx.msk $0xffff, v38;
	v38 =	vld [tilespmem:s18+$0x90];
	v46 =	vadd.s32 v26, v36  }
0x23d: {  	v51 =	vadd.s32 v2, v33;
	v50 =	vld [tilespmem:s18+$0xFFFFFF10];
	[tilespmem:v49+s25+$0x0] =	vst.idx.msk $0xffff, v48  }
0x23e: {  	v49 =	vadd.s32 v7, v45;
	v48 =	vld [tilespmem:s18+$0xFFFFFF60];
	[tilespmem:v40+s25+$0x0] =	vst.idx.msk $0xffff, v39  }
0x23f: {  	[tilespmem:v47+s25+$0x0] =	vst.idx.msk $0xffff, v42;
	v39 =	vld [tilespmem:s18+$0xF0];
	v47 =	vadd.s32 v32, v41  }
0x240: {  	v56 =	vadd.s32 v11, v55;
	v52 =	vld [tilespmem:s18+$0xFFFFFFA0];
	[tilespmem:v44+s25+$0x0] =	vst.idx.msk $0xffff, v43  }
0x241: {  	v58 =	vadd.s32 v15, v35;
	v57 =	vld [tilespmem:s18+$0xFFFFFFE0];
	[tilespmem:v46+s25+$0x0] =	vst.idx.msk $0xffff, v38  }
0x242: {  	v60 =	vadd.s32 v19, v34;
	[tilespmem:v51+s25+$0x0] =	vst.idx.msk $0xffff, v50;
	v59 =	vld [tilespmem:s18+$0x20]  }
.Ltmp6:
0x243: {  	s5 =	sadd.s32 $0x1, s19;
	v41 =	vadd.s32 v23, v37;
	v38 =	vmov s19;
	[tilespmem:v49+s25+$0x0] =	vst.idx.msk $0xffff, v48;
	v40 =	vld [tilespmem:s18+$0x60];
	(pc) =	sbr.rel @p1 .LBB2_15-.Ltmp6, $4  }
0x244: {  	s12 =	sadd.s32 $0x3, s19;
	v53 =	vmov s5;
	s5 =	sadd.s32 $0x2, s19;
	v43 =	vadd.s32 v27, v36;
	v50 =	vshrl.u32 v38, $0x3;
	v42 =	vld [tilespmem:s18+$0xA0];
	[tilespmem:v47+s25+$0x0] =	vst.idx.msk $0xffff, v39  }
0x245: {  	v54 =	vmov s5;
	s5 =	sadd.s32 $0x4, s19;
	v44 =	vmov s12;
	s12 =	sadd.s32 $0x5, s19;
	v48 =	vadd.s32 v3, v33;
	v46 =	vld [tilespmem:s18+$0xFFFFFF20];
	[tilespmem:v56+s25+$0x0] =	vst.idx.msk $0xffff, v52  }
0x246: {  	v38 =	vmov s12;
	v51 =	vadd.s32 v8, v45;
	v47 =	vmov s5;
	s5 =	sadd.s32 $0x6, s19;
	v49 =	vld [tilespmem:s18+$0xFFFFFF70];
	[tilespmem:v58+s25+$0x0] =	vst.idx.msk $0xffff, v57  }
0x247: {  	s20 =	sadd.s32 $0x7, s19;
	v45 =	vshll.u32 v50, v1;
	s19 =	sadd.s32 $0x8, s19;
	v39 =	vmov s5;
	v52 =	vadd.s32 v12, v55;
	v50 =	vld [tilespmem:s18+$0xFFFFFFB0];
	[tilespmem:v60+s25+$0x0] =	vst.idx.msk $0xffff, v59  }
0x248: {  	_ =	sdelay $0x2  }
0x249: {  	v53 =	vshrl.u32 v53, $0x3  }
0x24a: {  	v55 =	vmov s20;
	v56 =	vld [tilespmem:s18+$0xFFFFFFF0];
	v35 =	vadd.s32 v16, v35;
	[tilespmem:v41+s25+$0x0] =	vst.idx.msk $0xffff, v40;
	v57 =	vshrl.u32 v54, $0x3  }
0x24b: {  	v59 =	vld [tilespmem:s18+$0x30];
	v34 =	vadd.s32 v20, v34;
	v60 =	vshrl.u32 v44, $0x3;
	v58 =	vshrl.u32 v55, $0x3;
	[tilespmem:v43+s25+$0x0] =	vst.idx.msk $0xffff, v42  }
0x24c: {  	v37 =	vadd.s32 v24, v37;
	v62 =	vshrl.u32 v47, $0x3;
	v61 =	vld [tilespmem:s18+$0x70];
	v41 =	vshll.u32 v58, v1;
	[tilespmem:v48+s25+$0x0] =	vst.idx.msk $0xffff, v46  }
0x24d: {  	v36 =	vadd.s32 v28, v36;
	v45 =	vbroadcast v45, $0x0;
	v63 =	vld [tilespmem:s18+$0xB0];
	v41 =	vbroadcast v41, $0x0;
	[tilespmem:v51+s25+$0x0] =	vst.idx.msk $0xffff, v49  }
0x24e: {  	v33 =	vadd.s32 v4, v33;
	s20 =	sadd.s32 $0x200, s18;
	v38 =	vshrl.u32 v38, $0x3;
	v55 =	vshll.u32 v53, v1;
	v48 =	vld [tilespmem:s18+$0xFFFFFF30];
	[tilespmem:v52+s25+$0x0] =	vst.idx.msk $0xffff, v50  }
0x24f: {  	v40 =	vshll.u32 v57, v1;
	v47 =	vbroadcast v55, $0x0;
	v49 =	vld [tilespmem:s20+$0xC0];
	v50 =	vadd.s32 v29, v41;
	[tilespmem:v35+s25+$0x0] =	vst.idx.msk $0xffff, v56  }
0x250: {  	v42 =	vshll.u32 v60, v1;
	v40 =	vbroadcast v40, $0x0;
	v35 =	vld [tilespmem:s20+$0xFFFFFF00];
	v56 =	vadd.s32 v0, v45;
	[tilespmem:v34+s25+$0x0] =	vst.idx.msk $0xffff, v59  }
0x251: {  	v57 =	vld [tilespmem:s20+$0xFFFFFF40];
	v44 =	vshll.u32 v62, v1;
	v42 =	vbroadcast v42, $0x0;
	v58 =	vadd.s32 v5, v47;
	[tilespmem:v37+s25+$0x0] =	vst.idx.msk $0xffff, v61  }
0x252: {  	v38 =	vshll.u32 v38, v1;
	v44 =	vbroadcast v44, $0x0;
	v60 =	vadd.s32 v9, v40;
	v59 =	vld [tilespmem:s20+$0xFFFFFF80];
	[tilespmem:v36+s25+$0x0] =	vst.idx.msk $0xffff, v63  }
0x253: {  	v38 =	vbroadcast v38, $0x0;
	v62 =	vadd.s32 v13, v42;
	v61 =	vld [tilespmem:s20+$0xFFFFFFC0];
	[tilespmem:v33+s25+$0x0] =	vst.idx.msk $0xffff, v48  }
0x254: {  	v39 =	vshrl.u32 v39, $0x3;
	v63 =	vadd.s32 v17, v44;
	v33 =	vld [tilespmem:s20+$0x0];
	[tilespmem:v50+s25+$0x0] =	vst.idx.msk $0xffff, v49  }
0x255: {  	v39 =	vshll.u32 v39, v1;
	v34 =	vld [tilespmem:s20+$0x40];
	[tilespmem:v56+s25+$0x0] =	vst.idx.msk $0xffff, v35;
	v56 =	vadd.s32 v21, v38  }
0x256: {  	[tilespmem:v58+s25+$0x0] =	vst.idx.msk $0xffff, v57;
	v35 =	vbroadcast v39, $0x0;
	v49 =	vadd.s32 v30, v41;
	v39 =	vld [tilespmem:s20+$0xD0]  }
0x257: {  	[tilespmem:v60+s25+$0x0] =	vst.idx.msk $0xffff, v59;
	v59 =	vld [tilespmem:s20+$0xFFFFFF50];
	v60 =	vadd.s32 v6, v47  }
0x258: {  	v57 =	vld [tilespmem:s20+$0x80];
	[tilespmem:v62+s25+$0x0] =	vst.idx.msk $0xffff, v61;
	v58 =	vadd.s32 v25, v35  }
0x259: {  	v61 =	vld [tilespmem:s20+$0xFFFFFF90];
	v62 =	vadd.s32 v10, v40;
	[tilespmem:v63+s25+$0x0] =	vst.idx.msk $0xffff, v33  }
0x25a: {  	v33 =	vld [tilespmem:s20+$0xFFFFFFD0];
	v63 =	vadd.s32 v14, v42;
	[tilespmem:v56+s25+$0x0] =	vst.idx.msk $0xffff, v34  }
0x25b: {  	v56 =	vadd.s32 v18, v44;
	[tilespmem:v49+s25+$0x0] =	vst.idx.msk $0xffff, v39;
	v49 =	vld [tilespmem:s20+$0x10]  }
0x25c: {  	[tilespmem:v60+s25+$0x0] =	vst.idx.msk $0xffff, v59;
	v39 =	vadd.s32 v31, v41;
	v34 =	vld [tilespmem:s20+$0xE0]  }
0x25d: {  	[tilespmem:v58+s25+$0x0] =	vst.idx.msk $0xffff, v57;
	v57 =	vld [tilespmem:s20+$0x50];
	v58 =	vadd.s32 v22, v38  }
0x25e: {  	[tilespmem:v62+s25+$0x0] =	vst.idx.msk $0xffff, v61;
	v61 =	vld [tilespmem:s20+$0xFFFFFF10];
	v62 =	vadd.s32 v2, v45  }
0x25f: {  	v60 =	vadd.s32 v26, v35;
	v59 =	vld [tilespmem:s20+$0x90];
	[tilespmem:v63+s25+$0x0] =	vst.idx.msk $0xffff, v33  }
0x260: {  	v55 =	vadd.s32 v11, v40;
	v54 =	vadd.s32 v32, v41;
	v41 =	vld [tilespmem:s20+$0xFFFFFFA0];
	[tilespmem:v56+s25+$0x0] =	vst.idx.msk $0xffff, v49  }
0x261: {  	v53 =	vadd.s32 v7, v47;
	v63 =	vld [tilespmem:s20+$0xFFFFFF60];
	[tilespmem:v39+s25+$0x0] =	vst.idx.msk $0xffff, v34  }
0x262: {  	v56 =	vld [tilespmem:s20+$0xFFFFFFE0];
	[tilespmem:v58+s25+$0x0] =	vst.idx.msk $0xffff, v57;
	v57 =	vadd.s32 v15, v42  }
0x263: {  	[tilespmem:v62+s25+$0x0] =	vst.idx.msk $0xffff, v61;
	v34 =	vld [tilespmem:s20+$0xF0]  }
0x264: {  	v58 =	vld [tilespmem:s20+$0x20];
	[tilespmem:v60+s25+$0x0] =	vst.idx.msk $0xffff, v59;
	v59 =	vadd.s32 v19, v44  }
0x265: {  	v61 =	vadd.s32 v23, v38;
	[tilespmem:v55+s25+$0x0] =	vst.idx.msk $0xffff, v41;
	v60 =	vld [tilespmem:s20+$0x60]  }
0x266: {  	[tilespmem:v53+s25+$0x0] =	vst.idx.msk $0xffff, v63;
	v63 =	vadd.s32 v27, v35;
	v62 =	vld [tilespmem:s20+$0xA0]  }
0x267: {  	v47 =	vadd.s32 v8, v47;
	v55 =	vld [tilespmem:s20+$0xFFFFFF70];
	[tilespmem:v57+s25+$0x0] =	vst.idx.msk $0xffff, v56  }
0x268: {  	v53 =	vld [tilespmem:s20+$0xFFFFFF20];
	[tilespmem:v54+s25+$0x0] =	vst.idx.msk $0xffff, v34;
	v54 =	vadd.s32 v3, v45  }
0x269: {  	v40 =	vadd.s32 v12, v40;
	v56 =	vld [tilespmem:s20+$0xFFFFFFB0];
	[tilespmem:v59+s25+$0x0] =	vst.idx.msk $0xffff, v58  }
0x26a: {  	v42 =	vadd.s32 v16, v42;
	v57 =	vld [tilespmem:s20+$0xFFFFFFF0];
	[tilespmem:v61+s25+$0x0] =	vst.idx.msk $0xffff, v60  }
0x26b: {  	v59 =	vadd.s32 v20, v44;
	v58 =	vld [tilespmem:s20+$0x30];
	[tilespmem:v63+s25+$0x0] =	vst.idx.msk $0xffff, v62  }
0x26c: {  	v38 =	vadd.s32 v24, v38;
	v60 =	vld [tilespmem:s20+$0x70];
	[tilespmem:v47+s25+$0x0] =	vst.idx.msk $0xffff, v55  }
0x26d: {  	v35 =	vadd.s32 v28, v35;
	v61 =	vld [tilespmem:s20+$0xB0];
	[tilespmem:v54+s25+$0x0] =	vst.idx.msk $0xffff, v53  }
0x26e: {  	v63 =	vadd.s32 v4, v45;
	[tilespmem:v40+s25+$0x0] =	vst.idx.msk $0xffff, v56;
	v62 =	vld [tilespmem:s20+$0xFFFFFF30]  }
0x26f: {  	[tilespmem:v42+s25+$0x0] =	vst.idx.msk $0xffff, v57  }
0x270: {  	[tilespmem:v59+s25+$0x0] =	vst.idx.msk $0xffff, v58  }
0x271: {  	[tilespmem:v38+s25+$0x0] =	vst.idx.msk $0xffff, v60  }
0x272: {  	[tilespmem:v35+s25+$0x0] =	vst.idx.msk $0xffff, v61  }
0x273: {  	s1 =	sadd.s32 @!p0 $0x380, s1;
	s5 =	simm.s32 @!p0 $0x80;
	s12 =	simm.s32 @!p0 $0x7900;
	[tilespmem:v63+s25+$0x0] =	vst.idx.msk $0xffff, v62  }
0x274: {  	[tilespmem:s12], [sflag:$0x4] =	stream.indirect.gather @!p0 [hbm4b:s4+s5], $0x40, s1, s5, $0xb8;
	[tilespmem:$0xDD00] =	vst v63  }
0x275: {  	s21 =	simm.s32 $0xBB00;
	s12 =	sadd.s32 s14, s9  }
0x276: {  	[hbm4b:s12+s3] =	stream.linear.scatter [tilespmem:s21], [sflag:$0x6], $0x80, $0x38;
	[tilespmem:$0xDD00] =	vst v63  }
0x277: {  	s5 =	simm.s32 $0xBB88;
	s14 =	sadd.s32 $0x10, s12  }
0x278: {  	[hbm4b:s14+s3] =	stream.linear.scatter [tilespmem:s5], [sflag:$0x6], $0x80, $0x38;
	[tilespmem:$0xDD00] =	vst v63  }
0x279: {  	s18 =	simm.s32 $0xBC10;
	s20 =	simm.s32 $0xBC98;
	s19 =	sadd.s32 $0x20, s12  }
0x27a: {  	[hbm4b:s19+s3] =	stream.linear.scatter [tilespmem:s18], [sflag:$0x6], $0x80, $0x38;
	[tilespmem:$0xDD00] =	vst v63  }
0x27b: {  	s1 =	simm.s32 $0x440;
	s21 =	sadd.s32 $0x30, s12;
	s5 =	simm.s32 $0xBD20  }
0x27c: {  	[hbm4b:s21+s3] =	stream.linear.scatter [tilespmem:s20], [sflag:$0x6], $0x80, $0x38;
	[tilespmem:$0xDD00] =	vst v63  }
0x27d: {  	s14 =	sadd.s32 $0x40, s12;
	s18 =	simm.s32 $0xBDA8;
	s19 =	sadd.s32 $0x50, s12  }
0x27e: {  	[hbm4b:s14+s3] =	stream.linear.scatter [tilespmem:s5], [sflag:$0x6], $0x80, $0x38;
	[tilespmem:$0xDD00] =	vst v63  }
0x27f: {  	s20 =	simm.s32 $0xBE30;
	s21 =	sadd.s32 $0x60, s12;
	s5 =	sadd.s32 $0x70, s12  }
0x280: {  	[hbm4b:s19+s3] =	stream.linear.scatter [tilespmem:s18], [sflag:$0x6], $0x80, $0x38;
	[tilespmem:$0xDD00] =	vst v63  }
0x281: {  	s14 =	sadd.s32 $0x1000, s12;
	s18 =	simm.s32 $0x2200;
	s19 =	simm.s32 $0xBEB8  }
0x282: {  	[hbm4b:s21+s3] =	stream.linear.scatter [tilespmem:s20], [sflag:$0x6], $0x80, $0x38;
	[tilespmem:$0xDD00] =	vst v63  }
.LBB2_17:
0x283: {  	[hbm4b:s5+s3] =	stream.linear.scatter [tilespmem:s19], [sflag:$0x6], $0x80, $0x38;
	[tilespmem:$0xDD00] =	vst v63  }
0x284: {  	s5 =	smov.u32 s1;
	s1 =	smov.u32 s18  }
0x285: {  	s12 =	sadd.s32 $0x1100, s18;
	s1 =	sshra.s32 s1, $0x2;
	s19 =	sadd.s32 $0xBB00, s5  }
0x286: {  	[hbm4b:s14+s3] =	stream.linear.scatter [tilespmem:s19], [sflag:$0x6], $0x80, $0x38;
	[tilespmem:$0xDD00] =	vst v63  }
0x287: {  	p0 =	sne.s32 s18, $0x7700;
	s18 =	sadd.s32 $0xBB88, s5;
	s19 =	sadd.s32 $0x10, s14  }
0x288: {  	[hbm4b:s19+s3] =	stream.linear.scatter [tilespmem:s18], [sflag:$0x6], $0x80, $0x38;
	[tilespmem:$0xDD00] =	vst v63  }
0x289: {  	s18 =	sadd.s32 $0xBC10, s5;
	s19 =	sadd.s32 $0x20, s14  }
0x28a: {  	[hbm4b:s19+s3] =	stream.linear.scatter [tilespmem:s18], [sflag:$0x6], $0x80, $0x38;
	[tilespmem:$0xDD00] =	vst v63  }
0x28b: {  	s18 =	sadd.s32 $0xBC98, s5;
	s19 =	sadd.s32 $0x30, s14  }
0x28c: {  	[hbm4b:s19+s3] =	stream.linear.scatter [tilespmem:s18], [sflag:$0x6], $0x80, $0x38;
	[tilespmem:$0xDD00] =	vst v63  }
0x28d: {  	s18 =	sadd.s32 $0xBD20, s5;
	s19 =	sadd.s32 $0x40, s14  }
0x28e: {  	[hbm4b:s19+s3] =	stream.linear.scatter [tilespmem:s18], [sflag:$0x6], $0x80, $0x38;
	[tilespmem:$0xDD00] =	vst v63  }
0x28f: {  	s18 =	sadd.s32 $0xBDA8, s5;
	s19 =	sadd.s32 $0x50, s14  }
0x290: {  	[hbm4b:s19+s3] =	stream.linear.scatter [tilespmem:s18], [sflag:$0x6], $0x80, $0x38;
	[tilespmem:$0xDD00] =	vst v63  }
.Ltmp7:
0x291: {  	_ = 	snop;
	(pc) =	sbr.rel @p0 .LBB2_17-.Ltmp7, $4  }
0x292: {  	s18 =	sadd.s32 $0xBE30, s5;
	s19 =	sadd.s32 $0x60, s14  }
0x293: {  	[hbm4b:s19+s3] =	stream.linear.scatter [tilespmem:s18], [sflag:$0x6], $0x80, $0x38;
	[tilespmem:$0xDD00] =	vst v63  }
0x294: {  	s19 =	sadd.s32 $0xBEB8, s5  }
0x295: {  	s5 =	sadd.s32 $0x70, s14;
	s14 =	sadd.s32 $0x1000, s14;
	s18 =	smov.u32 s12  }
0x296: {  	[hbm4b:s5+s3] =	stream.linear.scatter [tilespmem:s19], [sflag:$0x6], $0x80, $0x38;
	[tilespmem:$0xDD00] =	vst v63  }
0x297: {  	s20 =	sadd.s32 $0xBB00, s1  }
0x298: {  	[hbm4b:s14+s3] =	stream.linear.scatter [tilespmem:s20], [sflag:$0x6], $0x80, $0x38;
	[tilespmem:$0xDD00] =	vst v63  }
0x299: {  	s21 =	sadd.s32 $0xBB88, s1;
	s12 =	sadd.s32 $0x10, s14  }
0x29a: {  	[hbm4b:s12+s3] =	stream.linear.scatter [tilespmem:s21], [sflag:$0x6], $0x80, $0x38;
	[tilespmem:$0xDD00] =	vst v63  }
0x29b: {  	s18 =	sadd.s32 $0xBC10, s1;
	s19 =	sadd.s32 $0x20, s14  }
0x29c: {  	[hbm4b:s19+s3] =	stream.linear.scatter [tilespmem:s18], [sflag:$0x6], $0x80, $0x38;
	[tilespmem:$0xDD00] =	vst v63  }
0x29d: {  	s20 =	sadd.s32 $0xBC98, s1;
	s21 =	sadd.s32 $0x30, s14  }
0x29e: {  	[hbm4b:s21+s3] =	stream.linear.scatter [tilespmem:s20], [sflag:$0x6], $0x80, $0x38;
	[tilespmem:$0xDD00] =	vst v63  }
0x29f: {  	s0 =	sadd.s32 $0x1, s0;
	s18 =	sadd.s32 $0xBD20, s1;
	s19 =	sadd.s32 $0x40, s14  }
0x2a0: {  	[hbm4b:s19+s3] =	stream.linear.scatter [tilespmem:s18], [sflag:$0x6], $0x80, $0x38;
	[tilespmem:$0xDD00] =	vst v63  }
0x2a1: {  	p0 =	sne.s32 s0, $0xC;
	s20 =	sadd.s32 $0xBDA8, s1;
	s21 =	sadd.s32 $0x50, s14  }
0x2a2: {  	[hbm4b:s21+s3] =	stream.linear.scatter [tilespmem:s20], [sflag:$0x6], $0x80, $0x38;
	[tilespmem:$0xDD00] =	vst v63  }
.Ltmp8:
0x2a3: {  	_ = 	snop;
	(pc) =	sbr.rel @p0 .LBB2_2-.Ltmp8, $4  }
0x2a4: {  	s18 =	sadd.s32 $0xBE30, s1;
	s19 =	sadd.s32 $0x60, s14  }
0x2a5: {  	[hbm4b:s19+s3] =	stream.linear.scatter [tilespmem:s18], [sflag:$0x6], $0x80, $0x38;
	[tilespmem:$0xDD00] =	vst v63  }
0x2a6: {  	s20 =	sadd.s32 $0xBEB8, s1;
	s21 =	sadd.s32 $0x70, s14  }
0x2a7: {  	[hbm4b:s21+s3] =	stream.linear.scatter [tilespmem:s20], [sflag:$0x6], $0x80, $0x38;
	[tilespmem:$0xDD00] =	vst v63  }
0x2a8: {  	s0 =	simm.s32 $0x0;
	s18 =	simm.s32 $0x1;
	s1 =	simm.s32 $0x2  }
0x2a9: {  	s19 =	simm.s32 $0x3;
	s20 =	simm.s32 $0x4;
	s5 =	simm.s32 $0x7;
	v33 =	vmov s0;
	v34 =	vmov s18;
	v35 =	vmov s1  }
0x2aa: {  	_ =	swait.ge [sflag:s22], $0x2000;
	s21 =	simm.s32 $0x5;
	v36 =	vmov s19;
	v37 =	vmov s20;
	v38 =	vmov s5  }
0x2ab: {  	[sflag:s22] =	ssyncset.done $0x0;
	v39 =	vmov s21;
	s1 =	simm.s32 $0x6;
	v33 =	vshrl.u32 v33, $0x3;
	v38 =	vshrl.u32 v38, $0x3  }
0x2ac: {  	[sflag:s22] =	ssyncadd.s32 $0xFFFFE000;
	v40 =	vmov s1;
	v34 =	vshrl.u32 v34, $0x3;
	v35 =	vshrl.u32 v35, $0x3  }
0x2ad: {  	v36 =	vshrl.u32 v36, $0x3;
	v37 =	vshrl.u32 v37, $0x3;
	_ =	swait.ge [sflag:s28], $0x2000;
	v38 =	vshll.u32 v38, v1  }
0x2ae: {  	v55 =	vshrl.u32 v39, $0x3;
	v33 =	vshll.u32 v33, v1;
	[sflag:s28] =	ssyncset.done $0x0;
	v38 =	vbroadcast v38, $0x0  }
0x2af: {  	s0 =	simm.s32 $0x1A00;
	v34 =	vshll.u32 v34, v1;
	v52 =	vshll.u32 v35, v1;
	v33 =	vbroadcast v33, $0x0;
	[sflag:s28] =	ssyncadd.s32 $0xFFFFE000  }
0x2b0: {  	v53 =	vshll.u32 v36, v1;
	v45 =	vbroadcast v34, $0x0;
	v41 =	vld [tilespmem:s0+$0xC0];
	v42 =	vadd.s32 v29, v38  }
0x2b1: {  	v54 =	vshll.u32 v37, v1;
	v52 =	vbroadcast v52, $0x0;
	v43 =	vld [tilespmem:s0+$0xFFFFFF00];
	v44 =	vadd.s32 v0, v33  }
0x2b2: {  	v36 =	vshll.u32 v55, v1;
	v35 =	vbroadcast v53, $0x0;
	v46 =	vld [tilespmem:s0+$0xFFFFFF40];
	v47 =	vadd.s32 v5, v45  }
0x2b3: {  	v40 =	vshrl.u32 v40, $0x3;
	v34 =	vbroadcast v54, $0x0;
	v48 =	vld [tilespmem:s0+$0xFFFFFF80];
	v49 =	vadd.s32 v9, v52  }
0x2b4: {  	v37 =	vbroadcast v36, $0x0;
	v56 =	vshll.u32 v40, v1;
	v39 =	vld [tilespmem:s0+$0xFFFFFFC0];
	v50 =	vadd.s32 v13, v35  }
0x2b5: {  	v36 =	vbroadcast v56, $0x0;
	v51 =	vld [tilespmem:s0+$0x0];
	v53 =	vadd.s32 v17, v34;
	[tilespmem:v42+s23+$0x0] =	vst.idx.msk $0xffff, v41  }
0x2b6: {  	v59 =	vld [tilespmem:s0+$0x40];
	v60 =	vadd.s32 v21, v37;
	[tilespmem:v44+s23+$0x0] =	vst.idx.msk $0xffff, v43  }
0x2b7: {  	v61 =	vld [tilespmem:s0+$0x80];
	v62 =	vadd.s32 v25, v36;
	[tilespmem:v47+s23+$0x0] =	vst.idx.msk $0xffff, v46  }
0x2b8: {  	v58 =	vadd.s32 v30, v38;
	[tilespmem:v49+s23+$0x0] =	vst.idx.msk $0xffff, v48;
	v57 =	vld [tilespmem:s0+$0xD0]  }
0x2b9: {  	v63 =	vadd.s32 v6, v45;
	[tilespmem:v50+s23+$0x0] =	vst.idx.msk $0xffff, v39;
	v47 =	vld [tilespmem:s0+$0xFFFFFF50]  }
0x2ba: {  	v55 =	vadd.s32 v10, v52;
	[tilespmem:v53+s23+$0x0] =	vst.idx.msk $0xffff, v51;
	v54 =	vld [tilespmem:s0+$0xFFFFFF90]  }
0x2bb: {  	v56 =	vadd.s32 v14, v35;
	[tilespmem:v60+s23+$0x0] =	vst.idx.msk $0xffff, v59;
	v50 =	vld [tilespmem:s0+$0xFFFFFFD0]  }
0x2bc: {  	v46 =	vadd.s32 v22, v37;
	[tilespmem:v62+s23+$0x0] =	vst.idx.msk $0xffff, v61;
	v44 =	vld [tilespmem:s0+$0x50]  }
0x2bd: {  	v59 =	vadd.s32 v18, v34;
	[tilespmem:v58+s23+$0x0] =	vst.idx.msk $0xffff, v57;
	v58 =	vld [tilespmem:s0+$0x10]  }
0x2be: {  	v57 =	vadd.s32 v31, v38;
	[tilespmem:v63+s23+$0x0] =	vst.idx.msk $0xffff, v47;
	v40 =	vld [tilespmem:s0+$0xE0]  }
0x2bf: {  	v60 =	vadd.s32 v26, v36;
	[tilespmem:v55+s23+$0x0] =	vst.idx.msk $0xffff, v54;
	v63 =	vld [tilespmem:s0+$0x90]  }
0x2c0: {  	v61 =	vld [tilespmem:s0+$0xFFFFFF10];
	v62 =	vadd.s32 v2, v33;
	[tilespmem:v56+s23+$0x0] =	vst.idx.msk $0xffff, v50  }
0x2c1: {  	v51 =	vadd.s32 v7, v45;
	[tilespmem:v46+s23+$0x0] =	vst.idx.msk $0xffff, v44;
	v50 =	vld [tilespmem:s0+$0xFFFFFF60]  }
0x2c2: {  	v56 =	vadd.s32 v11, v52;
	v55 =	vld [tilespmem:s0+$0xFFFFFFA0];
	[tilespmem:v59+s23+$0x0] =	vst.idx.msk $0xffff, v58  }
0x2c3: {  	v58 =	vadd.s32 v15, v35;
	[tilespmem:v57+s23+$0x0] =	vst.idx.msk $0xffff, v40;
	v57 =	vld [tilespmem:s0+$0xFFFFFFE0]  }
0x2c4: {  	[tilespmem:v60+s23+$0x0] =	vst.idx.msk $0xffff, v63;
	v60 =	vadd.s32 v19, v34;
	v59 =	vld [tilespmem:s0+$0x20]  }
0x2c5: {  	s12 =	simm.s32 $0x9;
	v38 =	vadd.s32 v32, v38;
	[tilespmem:v62+s23+$0x0] =	vst.idx.msk $0xffff, v61;
	v54 =	vld [tilespmem:s0+$0xF0]  }
0x2c6: {  	s5 =	simm.s32 $0x8;
	v41 =	vadd.s32 v23, v37;
	v53 =	vmov s12;
	[tilespmem:v51+s23+$0x0] =	vst.idx.msk $0xffff, v50;
	v40 =	vld [tilespmem:s0+$0x60]  }
0x2c7: {  	s18 =	simm.s32 $0xB;
	s19 =	simm.s32 $0xC;
	v43 =	vadd.s32 v27, v36;
	v48 =	vadd.s32 v3, v33;
	v63 =	vmov s5;
	v42 =	vld [tilespmem:s0+$0xA0];
	[tilespmem:v56+s23+$0x0] =	vst.idx.msk $0xffff, v55  }
0x2c8: {  	s21 =	simm.s32 $0xE;
	v44 =	vmov s18;
	v47 =	vmov s19;
	v46 =	vld [tilespmem:s0+$0xFFFFFF20];
	v39 =	vshrl.u32 v63, $0x3;
	[tilespmem:v58+s23+$0x0] =	vst.idx.msk $0xffff, v57  }
0x2c9: {  	s14 =	simm.s32 $0xA;
	s20 =	simm.s32 $0xD;
	v51 =	vadd.s32 v8, v45;
	v49 =	vld [tilespmem:s0+$0xFFFFFF70];
	v45 =	vshll.u32 v39, v1;
	v39 =	vmov s21;
	[tilespmem:v60+s23+$0x0] =	vst.idx.msk $0xffff, v59  }
0x2ca: {  	s1 =	simm.s32 $0x10;
	v52 =	vadd.s32 v12, v52;
	v50 =	vld [tilespmem:s0+$0xFFFFFFB0];
	[tilespmem:v38+s23+$0x0] =	vst.idx.msk $0xffff, v54;
	v54 =	vmov s14;
	v38 =	vmov s20;
	s14 =	simm.s32 $0xF  }
.LBB2_20:
0x2cb: {  	p0 =	slt.u32 s1, $0x78;
	v53 =	vshrl.u32 v53, $0x3;
	v55 =	vmov s14;
	v56 =	vld [tilespmem:s0+$0xFFFFFFF0];
	v35 =	vadd.s32 v16, v35;
	[tilespmem:v41+s23+$0x0] =	vst.idx.msk $0xffff, v40  }
0x2cc: {  	v40 =	vshrl.u32 v54, $0x3;
	v34 =	vadd.s32 v20, v34;
	v41 =	vshrl.u32 v55, $0x3;
	v54 =	vld [tilespmem:s0+$0x30];
	[tilespmem:v43+s23+$0x0] =	vst.idx.msk $0xffff, v42  }
0x2cd: {  	v37 =	vadd.s32 v24, v37;
	v42 =	vshrl.u32 v44, $0x3;
	v41 =	vshll.u32 v41, v1;
	[tilespmem:v48+s23+$0x0] =	vst.idx.msk $0xffff, v46;
	v43 =	vld [tilespmem:s0+$0x70]  }
0x2ce: {  	v36 =	vadd.s32 v28, v36;
	v44 =	vshrl.u32 v47, $0x3;
	v41 =	vbroadcast v41, $0x0;
	[tilespmem:v51+s23+$0x0] =	vst.idx.msk $0xffff, v49;
	v46 =	vld [tilespmem:s0+$0xB0]  }
0x2cf: {  	v47 =	vshll.u32 v53, v1;
	v49 =	vadd.s32 v4, v33;
	v33 =	vbroadcast v45, $0x0;
	v48 =	vld [tilespmem:s0+$0xFFFFFF30];
	[tilespmem:v52+s23+$0x0] =	vst.idx.msk $0xffff, v50;
	s0 =	sadd.s32 $0x200, s0  }
0x2d0: {  	v40 =	vshll.u32 v40, v1;
	v45 =	vbroadcast v47, $0x0;
	v47 =	vld [tilespmem:s0+$0xC0];
	v50 =	vadd.s32 v29, v41;
	[tilespmem:v35+s23+$0x0] =	vst.idx.msk $0xffff, v56  }
0x2d1: {  	v55 =	vbroadcast v40, $0x0;
	v52 =	vadd.s32 v0, v33;
	v35 =	vshll.u32 v42, v1;
	v51 =	vld [tilespmem:s0+$0xFFFFFF00];
	[tilespmem:v34+s23+$0x0] =	vst.idx.msk $0xffff, v54  }
0x2d2: {  	v42 =	vadd.s32 v5, v45;
	v35 =	vbroadcast v35, $0x0;
	v34 =	vshll.u32 v44, v1;
	v40 =	vld [tilespmem:s0+$0xFFFFFF40];
	[tilespmem:v37+s23+$0x0] =	vst.idx.msk $0xffff, v43  }
0x2d3: {  	v44 =	vadd.s32 v9, v55;
	v34 =	vbroadcast v34, $0x0;
	v37 =	vshrl.u32 v38, $0x3;
	v43 =	vld [tilespmem:s0+$0xFFFFFF80];
	[tilespmem:v36+s23+$0x0] =	vst.idx.msk $0xffff, v46  }
0x2d4: {  	v39 =	vshrl.u32 v39, $0x3;
	v46 =	vadd.s32 v13, v35;
	v36 =	vshll.u32 v37, v1;
	v38 =	vld [tilespmem:s0+$0xFFFFFFC0];
	[tilespmem:v49+s23+$0x0] =	vst.idx.msk $0xffff, v48  }
0x2d5: {  	v49 =	vadd.s32 v17, v34;
	v37 =	vbroadcast v36, $0x0;
	v36 =	vshll.u32 v39, v1;
	v48 =	vld [tilespmem:s0+$0x0];
	[tilespmem:v50+s23+$0x0] =	vst.idx.msk $0xffff, v47  }
0x2d6: {  	v36 =	vbroadcast v36, $0x0;
	v47 =	vadd.s32 v30, v41;
	[tilespmem:v52+s23+$0x0] =	vst.idx.msk $0xffff, v51;
	v39 =	vld [tilespmem:s0+$0xD0]  }
0x2d7: {  	[tilespmem:v42+s23+$0x0] =	vst.idx.msk $0xffff, v40;
	v40 =	vld [tilespmem:s0+$0x40];
	v42 =	vadd.s32 v21, v37  }
0x2d8: {  	[tilespmem:v44+s23+$0x0] =	vst.idx.msk $0xffff, v43;
	v43 =	vld [tilespmem:s0+$0x80];
	v44 =	vadd.s32 v25, v36  }
0x2d9: {  	v51 =	vadd.s32 v6, v45;
	v50 =	vld [tilespmem:s0+$0xFFFFFF50];
	[tilespmem:v46+s23+$0x0] =	vst.idx.msk $0xffff, v38  }
0x2da: {  	v46 =	vadd.s32 v10, v55;
	v38 =	vld [tilespmem:s0+$0xFFFFFF90];
	[tilespmem:v49+s23+$0x0] =	vst.idx.msk $0xffff, v48  }
0x2db: {  	v49 =	vadd.s32 v14, v35;
	v48 =	vld [tilespmem:s0+$0xFFFFFFD0];
	[tilespmem:v47+s23+$0x0] =	vst.idx.msk $0xffff, v39  }
0x2dc: {  	[tilespmem:v42+s23+$0x0] =	vst.idx.msk $0xffff, v40;
	v39 =	vld [tilespmem:s0+$0xE0];
	v40 =	vadd.s32 v31, v41  }
0x2dd: {  	v47 =	vadd.s32 v18, v34;
	v42 =	vld [tilespmem:s0+$0x10];
	[tilespmem:v44+s23+$0x0] =	vst.idx.msk $0xffff, v43  }
0x2de: {  	v44 =	vadd.s32 v22, v37;
	[tilespmem:v51+s23+$0x0] =	vst.idx.msk $0xffff, v50;
	v43 =	vld [tilespmem:s0+$0x50]  }
0x2df: {  	[tilespmem:v46+s23+$0x0] =	vst.idx.msk $0xffff, v38;
	v38 =	vld [tilespmem:s0+$0x90];
	v46 =	vadd.s32 v26, v36  }
0x2e0: {  	v51 =	vadd.s32 v2, v33;
	v50 =	vld [tilespmem:s0+$0xFFFFFF10];
	[tilespmem:v49+s23+$0x0] =	vst.idx.msk $0xffff, v48  }
0x2e1: {  	v49 =	vadd.s32 v7, v45;
	v48 =	vld [tilespmem:s0+$0xFFFFFF60];
	[tilespmem:v40+s23+$0x0] =	vst.idx.msk $0xffff, v39  }
0x2e2: {  	[tilespmem:v47+s23+$0x0] =	vst.idx.msk $0xffff, v42;
	v39 =	vld [tilespmem:s0+$0xF0];
	v47 =	vadd.s32 v32, v41  }
0x2e3: {  	v56 =	vadd.s32 v11, v55;
	v52 =	vld [tilespmem:s0+$0xFFFFFFA0];
	[tilespmem:v44+s23+$0x0] =	vst.idx.msk $0xffff, v43  }
0x2e4: {  	v58 =	vadd.s32 v15, v35;
	v57 =	vld [tilespmem:s0+$0xFFFFFFE0];
	[tilespmem:v46+s23+$0x0] =	vst.idx.msk $0xffff, v38  }
0x2e5: {  	v60 =	vadd.s32 v19, v34;
	[tilespmem:v51+s23+$0x0] =	vst.idx.msk $0xffff, v50;
	v59 =	vld [tilespmem:s0+$0x20]  }
.Ltmp9:
0x2e6: {  	s5 =	sadd.s32 $0x1, s1;
	v41 =	vadd.s32 v23, v37;
	v38 =	vmov s1;
	[tilespmem:v49+s23+$0x0] =	vst.idx.msk $0xffff, v48;
	v40 =	vld [tilespmem:s0+$0x60];
	(pc) =	sbr.rel @p0 .LBB2_20-.Ltmp9, $4  }
0x2e7: {  	s12 =	sadd.s32 $0x3, s1;
	v53 =	vmov s5;
	s5 =	sadd.s32 $0x2, s1;
	v43 =	vadd.s32 v27, v36;
	v50 =	vshrl.u32 v38, $0x3;
	v42 =	vld [tilespmem:s0+$0xA0];
	[tilespmem:v47+s23+$0x0] =	vst.idx.msk $0xffff, v39  }
0x2e8: {  	v54 =	vmov s5;
	s5 =	sadd.s32 $0x4, s1;
	v44 =	vmov s12;
	s12 =	sadd.s32 $0x5, s1;
	v48 =	vadd.s32 v3, v33;
	v46 =	vld [tilespmem:s0+$0xFFFFFF20];
	[tilespmem:v56+s23+$0x0] =	vst.idx.msk $0xffff, v52  }
0x2e9: {  	v38 =	vmov s12;
	v51 =	vadd.s32 v8, v45;
	v47 =	vmov s5;
	s5 =	sadd.s32 $0x6, s1;
	v49 =	vld [tilespmem:s0+$0xFFFFFF70];
	[tilespmem:v58+s23+$0x0] =	vst.idx.msk $0xffff, v57  }
0x2ea: {  	s14 =	sadd.s32 $0x7, s1;
	v45 =	vshll.u32 v50, v1;
	s1 =	sadd.s32 $0x8, s1;
	v39 =	vmov s5;
	v52 =	vadd.s32 v12, v55;
	v50 =	vld [tilespmem:s0+$0xFFFFFFB0];
	[tilespmem:v60+s23+$0x0] =	vst.idx.msk $0xffff, v59  }
0x2eb: {  	_ =	sdelay $0x2  }
0x2ec: {  	v53 =	vshrl.u32 v53, $0x3  }
0x2ed: {  	v55 =	vmov s14;
	v56 =	vld [tilespmem:s0+$0xFFFFFFF0];
	v35 =	vadd.s32 v16, v35;
	[tilespmem:v41+s23+$0x0] =	vst.idx.msk $0xffff, v40;
	v57 =	vshrl.u32 v54, $0x3  }
0x2ee: {  	v59 =	vld [tilespmem:s0+$0x30];
	v34 =	vadd.s32 v20, v34;
	v60 =	vshrl.u32 v44, $0x3;
	v58 =	vshrl.u32 v55, $0x3;
	[tilespmem:v43+s23+$0x0] =	vst.idx.msk $0xffff, v42  }
0x2ef: {  	v37 =	vadd.s32 v24, v37;
	v62 =	vshrl.u32 v47, $0x3;
	v61 =	vld [tilespmem:s0+$0x70];
	v41 =	vshll.u32 v58, v1;
	[tilespmem:v48+s23+$0x0] =	vst.idx.msk $0xffff, v46  }
0x2f0: {  	v36 =	vadd.s32 v28, v36;
	v45 =	vbroadcast v45, $0x0;
	v63 =	vld [tilespmem:s0+$0xB0];
	v41 =	vbroadcast v41, $0x0;
	[tilespmem:v51+s23+$0x0] =	vst.idx.msk $0xffff, v49  }
0x2f1: {  	v33 =	vadd.s32 v4, v33;
	s14 =	sadd.s32 $0x200, s0;
	v38 =	vshrl.u32 v38, $0x3;
	v55 =	vshll.u32 v53, v1;
	v48 =	vld [tilespmem:s0+$0xFFFFFF30];
	[tilespmem:v52+s23+$0x0] =	vst.idx.msk $0xffff, v50  }
0x2f2: {  	v40 =	vshll.u32 v57, v1;
	v47 =	vbroadcast v55, $0x0;
	v49 =	vld [tilespmem:s14+$0xC0];
	v50 =	vadd.s32 v29, v41;
	[tilespmem:v35+s23+$0x0] =	vst.idx.msk $0xffff, v56  }
0x2f3: {  	v42 =	vshll.u32 v60, v1;
	v40 =	vbroadcast v40, $0x0;
	v35 =	vld [tilespmem:s14+$0xFFFFFF00];
	v56 =	vadd.s32 v0, v45;
	[tilespmem:v34+s23+$0x0] =	vst.idx.msk $0xffff, v59  }
0x2f4: {  	v57 =	vld [tilespmem:s14+$0xFFFFFF40];
	v44 =	vshll.u32 v62, v1;
	v42 =	vbroadcast v42, $0x0;
	v58 =	vadd.s32 v5, v47;
	[tilespmem:v37+s23+$0x0] =	vst.idx.msk $0xffff, v61  }
0x2f5: {  	v38 =	vshll.u32 v38, v1;
	v44 =	vbroadcast v44, $0x0;
	v60 =	vadd.s32 v9, v40;
	v59 =	vld [tilespmem:s14+$0xFFFFFF80];
	[tilespmem:v36+s23+$0x0] =	vst.idx.msk $0xffff, v63  }
0x2f6: {  	v38 =	vbroadcast v38, $0x0;
	v62 =	vadd.s32 v13, v42;
	v61 =	vld [tilespmem:s14+$0xFFFFFFC0];
	[tilespmem:v33+s23+$0x0] =	vst.idx.msk $0xffff, v48  }
0x2f7: {  	v39 =	vshrl.u32 v39, $0x3;
	v63 =	vadd.s32 v17, v44;
	v33 =	vld [tilespmem:s14+$0x0];
	[tilespmem:v50+s23+$0x0] =	vst.idx.msk $0xffff, v49  }
0x2f8: {  	v39 =	vshll.u32 v39, v1;
	v34 =	vld [tilespmem:s14+$0x40];
	[tilespmem:v56+s23+$0x0] =	vst.idx.msk $0xffff, v35;
	v56 =	vadd.s32 v21, v38  }
0x2f9: {  	[tilespmem:v58+s23+$0x0] =	vst.idx.msk $0xffff, v57;
	v35 =	vbroadcast v39, $0x0;
	v49 =	vadd.s32 v30, v41;
	v39 =	vld [tilespmem:s14+$0xD0]  }
0x2fa: {  	[tilespmem:v60+s23+$0x0] =	vst.idx.msk $0xffff, v59;
	v59 =	vld [tilespmem:s14+$0xFFFFFF50];
	v60 =	vadd.s32 v6, v47  }
0x2fb: {  	v57 =	vld [tilespmem:s14+$0x80];
	[tilespmem:v62+s23+$0x0] =	vst.idx.msk $0xffff, v61;
	v58 =	vadd.s32 v25, v35  }
0x2fc: {  	v61 =	vld [tilespmem:s14+$0xFFFFFF90];
	v62 =	vadd.s32 v10, v40;
	[tilespmem:v63+s23+$0x0] =	vst.idx.msk $0xffff, v33  }
0x2fd: {  	v33 =	vld [tilespmem:s14+$0xFFFFFFD0];
	v63 =	vadd.s32 v14, v42;
	[tilespmem:v56+s23+$0x0] =	vst.idx.msk $0xffff, v34  }
0x2fe: {  	v56 =	vadd.s32 v18, v44;
	[tilespmem:v49+s23+$0x0] =	vst.idx.msk $0xffff, v39;
	v49 =	vld [tilespmem:s14+$0x10]  }
0x2ff: {  	[tilespmem:v60+s23+$0x0] =	vst.idx.msk $0xffff, v59;
	v39 =	vadd.s32 v31, v41;
	v34 =	vld [tilespmem:s14+$0xE0]  }
0x300: {  	[tilespmem:v58+s23+$0x0] =	vst.idx.msk $0xffff, v57;
	v57 =	vld [tilespmem:s14+$0x50];
	v58 =	vadd.s32 v22, v38  }
0x301: {  	[tilespmem:v62+s23+$0x0] =	vst.idx.msk $0xffff, v61;
	v61 =	vld [tilespmem:s14+$0xFFFFFF10];
	v62 =	vadd.s32 v2, v45  }
0x302: {  	v60 =	vadd.s32 v26, v35;
	v59 =	vld [tilespmem:s14+$0x90];
	[tilespmem:v63+s23+$0x0] =	vst.idx.msk $0xffff, v33  }
0x303: {  	v55 =	vadd.s32 v11, v40;
	v54 =	vadd.s32 v32, v41;
	v41 =	vld [tilespmem:s14+$0xFFFFFFA0];
	[tilespmem:v56+s23+$0x0] =	vst.idx.msk $0xffff, v49  }
0x304: {  	v53 =	vadd.s32 v7, v47;
	v63 =	vld [tilespmem:s14+$0xFFFFFF60];
	[tilespmem:v39+s23+$0x0] =	vst.idx.msk $0xffff, v34  }
0x305: {  	v56 =	vld [tilespmem:s14+$0xFFFFFFE0];
	[tilespmem:v58+s23+$0x0] =	vst.idx.msk $0xffff, v57;
	v57 =	vadd.s32 v15, v42  }
0x306: {  	[tilespmem:v62+s23+$0x0] =	vst.idx.msk $0xffff, v61;
	v34 =	vld [tilespmem:s14+$0xF0]  }
0x307: {  	v58 =	vld [tilespmem:s14+$0x20];
	[tilespmem:v60+s23+$0x0] =	vst.idx.msk $0xffff, v59;
	v59 =	vadd.s32 v19, v44  }
0x308: {  	v61 =	vadd.s32 v23, v38;
	[tilespmem:v55+s23+$0x0] =	vst.idx.msk $0xffff, v41;
	v60 =	vld [tilespmem:s14+$0x60]  }
0x309: {  	[tilespmem:v53+s23+$0x0] =	vst.idx.msk $0xffff, v63;
	v63 =	vadd.s32 v27, v35;
	v62 =	vld [tilespmem:s14+$0xA0]  }
0x30a: {  	v47 =	vadd.s32 v8, v47;
	v55 =	vld [tilespmem:s14+$0xFFFFFF70];
	[tilespmem:v57+s23+$0x0] =	vst.idx.msk $0xffff, v56  }
0x30b: {  	v53 =	vld [tilespmem:s14+$0xFFFFFF20];
	[tilespmem:v54+s23+$0x0] =	vst.idx.msk $0xffff, v34;
	v54 =	vadd.s32 v3, v45  }
0x30c: {  	v40 =	vadd.s32 v12, v40;
	v56 =	vld [tilespmem:s14+$0xFFFFFFB0];
	[tilespmem:v59+s23+$0x0] =	vst.idx.msk $0xffff, v58  }
0x30d: {  	v42 =	vadd.s32 v16, v42;
	v57 =	vld [tilespmem:s14+$0xFFFFFFF0];
	[tilespmem:v61+s23+$0x0] =	vst.idx.msk $0xffff, v60  }
0x30e: {  	v59 =	vadd.s32 v20, v44;
	v58 =	vld [tilespmem:s14+$0x30];
	[tilespmem:v63+s23+$0x0] =	vst.idx.msk $0xffff, v62  }
0x30f: {  	v38 =	vadd.s32 v24, v38;
	v60 =	vld [tilespmem:s14+$0x70];
	[tilespmem:v47+s23+$0x0] =	vst.idx.msk $0xffff, v55  }
0x310: {  	v35 =	vadd.s32 v28, v35;
	v61 =	vld [tilespmem:s14+$0xB0];
	[tilespmem:v54+s23+$0x0] =	vst.idx.msk $0xffff, v53  }
0x311: {  	v63 =	vadd.s32 v4, v45;
	[tilespmem:v40+s23+$0x0] =	vst.idx.msk $0xffff, v56;
	v62 =	vld [tilespmem:s14+$0xFFFFFF30]  }
0x312: {  	[tilespmem:v42+s23+$0x0] =	vst.idx.msk $0xffff, v57  }
0x313: {  	[tilespmem:v59+s23+$0x0] =	vst.idx.msk $0xffff, v58  }
0x314: {  	[tilespmem:v38+s23+$0x0] =	vst.idx.msk $0xffff, v60  }
0x315: {  	[tilespmem:v35+s23+$0x0] =	vst.idx.msk $0xffff, v61  }
0x316: {  	s18 =	simm.s32 $0x9900;
	[tilespmem:v63+s23+$0x0] =	vst.idx.msk $0xffff, v62  }
0x317: {  	[hbm4b:s10+s3] =	stream.linear.scatter [tilespmem:s18], [sflag:$0x5], $0x80, $0x38;
	[tilespmem:$0xDD00] =	vst v63  }
0x318: {  	s19 =	simm.s32 $0x9988;
	s1 =	sadd.s32 $0x10, s10  }
0x319: {  	[hbm4b:s1+s3] =	stream.linear.scatter [tilespmem:s19], [sflag:$0x5], $0x80, $0x38;
	[tilespmem:$0xDD00] =	vst v63  }
0x31a: {  	s20 =	simm.s32 $0x9A10;
	s21 =	sadd.s32 $0x20, s10;
	s5 =	sadd.s32 $0x30, s10  }
0x31b: {  	[hbm4b:s21+s3] =	stream.linear.scatter [tilespmem:s20], [sflag:$0x5], $0x80, $0x38;
	[tilespmem:$0xDD00] =	vst v63  }
0x31c: {  	s12 =	simm.s32 $0x9B20;
	s0 =	simm.s32 $0x440;
	s1 =	simm.s32 $0x9A98  }
0x31d: {  	[hbm4b:s5+s3] =	stream.linear.scatter [tilespmem:s1], [sflag:$0x5], $0x80, $0x38;
	[tilespmem:$0xDD00] =	vst v63  }
0x31e: {  	s14 =	sadd.s32 $0x40, s10;
	s18 =	simm.s32 $0x9BA8;
	s19 =	sadd.s32 $0x50, s10  }
0x31f: {  	[hbm4b:s14+s3] =	stream.linear.scatter [tilespmem:s12], [sflag:$0x5], $0x80, $0x38;
	[tilespmem:$0xDD00] =	vst v63  }
0x320: {  	s20 =	simm.s32 $0x9C30;
	s21 =	sadd.s32 $0x60, s10;
	s5 =	sadd.s32 $0x70, s10  }
0x321: {  	[hbm4b:s19+s3] =	stream.linear.scatter [tilespmem:s18], [sflag:$0x5], $0x80, $0x38;
	[tilespmem:$0xDD00] =	vst v63  }
0x322: {  	s1 =	sadd.s32 $0x1000, s10;
	s14 =	simm.s32 $0x2200;
	s18 =	simm.s32 $0x9CB8  }
0x323: {  	[hbm4b:s21+s3] =	stream.linear.scatter [tilespmem:s20], [sflag:$0x5], $0x80, $0x38;
	[tilespmem:$0xDD00] =	vst v63  }
.LBB2_22:
0x324: {  	[hbm4b:s5+s3] =	stream.linear.scatter [tilespmem:s18], [sflag:$0x5], $0x80, $0x38;
	[tilespmem:$0xDD00] =	vst v63  }
0x325: {  	s5 =	smov.u32 s0;
	s0 =	smov.u32 s14  }
0x326: {  	s12 =	sadd.s32 $0x1100, s14;
	s0 =	sshra.s32 s0, $0x2;
	s18 =	sadd.s32 $0x9900, s5  }
0x327: {  	[hbm4b:s1+s3] =	stream.linear.scatter [tilespmem:s18], [sflag:$0x5], $0x80, $0x38;
	[tilespmem:$0xDD00] =	vst v63  }
0x328: {  	p0 =	sne.s32 s14, $0x7700;
	s14 =	sadd.s32 $0x9988, s5;
	s18 =	sadd.s32 $0x10, s1  }
0x329: {  	[hbm4b:s18+s3] =	stream.linear.scatter [tilespmem:s14], [sflag:$0x5], $0x80, $0x38;
	[tilespmem:$0xDD00] =	vst v63  }
0x32a: {  	s14 =	sadd.s32 $0x9A10, s5;
	s18 =	sadd.s32 $0x20, s1  }
0x32b: {  	[hbm4b:s18+s3] =	stream.linear.scatter [tilespmem:s14], [sflag:$0x5], $0x80, $0x38;
	[tilespmem:$0xDD00] =	vst v63  }
0x32c: {  	s14 =	sadd.s32 $0x9A98, s5;
	s18 =	sadd.s32 $0x30, s1  }
0x32d: {  	[hbm4b:s18+s3] =	stream.linear.scatter [tilespmem:s14], [sflag:$0x5], $0x80, $0x38;
	[tilespmem:$0xDD00] =	vst v63  }
0x32e: {  	s14 =	sadd.s32 $0x9B20, s5;
	s18 =	sadd.s32 $0x40, s1  }
0x32f: {  	[hbm4b:s18+s3] =	stream.linear.scatter [tilespmem:s14], [sflag:$0x5], $0x80, $0x38;
	[tilespmem:$0xDD00] =	vst v63  }
0x330: {  	s14 =	sadd.s32 $0x9BA8, s5;
	s18 =	sadd.s32 $0x50, s1  }
0x331: {  	[hbm4b:s18+s3] =	stream.linear.scatter [tilespmem:s14], [sflag:$0x5], $0x80, $0x38;
	[tilespmem:$0xDD00] =	vst v63  }
.Ltmp10:
0x332: {  	_ = 	snop;
	(pc) =	sbr.rel @p0 .LBB2_22-.Ltmp10, $4  }
0x333: {  	s14 =	sadd.s32 $0x9C30, s5;
	s18 =	sadd.s32 $0x60, s1  }
0x334: {  	[hbm4b:s18+s3] =	stream.linear.scatter [tilespmem:s14], [sflag:$0x5], $0x80, $0x38;
	[tilespmem:$0xDD00] =	vst v63  }
0x335: {  	s18 =	sadd.s32 $0x9CB8, s5  }
0x336: {  	s5 =	sadd.s32 $0x70, s1;
	s1 =	sadd.s32 $0x1000, s1;
	s14 =	smov.u32 s12  }
0x337: {  	[hbm4b:s5+s3] =	stream.linear.scatter [tilespmem:s18], [sflag:$0x5], $0x80, $0x38;
	[tilespmem:$0xDD00] =	vst v63  }
0x338: {  	s20 =	sadd.s32 $0x9900, s0  }
0x339: {  	[hbm4b:s1+s3] =	stream.linear.scatter [tilespmem:s20], [sflag:$0x5], $0x80, $0x38;
	[tilespmem:$0xDD00] =	vst v63  }
0x33a: {  	s21 =	sadd.s32 $0x9988, s0;
	s12 =	sadd.s32 $0x10, s1  }
0x33b: {  	[hbm4b:s12+s3] =	stream.linear.scatter [tilespmem:s21], [sflag:$0x5], $0x80, $0x38;
	[tilespmem:$0xDD00] =	vst v63  }
0x33c: {  	s14 =	sadd.s32 $0x20, s1;
	s12 =	sadd.s32 $0x9A10, s0  }
0x33d: {  	[hbm4b:s14+s3] =	stream.linear.scatter [tilespmem:s12], [sflag:$0x5], $0x80, $0x38;
	[tilespmem:$0xDD00] =	vst v63  }
0x33e: {  	s18 =	sadd.s32 $0x9A98, s0;
	s19 =	sadd.s32 $0x30, s1  }
0x33f: {  	[hbm4b:s19+s3] =	stream.linear.scatter [tilespmem:s18], [sflag:$0x5], $0x80, $0x38;
	[tilespmem:$0xDD00] =	vst v63  }
0x340: {  	s20 =	sadd.s32 $0x9B20, s0;
	s21 =	sadd.s32 $0x40, s1  }
0x341: {  	[hbm4b:s21+s3] =	stream.linear.scatter [tilespmem:s20], [sflag:$0x5], $0x80, $0x38;
	[tilespmem:$0xDD00] =	vst v63  }
0x342: {  	s5 =	simm.s32 $0x0;
	s12 =	sadd.s32 $0x9BA8, s0;
	s14 =	sadd.s32 $0x50, s1  }
0x343: {  	v33 =	vmov s5;
	[hbm4b:s14+s3] =	stream.linear.scatter [tilespmem:s12], [sflag:$0x5], $0x80, $0x38;
	[tilespmem:$0xDD00] =	vst v63  }
0x344: {  	v33 =	vshrl.u32 v33, $0x3;
	s18 =	sadd.s32 $0x9C30, s0;
	s19 =	sadd.s32 $0x60, s1  }
0x345: {  	v33 =	vshll.u32 v33, v1;
	[hbm4b:s19+s3] =	stream.linear.scatter [tilespmem:s18], [sflag:$0x5], $0x80, $0x38;
	[tilespmem:$0xDD00] =	vst v63  }
0x346: {  	v33 =	vbroadcast v33, $0x0;
	s20 =	sadd.s32 $0x9CB8, s0;
	s21 =	sadd.s32 $0x70, s1;
	s1 =	simm.s32 $0x6  }
0x347: {  	[hbm4b:s21+s3] =	stream.linear.scatter [tilespmem:s20], [sflag:$0x5], $0x80, $0x38;
	[tilespmem:$0xDD00] =	vst v63  }
0x348: {  	v44 =	vadd.s32 v0, v33;
	v40 =	vmov s1;
	s12 =	simm.s32 $0x1;
	s20 =	simm.s32 $0x7;
	_ =	swait.ge [sflag:s24], $0x2000  }
0x349: {  	s14 =	simm.s32 $0x2;
	v40 =	vshrl.u32 v40, $0x3;
	v34 =	vmov s12;
	v38 =	vmov s20;
	[sflag:s24] =	ssyncset.done $0x0  }
0x34a: {  	v35 =	vmov s14;
	s18 =	simm.s32 $0x3;
	v34 =	vshrl.u32 v34, $0x3;
	v38 =	vshrl.u32 v38, $0x3;
	[sflag:s24] =	ssyncadd.s32 $0xFFFFE000  }
0x34b: {  	s19 =	simm.s32 $0x4;
	v35 =	vshrl.u32 v35, $0x3;
	v36 =	vmov s18;
	v38 =	vshll.u32 v38, v1;
	_ =	swait.ge [sflag:s30], $0x2000  }
0x34c: {  	v37 =	vmov s19;
	v34 =	vshll.u32 v34, v1;
	v38 =	vbroadcast v38, $0x0;
	[sflag:s30] =	ssyncset.done $0x0  }
0x34d: {  	s0 =	simm.s32 $0x3A00;
	v52 =	vshll.u32 v35, v1;
	v36 =	vshrl.u32 v36, $0x3;
	v37 =	vshrl.u32 v37, $0x3;
	[sflag:s30] =	ssyncadd.s32 $0xFFFFE000  }
0x34e: {  	s21 =	simm.s32 $0x5;
	v45 =	vbroadcast v34, $0x0;
	v52 =	vbroadcast v52, $0x0;
	v42 =	vadd.s32 v29, v38;
	v41 =	vld [tilespmem:s0+$0xC0]  }
0x34f: {  	v39 =	vmov s21;
	v53 =	vshll.u32 v36, v1;
	v54 =	vshll.u32 v37, v1;
	v43 =	vld [tilespmem:s0+$0xFFFFFF00]  }
0x350: {  	v47 =	vadd.s32 v5, v45;
	v35 =	vbroadcast v53, $0x0;
	v55 =	vshrl.u32 v39, $0x3;
	v46 =	vld [tilespmem:s0+$0xFFFFFF40]  }
0x351: {  	v49 =	vadd.s32 v9, v52;
	v34 =	vbroadcast v54, $0x0;
	v36 =	vshll.u32 v55, v1;
	v48 =	vld [tilespmem:s0+$0xFFFFFF80]  }
0x352: {  	v56 =	vshll.u32 v40, v1;
	v50 =	vadd.s32 v13, v35;
	v37 =	vbroadcast v36, $0x0;
	v39 =	vld [tilespmem:s0+$0xFFFFFFC0]  }
0x353: {  	v53 =	vadd.s32 v17, v34;
	v36 =	vbroadcast v56, $0x0;
	v51 =	vld [tilespmem:s0+$0x0];
	[tilespmem:v42+s25+$0x0] =	vst.idx.msk $0xffff, v41  }
0x354: {  	v60 =	vadd.s32 v21, v37;
	v59 =	vld [tilespmem:s0+$0x40];
	[tilespmem:v44+s25+$0x0] =	vst.idx.msk $0xffff, v43  }
0x355: {  	v62 =	vadd.s32 v25, v36;
	v61 =	vld [tilespmem:s0+$0x80];
	[tilespmem:v47+s25+$0x0] =	vst.idx.msk $0xffff, v46  }
0x356: {  	v58 =	vadd.s32 v30, v38;
	[tilespmem:v49+s25+$0x0] =	vst.idx.msk $0xffff, v48;
	v57 =	vld [tilespmem:s0+$0xD0]  }
0x357: {  	v63 =	vadd.s32 v6, v45;
	[tilespmem:v50+s25+$0x0] =	vst.idx.msk $0xffff, v39;
	v47 =	vld [tilespmem:s0+$0xFFFFFF50]  }
0x358: {  	v55 =	vadd.s32 v10, v52;
	[tilespmem:v53+s25+$0x0] =	vst.idx.msk $0xffff, v51;
	v54 =	vld [tilespmem:s0+$0xFFFFFF90]  }
0x359: {  	v56 =	vadd.s32 v14, v35;
	[tilespmem:v60+s25+$0x0] =	vst.idx.msk $0xffff, v59;
	v50 =	vld [tilespmem:s0+$0xFFFFFFD0]  }
0x35a: {  	[tilespmem:v62+s25+$0x0] =	vst.idx.msk $0xffff, v61;
	v46 =	vadd.s32 v22, v37;
	v44 =	vld [tilespmem:s0+$0x50]  }
0x35b: {  	v59 =	vadd.s32 v18, v34;
	[tilespmem:v58+s25+$0x0] =	vst.idx.msk $0xffff, v57;
	v58 =	vld [tilespmem:s0+$0x10]  }
0x35c: {  	v57 =	vadd.s32 v31, v38;
	[tilespmem:v63+s25+$0x0] =	vst.idx.msk $0xffff, v47;
	v40 =	vld [tilespmem:s0+$0xE0]  }
0x35d: {  	v60 =	vadd.s32 v26, v36;
	[tilespmem:v55+s25+$0x0] =	vst.idx.msk $0xffff, v54;
	v63 =	vld [tilespmem:s0+$0x90]  }
0x35e: {  	v62 =	vadd.s32 v2, v33;
	v61 =	vld [tilespmem:s0+$0xFFFFFF10];
	[tilespmem:v56+s25+$0x0] =	vst.idx.msk $0xffff, v50  }
0x35f: {  	v51 =	vadd.s32 v7, v45;
	[tilespmem:v46+s25+$0x0] =	vst.idx.msk $0xffff, v44;
	v50 =	vld [tilespmem:s0+$0xFFFFFF60]  }
0x360: {  	v56 =	vadd.s32 v11, v52;
	v55 =	vld [tilespmem:s0+$0xFFFFFFA0];
	[tilespmem:v59+s25+$0x0] =	vst.idx.msk $0xffff, v58  }
0x361: {  	v58 =	vadd.s32 v15, v35;
	[tilespmem:v57+s25+$0x0] =	vst.idx.msk $0xffff, v40;
	v57 =	vld [tilespmem:s0+$0xFFFFFFE0]  }
0x362: {  	[tilespmem:v60+s25+$0x0] =	vst.idx.msk $0xffff, v63;
	v60 =	vadd.s32 v19, v34;
	v59 =	vld [tilespmem:s0+$0x20]  }
0x363: {  	s12 =	simm.s32 $0x9;
	v38 =	vadd.s32 v32, v38;
	[tilespmem:v62+s25+$0x0] =	vst.idx.msk $0xffff, v61;
	v54 =	vld [tilespmem:s0+$0xF0]  }
0x364: {  	s5 =	simm.s32 $0x8;
	v41 =	vadd.s32 v23, v37;
	v53 =	vmov s12;
	[tilespmem:v51+s25+$0x0] =	vst.idx.msk $0xffff, v50;
	v40 =	vld [tilespmem:s0+$0x60]  }
0x365: {  	s18 =	simm.s32 $0xB;
	s19 =	simm.s32 $0xC;
	v43 =	vadd.s32 v27, v36;
	v48 =	vadd.s32 v3, v33;
	v63 =	vmov s5;
	v42 =	vld [tilespmem:s0+$0xA0];
	[tilespmem:v56+s25+$0x0] =	vst.idx.msk $0xffff, v55  }
0x366: {  	s21 =	simm.s32 $0xE;
	v44 =	vmov s18;
	v47 =	vmov s19;
	v46 =	vld [tilespmem:s0+$0xFFFFFF20];
	v39 =	vshrl.u32 v63, $0x3;
	[tilespmem:v58+s25+$0x0] =	vst.idx.msk $0xffff, v57  }
0x367: {  	s14 =	simm.s32 $0xA;
	s20 =	simm.s32 $0xD;
	v51 =	vadd.s32 v8, v45;
	v49 =	vld [tilespmem:s0+$0xFFFFFF70];
	v45 =	vshll.u32 v39, v1;
	v39 =	vmov s21;
	[tilespmem:v60+s25+$0x0] =	vst.idx.msk $0xffff, v59  }
0x368: {  	s1 =	simm.s32 $0x10;
	v52 =	vadd.s32 v12, v52;
	v50 =	vld [tilespmem:s0+$0xFFFFFFB0];
	[tilespmem:v38+s25+$0x0] =	vst.idx.msk $0xffff, v54;
	v54 =	vmov s14;
	v38 =	vmov s20;
	s14 =	simm.s32 $0xF  }
.LBB2_24:
0x369: {  	p0 =	slt.u32 s1, $0x78;
	v53 =	vshrl.u32 v53, $0x3;
	v55 =	vmov s14;
	v56 =	vld [tilespmem:s0+$0xFFFFFFF0];
	v35 =	vadd.s32 v16, v35;
	[tilespmem:v41+s25+$0x0] =	vst.idx.msk $0xffff, v40  }
0x36a: {  	v40 =	vshrl.u32 v54, $0x3;
	v34 =	vadd.s32 v20, v34;
	v41 =	vshrl.u32 v55, $0x3;
	v54 =	vld [tilespmem:s0+$0x30];
	[tilespmem:v43+s25+$0x0] =	vst.idx.msk $0xffff, v42  }
0x36b: {  	v37 =	vadd.s32 v24, v37;
	v42 =	vshrl.u32 v44, $0x3;
	v41 =	vshll.u32 v41, v1;
	[tilespmem:v48+s25+$0x0] =	vst.idx.msk $0xffff, v46;
	v43 =	vld [tilespmem:s0+$0x70]  }
0x36c: {  	v36 =	vadd.s32 v28, v36;
	v44 =	vshrl.u32 v47, $0x3;
	v41 =	vbroadcast v41, $0x0;
	[tilespmem:v51+s25+$0x0] =	vst.idx.msk $0xffff, v49;
	v46 =	vld [tilespmem:s0+$0xB0]  }
0x36d: {  	v47 =	vshll.u32 v53, v1;
	v49 =	vadd.s32 v4, v33;
	v33 =	vbroadcast v45, $0x0;
	v48 =	vld [tilespmem:s0+$0xFFFFFF30];
	[tilespmem:v52+s25+$0x0] =	vst.idx.msk $0xffff, v50;
	s0 =	sadd.s32 $0x200, s0  }
0x36e: {  	v40 =	vshll.u32 v40, v1;
	v45 =	vbroadcast v47, $0x0;
	v47 =	vld [tilespmem:s0+$0xC0];
	v50 =	vadd.s32 v29, v41;
	[tilespmem:v35+s25+$0x0] =	vst.idx.msk $0xffff, v56  }
0x36f: {  	v55 =	vbroadcast v40, $0x0;
	v52 =	vadd.s32 v0, v33;
	v35 =	vshll.u32 v42, v1;
	v51 =	vld [tilespmem:s0+$0xFFFFFF00];
	[tilespmem:v34+s25+$0x0] =	vst.idx.msk $0xffff, v54  }
0x370: {  	v42 =	vadd.s32 v5, v45;
	v35 =	vbroadcast v35, $0x0;
	v34 =	vshll.u32 v44, v1;
	v40 =	vld [tilespmem:s0+$0xFFFFFF40];
	[tilespmem:v37+s25+$0x0] =	vst.idx.msk $0xffff, v43  }
0x371: {  	v44 =	vadd.s32 v9, v55;
	v34 =	vbroadcast v34, $0x0;
	v37 =	vshrl.u32 v38, $0x3;
	v43 =	vld [tilespmem:s0+$0xFFFFFF80];
	[tilespmem:v36+s25+$0x0] =	vst.idx.msk $0xffff, v46  }
0x372: {  	v39 =	vshrl.u32 v39, $0x3;
	v46 =	vadd.s32 v13, v35;
	v36 =	vshll.u32 v37, v1;
	v38 =	vld [tilespmem:s0+$0xFFFFFFC0];
	[tilespmem:v49+s25+$0x0] =	vst.idx.msk $0xffff, v48  }
0x373: {  	v49 =	vadd.s32 v17, v34;
	v37 =	vbroadcast v36, $0x0;
	v36 =	vshll.u32 v39, v1;
	v48 =	vld [tilespmem:s0+$0x0];
	[tilespmem:v50+s25+$0x0] =	vst.idx.msk $0xffff, v47  }
0x374: {  	v36 =	vbroadcast v36, $0x0;
	v47 =	vadd.s32 v30, v41;
	[tilespmem:v52+s25+$0x0] =	vst.idx.msk $0xffff, v51;
	v39 =	vld [tilespmem:s0+$0xD0]  }
0x375: {  	[tilespmem:v42+s25+$0x0] =	vst.idx.msk $0xffff, v40;
	v40 =	vld [tilespmem:s0+$0x40];
	v42 =	vadd.s32 v21, v37  }
0x376: {  	[tilespmem:v44+s25+$0x0] =	vst.idx.msk $0xffff, v43;
	v43 =	vld [tilespmem:s0+$0x80];
	v44 =	vadd.s32 v25, v36  }
0x377: {  	v51 =	vadd.s32 v6, v45;
	v50 =	vld [tilespmem:s0+$0xFFFFFF50];
	[tilespmem:v46+s25+$0x0] =	vst.idx.msk $0xffff, v38  }
0x378: {  	v46 =	vadd.s32 v10, v55;
	v38 =	vld [tilespmem:s0+$0xFFFFFF90];
	[tilespmem:v49+s25+$0x0] =	vst.idx.msk $0xffff, v48  }
0x379: {  	v49 =	vadd.s32 v14, v35;
	v48 =	vld [tilespmem:s0+$0xFFFFFFD0];
	[tilespmem:v47+s25+$0x0] =	vst.idx.msk $0xffff, v39  }
0x37a: {  	[tilespmem:v42+s25+$0x0] =	vst.idx.msk $0xffff, v40;
	v39 =	vld [tilespmem:s0+$0xE0];
	v40 =	vadd.s32 v31, v41  }
0x37b: {  	v47 =	vadd.s32 v18, v34;
	v42 =	vld [tilespmem:s0+$0x10];
	[tilespmem:v44+s25+$0x0] =	vst.idx.msk $0xffff, v43  }
0x37c: {  	v44 =	vadd.s32 v22, v37;
	[tilespmem:v51+s25+$0x0] =	vst.idx.msk $0xffff, v50;
	v43 =	vld [tilespmem:s0+$0x50]  }
0x37d: {  	[tilespmem:v46+s25+$0x0] =	vst.idx.msk $0xffff, v38;
	v38 =	vld [tilespmem:s0+$0x90];
	v46 =	vadd.s32 v26, v36  }
0x37e: {  	v51 =	vadd.s32 v2, v33;
	v50 =	vld [tilespmem:s0+$0xFFFFFF10];
	[tilespmem:v49+s25+$0x0] =	vst.idx.msk $0xffff, v48  }
0x37f: {  	v49 =	vadd.s32 v7, v45;
	v48 =	vld [tilespmem:s0+$0xFFFFFF60];
	[tilespmem:v40+s25+$0x0] =	vst.idx.msk $0xffff, v39  }
0x380: {  	[tilespmem:v47+s25+$0x0] =	vst.idx.msk $0xffff, v42;
	v39 =	vld [tilespmem:s0+$0xF0];
	v47 =	vadd.s32 v32, v41  }
0x381: {  	v56 =	vadd.s32 v11, v55;
	v52 =	vld [tilespmem:s0+$0xFFFFFFA0];
	[tilespmem:v44+s25+$0x0] =	vst.idx.msk $0xffff, v43  }
0x382: {  	v58 =	vadd.s32 v15, v35;
	v57 =	vld [tilespmem:s0+$0xFFFFFFE0];
	[tilespmem:v46+s25+$0x0] =	vst.idx.msk $0xffff, v38  }
0x383: {  	v60 =	vadd.s32 v19, v34;
	[tilespmem:v51+s25+$0x0] =	vst.idx.msk $0xffff, v50;
	v59 =	vld [tilespmem:s0+$0x20]  }
.Ltmp11:
0x384: {  	s5 =	sadd.s32 $0x1, s1;
	v41 =	vadd.s32 v23, v37;
	v38 =	vmov s1;
	[tilespmem:v49+s25+$0x0] =	vst.idx.msk $0xffff, v48;
	v40 =	vld [tilespmem:s0+$0x60];
	(pc) =	sbr.rel @p0 .LBB2_24-.Ltmp11, $4  }
0x385: {  	s12 =	sadd.s32 $0x3, s1;
	v53 =	vmov s5;
	s5 =	sadd.s32 $0x2, s1;
	v43 =	vadd.s32 v27, v36;
	v50 =	vshrl.u32 v38, $0x3;
	v42 =	vld [tilespmem:s0+$0xA0];
	[tilespmem:v47+s25+$0x0] =	vst.idx.msk $0xffff, v39  }
0x386: {  	v54 =	vmov s5;
	s5 =	sadd.s32 $0x4, s1;
	v44 =	vmov s12;
	s12 =	sadd.s32 $0x5, s1;
	v48 =	vadd.s32 v3, v33;
	v46 =	vld [tilespmem:s0+$0xFFFFFF20];
	[tilespmem:v56+s25+$0x0] =	vst.idx.msk $0xffff, v52  }
0x387: {  	v38 =	vmov s12;
	v51 =	vadd.s32 v8, v45;
	v47 =	vmov s5;
	s5 =	sadd.s32 $0x6, s1;
	v49 =	vld [tilespmem:s0+$0xFFFFFF70];
	[tilespmem:v58+s25+$0x0] =	vst.idx.msk $0xffff, v57  }
0x388: {  	s14 =	sadd.s32 $0x7, s1;
	v45 =	vshll.u32 v50, v1;
	s1 =	sadd.s32 $0x8, s1;
	v39 =	vmov s5;
	v52 =	vadd.s32 v12, v55;
	v50 =	vld [tilespmem:s0+$0xFFFFFFB0];
	[tilespmem:v60+s25+$0x0] =	vst.idx.msk $0xffff, v59  }
0x389: {  	_ =	sdelay $0x2  }
0x38a: {  	v53 =	vshrl.u32 v53, $0x3  }
0x38b: {  	v55 =	vmov s14;
	v56 =	vld [tilespmem:s0+$0xFFFFFFF0];
	v35 =	vadd.s32 v16, v35;
	[tilespmem:v41+s25+$0x0] =	vst.idx.msk $0xffff, v40;
	v57 =	vshrl.u32 v54, $0x3  }
0x38c: {  	v59 =	vld [tilespmem:s0+$0x30];
	v34 =	vadd.s32 v20, v34;
	v60 =	vshrl.u32 v44, $0x3;
	v58 =	vshrl.u32 v55, $0x3;
	[tilespmem:v43+s25+$0x0] =	vst.idx.msk $0xffff, v42  }
0x38d: {  	v37 =	vadd.s32 v24, v37;
	v62 =	vshrl.u32 v47, $0x3;
	v61 =	vld [tilespmem:s0+$0x70];
	v41 =	vshll.u32 v58, v1;
	[tilespmem:v48+s25+$0x0] =	vst.idx.msk $0xffff, v46  }
0x38e: {  	v36 =	vadd.s32 v28, v36;
	v45 =	vbroadcast v45, $0x0;
	v63 =	vld [tilespmem:s0+$0xB0];
	v41 =	vbroadcast v41, $0x0;
	[tilespmem:v51+s25+$0x0] =	vst.idx.msk $0xffff, v49  }
0x38f: {  	v33 =	vadd.s32 v4, v33;
	s14 =	sadd.s32 $0x200, s0;
	v38 =	vshrl.u32 v38, $0x3;
	v55 =	vshll.u32 v53, v1;
	v48 =	vld [tilespmem:s0+$0xFFFFFF30];
	[tilespmem:v52+s25+$0x0] =	vst.idx.msk $0xffff, v50  }
0x390: {  	v40 =	vshll.u32 v57, v1;
	v47 =	vbroadcast v55, $0x0;
	v49 =	vld [tilespmem:s14+$0xC0];
	v50 =	vadd.s32 v29, v41;
	[tilespmem:v35+s25+$0x0] =	vst.idx.msk $0xffff, v56  }
0x391: {  	v42 =	vshll.u32 v60, v1;
	v40 =	vbroadcast v40, $0x0;
	v35 =	vld [tilespmem:s14+$0xFFFFFF00];
	v56 =	vadd.s32 v0, v45;
	[tilespmem:v34+s25+$0x0] =	vst.idx.msk $0xffff, v59  }
0x392: {  	v57 =	vld [tilespmem:s14+$0xFFFFFF40];
	v44 =	vshll.u32 v62, v1;
	v42 =	vbroadcast v42, $0x0;
	v58 =	vadd.s32 v5, v47;
	[tilespmem:v37+s25+$0x0] =	vst.idx.msk $0xffff, v61  }
0x393: {  	v38 =	vshll.u32 v38, v1;
	v44 =	vbroadcast v44, $0x0;
	v60 =	vadd.s32 v9, v40;
	v59 =	vld [tilespmem:s14+$0xFFFFFF80];
	[tilespmem:v36+s25+$0x0] =	vst.idx.msk $0xffff, v63  }
0x394: {  	v38 =	vbroadcast v38, $0x0;
	v62 =	vadd.s32 v13, v42;
	v61 =	vld [tilespmem:s14+$0xFFFFFFC0];
	[tilespmem:v33+s25+$0x0] =	vst.idx.msk $0xffff, v48  }
0x395: {  	v39 =	vshrl.u32 v39, $0x3;
	v63 =	vadd.s32 v17, v44;
	v33 =	vld [tilespmem:s14+$0x0];
	[tilespmem:v50+s25+$0x0] =	vst.idx.msk $0xffff, v49  }
0x396: {  	v39 =	vshll.u32 v39, v1;
	v34 =	vld [tilespmem:s14+$0x40];
	[tilespmem:v56+s25+$0x0] =	vst.idx.msk $0xffff, v35;
	v56 =	vadd.s32 v21, v38  }
0x397: {  	[tilespmem:v58+s25+$0x0] =	vst.idx.msk $0xffff, v57;
	v35 =	vbroadcast v39, $0x0;
	v49 =	vadd.s32 v30, v41;
	v39 =	vld [tilespmem:s14+$0xD0]  }
0x398: {  	[tilespmem:v60+s25+$0x0] =	vst.idx.msk $0xffff, v59;
	v59 =	vld [tilespmem:s14+$0xFFFFFF50];
	v60 =	vadd.s32 v6, v47  }
0x399: {  	v57 =	vld [tilespmem:s14+$0x80];
	[tilespmem:v62+s25+$0x0] =	vst.idx.msk $0xffff, v61;
	v58 =	vadd.s32 v25, v35  }
0x39a: {  	v61 =	vld [tilespmem:s14+$0xFFFFFF90];
	v62 =	vadd.s32 v10, v40;
	[tilespmem:v63+s25+$0x0] =	vst.idx.msk $0xffff, v33  }
0x39b: {  	v33 =	vld [tilespmem:s14+$0xFFFFFFD0];
	v63 =	vadd.s32 v14, v42;
	[tilespmem:v56+s25+$0x0] =	vst.idx.msk $0xffff, v34  }
0x39c: {  	v56 =	vadd.s32 v18, v44;
	[tilespmem:v49+s25+$0x0] =	vst.idx.msk $0xffff, v39;
	v49 =	vld [tilespmem:s14+$0x10]  }
0x39d: {  	[tilespmem:v60+s25+$0x0] =	vst.idx.msk $0xffff, v59;
	v39 =	vadd.s32 v31, v41;
	v34 =	vld [tilespmem:s14+$0xE0]  }
0x39e: {  	[tilespmem:v58+s25+$0x0] =	vst.idx.msk $0xffff, v57;
	v57 =	vld [tilespmem:s14+$0x50];
	v58 =	vadd.s32 v22, v38  }
0x39f: {  	[tilespmem:v62+s25+$0x0] =	vst.idx.msk $0xffff, v61;
	v61 =	vld [tilespmem:s14+$0xFFFFFF10];
	v62 =	vadd.s32 v2, v45  }
0x3a0: {  	v60 =	vadd.s32 v26, v35;
	v59 =	vld [tilespmem:s14+$0x90];
	[tilespmem:v63+s25+$0x0] =	vst.idx.msk $0xffff, v33  }
0x3a1: {  	v55 =	vadd.s32 v11, v40;
	v54 =	vadd.s32 v32, v41;
	v41 =	vld [tilespmem:s14+$0xFFFFFFA0];
	[tilespmem:v56+s25+$0x0] =	vst.idx.msk $0xffff, v49  }
0x3a2: {  	v53 =	vadd.s32 v7, v47;
	v63 =	vld [tilespmem:s14+$0xFFFFFF60];
	[tilespmem:v39+s25+$0x0] =	vst.idx.msk $0xffff, v34  }
0x3a3: {  	v56 =	vld [tilespmem:s14+$0xFFFFFFE0];
	[tilespmem:v58+s25+$0x0] =	vst.idx.msk $0xffff, v57;
	v57 =	vadd.s32 v15, v42  }
0x3a4: {  	[tilespmem:v62+s25+$0x0] =	vst.idx.msk $0xffff, v61;
	v34 =	vld [tilespmem:s14+$0xF0]  }
0x3a5: {  	v58 =	vld [tilespmem:s14+$0x20];
	[tilespmem:v60+s25+$0x0] =	vst.idx.msk $0xffff, v59;
	v59 =	vadd.s32 v19, v44  }
0x3a6: {  	v61 =	vadd.s32 v23, v38;
	[tilespmem:v55+s25+$0x0] =	vst.idx.msk $0xffff, v41;
	v60 =	vld [tilespmem:s14+$0x60]  }
0x3a7: {  	[tilespmem:v53+s25+$0x0] =	vst.idx.msk $0xffff, v63;
	v63 =	vadd.s32 v27, v35;
	v62 =	vld [tilespmem:s14+$0xA0]  }
0x3a8: {  	v47 =	vadd.s32 v8, v47;
	v55 =	vld [tilespmem:s14+$0xFFFFFF70];
	[tilespmem:v57+s25+$0x0] =	vst.idx.msk $0xffff, v56  }
0x3a9: {  	v53 =	vld [tilespmem:s14+$0xFFFFFF20];
	[tilespmem:v54+s25+$0x0] =	vst.idx.msk $0xffff, v34;
	v54 =	vadd.s32 v3, v45  }
0x3aa: {  	v40 =	vadd.s32 v12, v40;
	v56 =	vld [tilespmem:s14+$0xFFFFFFB0];
	[tilespmem:v59+s25+$0x0] =	vst.idx.msk $0xffff, v58  }
0x3ab: {  	v42 =	vadd.s32 v16, v42;
	v57 =	vld [tilespmem:s14+$0xFFFFFFF0];
	[tilespmem:v61+s25+$0x0] =	vst.idx.msk $0xffff, v60  }
0x3ac: {  	v59 =	vadd.s32 v20, v44;
	v58 =	vld [tilespmem:s14+$0x30];
	[tilespmem:v63+s25+$0x0] =	vst.idx.msk $0xffff, v62  }
0x3ad: {  	v38 =	vadd.s32 v24, v38;
	v60 =	vld [tilespmem:s14+$0x70];
	[tilespmem:v47+s25+$0x0] =	vst.idx.msk $0xffff, v55  }
0x3ae: {  	v35 =	vadd.s32 v28, v35;
	v61 =	vld [tilespmem:s14+$0xB0];
	[tilespmem:v54+s25+$0x0] =	vst.idx.msk $0xffff, v53  }
0x3af: {  	v63 =	vadd.s32 v4, v45;
	[tilespmem:v40+s25+$0x0] =	vst.idx.msk $0xffff, v56;
	v62 =	vld [tilespmem:s14+$0xFFFFFF30]  }
0x3b0: {  	[tilespmem:v42+s25+$0x0] =	vst.idx.msk $0xffff, v57  }
0x3b1: {  	[tilespmem:v59+s25+$0x0] =	vst.idx.msk $0xffff, v58  }
0x3b2: {  	[tilespmem:v38+s25+$0x0] =	vst.idx.msk $0xffff, v60  }
0x3b3: {  	[tilespmem:v35+s25+$0x0] =	vst.idx.msk $0xffff, v61  }
0x3b4: {  	s18 =	simm.s32 $0xBB00;
	[tilespmem:v63+s25+$0x0] =	vst.idx.msk $0xffff, v62  }
0x3b5: {  	[hbm4b:s11+s3] =	stream.linear.scatter [tilespmem:s18], [sflag:$0x6], $0x80, $0x38;
	[tilespmem:$0xDD00] =	vst v63  }
0x3b6: {  	s19 =	simm.s32 $0xBB88;
	s1 =	sadd.s32 $0x10, s11  }
0x3b7: {  	[hbm4b:s1+s3] =	stream.linear.scatter [tilespmem:s19], [sflag:$0x6], $0x80, $0x38;
	[tilespmem:$0xDD00] =	vst v63  }
0x3b8: {  	s20 =	simm.s32 $0xBC10;
	s21 =	sadd.s32 $0x20, s11;
	s5 =	sadd.s32 $0x30, s11  }
0x3b9: {  	[hbm4b:s21+s3] =	stream.linear.scatter [tilespmem:s20], [sflag:$0x6], $0x80, $0x38;
	[tilespmem:$0xDD00] =	vst v63  }
0x3ba: {  	s12 =	simm.s32 $0xBD20;
	s0 =	simm.s32 $0x440;
	s1 =	simm.s32 $0xBC98  }
0x3bb: {  	[hbm4b:s5+s3] =	stream.linear.scatter [tilespmem:s1], [sflag:$0x6], $0x80, $0x38;
	[tilespmem:$0xDD00] =	vst v63  }
0x3bc: {  	s14 =	sadd.s32 $0x40, s11;
	s18 =	simm.s32 $0xBDA8;
	s19 =	sadd.s32 $0x50, s11  }
0x3bd: {  	[hbm4b:s14+s3] =	stream.linear.scatter [tilespmem:s12], [sflag:$0x6], $0x80, $0x38;
	[tilespmem:$0xDD00] =	vst v63  }
0x3be: {  	s20 =	simm.s32 $0xBE30;
	s21 =	sadd.s32 $0x60, s11;
	s5 =	sadd.s32 $0x70, s11  }
0x3bf: {  	[hbm4b:s19+s3] =	stream.linear.scatter [tilespmem:s18], [sflag:$0x6], $0x80, $0x38;
	[tilespmem:$0xDD00] =	vst v63  }
0x3c0: {  	s1 =	sadd.s32 $0x1000, s11;
	s14 =	simm.s32 $0x2200;
	s18 =	simm.s32 $0xBEB8  }
0x3c1: {  	[hbm4b:s21+s3] =	stream.linear.scatter [tilespmem:s20], [sflag:$0x6], $0x80, $0x38;
	[tilespmem:$0xDD00] =	vst v63  }
.LBB2_26:
0x3c2: {  	[hbm4b:s5+s3] =	stream.linear.scatter [tilespmem:s18], [sflag:$0x6], $0x80, $0x38;
	[tilespmem:$0xDD00] =	vst v63  }
0x3c3: {  	s5 =	smov.u32 s0;
	s0 =	smov.u32 s14  }
0x3c4: {  	s12 =	sadd.s32 $0x1100, s14;
	s0 =	sshra.s32 s0, $0x2;
	s18 =	sadd.s32 $0xBB00, s5  }
0x3c5: {  	[hbm4b:s1+s3] =	stream.linear.scatter [tilespmem:s18], [sflag:$0x6], $0x80, $0x38;
	[tilespmem:$0xDD00] =	vst v63  }
0x3c6: {  	p0 =	sne.s32 s14, $0x7700;
	s14 =	sadd.s32 $0xBB88, s5;
	s18 =	sadd.s32 $0x10, s1  }
0x3c7: {  	[hbm4b:s18+s3] =	stream.linear.scatter [tilespmem:s14], [sflag:$0x6], $0x80, $0x38;
	[tilespmem:$0xDD00] =	vst v63  }
0x3c8: {  	s14 =	sadd.s32 $0xBC10, s5;
	s18 =	sadd.s32 $0x20, s1  }
0x3c9: {  	[hbm4b:s18+s3] =	stream.linear.scatter [tilespmem:s14], [sflag:$0x6], $0x80, $0x38;
	[tilespmem:$0xDD00] =	vst v63  }
0x3ca: {  	s14 =	sadd.s32 $0xBC98, s5;
	s18 =	sadd.s32 $0x30, s1  }
0x3cb: {  	[hbm4b:s18+s3] =	stream.linear.scatter [tilespmem:s14], [sflag:$0x6], $0x80, $0x38;
	[tilespmem:$0xDD00] =	vst v63  }
0x3cc: {  	s14 =	sadd.s32 $0xBD20, s5;
	s18 =	sadd.s32 $0x40, s1  }
0x3cd: {  	[hbm4b:s18+s3] =	stream.linear.scatter [tilespmem:s14], [sflag:$0x6], $0x80, $0x38;
	[tilespmem:$0xDD00] =	vst v63  }
0x3ce: {  	s14 =	sadd.s32 $0xBDA8, s5;
	s18 =	sadd.s32 $0x50, s1  }
0x3cf: {  	[hbm4b:s18+s3] =	stream.linear.scatter [tilespmem:s14], [sflag:$0x6], $0x80, $0x38;
	[tilespmem:$0xDD00] =	vst v63  }
.Ltmp12:
0x3d0: {  	_ = 	snop;
	(pc) =	sbr.rel @p0 .LBB2_26-.Ltmp12, $4  }
0x3d1: {  	s14 =	sadd.s32 $0xBE30, s5;
	s18 =	sadd.s32 $0x60, s1  }
0x3d2: {  	[hbm4b:s18+s3] =	stream.linear.scatter [tilespmem:s14], [sflag:$0x6], $0x80, $0x38;
	[tilespmem:$0xDD00] =	vst v63  }
0x3d3: {  	s18 =	sadd.s32 $0xBEB8, s5  }
0x3d4: {  	s5 =	sadd.s32 $0x70, s1;
	s1 =	sadd.s32 $0x1000, s1;
	s14 =	smov.u32 s12  }
0x3d5: {  	[hbm4b:s5+s3] =	stream.linear.scatter [tilespmem:s18], [sflag:$0x6], $0x80, $0x38;
	[tilespmem:$0xDD00] =	vst v63  }
0x3d6: {  	s18 =	sadd.s32 $0xBB00, s0  }
0x3d7: {  	[hbm4b:s1+s3] =	stream.linear.scatter [tilespmem:s18], [sflag:$0x6], $0x80, $0x38;
	[tilespmem:$0xDD00] =	vst v63  }
0x3d8: {  	s19 =	sadd.s32 $0xBB88, s0;
	s12 =	sadd.s32 $0x10, s1  }
0x3d9: {  	[hbm4b:s12+s3] =	stream.linear.scatter [tilespmem:s19], [sflag:$0x6], $0x80, $0x38;
	[tilespmem:$0xDD00] =	vst v63  }
0x3da: {  	s20 =	sadd.s32 $0xBC10, s0;
	s21 =	sadd.s32 $0x20, s1  }
0x3db: {  	[hbm4b:s21+s3] =	stream.linear.scatter [tilespmem:s20], [sflag:$0x6], $0x80, $0x38;
	[tilespmem:$0xDD00] =	vst v63  }
0x3dc: {  	s14 =	sadd.s32 $0x30, s1;
	s12 =	sadd.s32 $0xBC98, s0  }
0x3dd: {  	[hbm4b:s14+s3] =	stream.linear.scatter [tilespmem:s12], [sflag:$0x6], $0x80, $0x38;
	[tilespmem:$0xDD00] =	vst v63  }
0x3de: {  	s18 =	sadd.s32 $0xBD20, s0;
	s19 =	sadd.s32 $0x40, s1  }
0x3df: {  	[hbm4b:s19+s3] =	stream.linear.scatter [tilespmem:s18], [sflag:$0x6], $0x80, $0x38;
	[tilespmem:$0xDD00] =	vst v63  }
0x3e0: {  	s20 =	sadd.s32 $0xBDA8, s0;
	s21 =	sadd.s32 $0x50, s1  }
0x3e1: {  	[hbm4b:s21+s3] =	stream.linear.scatter [tilespmem:s20], [sflag:$0x6], $0x80, $0x38;
	[tilespmem:$0xDD00] =	vst v63  }
0x3e2: {  	s14 =	sadd.s32 $0xBE30, s0;
	s18 =	sadd.s32 $0x60, s1  }
0x3e3: {  	[hbm4b:s18+s3] =	stream.linear.scatter [tilespmem:s14], [sflag:$0x6], $0x80, $0x38;
	[tilespmem:$0xDD00] =	vst v63  }
0x3e4: {  	s19 =	sadd.s32 $0xBEB8, s0;
	s20 =	sadd.s32 $0x70, s1  }
0x3e5: {  	[hbm4b:s20+s3] =	stream.linear.scatter [tilespmem:s19], [sflag:$0x6], $0x80, $0x38;
	[tilespmem:$0xDD00] =	vst v63  }
0x3e6: {  	_ =	swait.ge [sflag:s28], $0x2000  }
0x3e7: {  	[sflag:s28] =	ssyncset.done $0x0  }
0x3e8: {  	[sflag:s28] =	ssyncadd.s32 $0xFFFFE000  }
0x3e9: {  	_ =	swait.ge [sflag:s30], $0x2000  }
0x3ea: {  	s31 =	sadd.s32 $0x1, s31;
	s21 =	rddreg [dreg:$0x4]  }
0x3eb: {  	p0 =	sne.s32 s31, s21  }
.Ltmp13:
0x3ec: {  	_ = 	snop;
	(pc) =	sbr.rel @p0 .LBB2_1-.Ltmp13, $3  }
0x3ed: {  	_ =	sdelay $0x1  }
0x3ee: {  	[sflag:s30] =	ssyncset.done $0x0  }
0x3ef: {  	[sflag:s30] =	ssyncadd.s32 $0xFFFFE000  }
0x3f0: {  	_ =	sfence.sel $0x180000  }
0x3f1: {  	[bflag:$0x0] =	sbarrier.arrive $0xFFFF  }
0x3f2: {  	_ =	strace $0x90000047  }
0x3f3: {  	s0 =	stileid.u32;
	[bflag:$0x2] =	sbarrier.arrive $0xFFFF  }
0x3f4: {  	p0 =	sne.s32 s0, $0x0;
	s0 =	rddreg [dreg:$0x2]  }
0x3f5: {  	s0 =	sadd.s32 @!p0 $0x100000, s0  }
0x3f6: {  	[sflag:s0] =	ssyncadd.tile.s32 @!p0 $0x1;
	_ =	shalt  }
.Lfunc_end2:
_tile_overlayer_lowered:
.L_overlay_start_2:
0x3f7: {  	(tag) =	ssettag $0x2  }
0x3f8: {  	s0 =	rddreg [dreg:$0x0];
	s2 =	stileid.u32  }
0x3f9: {  	s1 =	rddreg [dreg:$0x1];
	p0 =	sne.s32 s2, $0x0  }
0x3fa: {  	s3 =	rddreg [dreg:$0x2];
	[bflag:$0x3] =	sbarrier.arrive $0xFFFF;
	s2 =	simm.s32 @!p0 $0x1C07  }
0x3fb: {  	[timem:s3], [sflag:s2] =	dma.local @!p0 [hbm:s0], s1  }
0x3fc: {  	s0 =	simm.s32 @!p0 $0x7  }
0x3fd: {  	_ =	swait.ge @!p0 [sflag:s0], s1  }
0x3fe: {  	s1 =	ssub.s32 @!p0 $0x0, s1;
	[sflag:s0] =	ssyncset.done @!p0 $0x0  }
0x3ff: {  	[sflag:s0] =	ssyncadd.s32 @!p0 s1  }
0x400: {  	[bflag:$0x3] =	sbarrier.arrive $0xFFFF  }
0x401: {  	_ =	shalt  }

</sc_bundles>
